<compile_context>
chip_gen: v7x
topology: tpu7x:2x2x1
jax: 0.10.2.dev20260603
libtpu: 0.0.44.dev20260713+nightly
codegen_flags: <defaults>
</compile_context>

<pallas_src>
import functools

import jax
import jax.numpy as jnp
from jax import lax
from jax.experimental import pallas as pl
from jax.experimental.pallas import tpu as pltpu
from jax.experimental.pallas import tpu_sc as plsc

B = 16384
D = 64
H = 128
NU = 1000000
NCOMM = 100000

NC = 2
NS = 16
NW = NC * NS
BPW = B // NW
QTR = BPW // 4
HALF = BPW // 2


@functools.lru_cache(maxsize=None)
def _build_sc_gather():
    mesh = plsc.VectorSubcoreMesh(core_axis_name="c", subcore_axis_name="s")

    @functools.partial(
        pl.kernel,
        mesh=mesh,
        out_type=(
            jax.ShapeDtypeStruct((B, D), jnp.float32),
            jax.ShapeDtypeStruct((B, D), jnp.float32),
        ),
        scratch_types=[
            pltpu.VMEM((BPW,), jnp.int32),
            pltpu.VMEM((HALF, D), jnp.float32),
            pltpu.SemaphoreType.DMA,
        ],
    )
    def sc_gather(uidx_hbm, cidx_hbm, utab_hbm, ctab_hbm, uout_hbm, cout_hbm,
                  idx_v, rows_v, sem):
        wid = lax.axis_index("s") * NC + lax.axis_index("c")
        base = wid * BPW

        for idx_hbm, tab_hbm, out_hbm in ((uidx_hbm, utab_hbm, uout_hbm),
                                          (cidx_hbm, ctab_hbm, cout_hbm)):
            pltpu.sync_copy(idx_hbm.at[pl.ds(base, BPW)], idx_v)
            for h in range(2):

                def fire(g, _, tab_hbm=tab_hbm, h=h):
                    vec = idx_v[pl.ds(h * HALF + g * 16, 16)]
                    tvec = lax.shift_right_logical(vec, 3)
                    svec = lax.bitwise_and(vec, 7)
                    for k in range(16):
                        pltpu.async_copy(
                            tab_hbm.at[tvec[k], svec[k]],
                            rows_v.at[g * 16 + k], sem)
                    return _

                lax.fori_loop(0, HALF // 16, fire, None)

                def drain(r, _, tab_hbm=tab_hbm):
                    pltpu.make_async_copy(
                        tab_hbm.at[0, 0], rows_v.at[r], sem).wait()
                    return _

                lax.fori_loop(0, HALF, drain, None)
                pltpu.sync_copy(rows_v, out_hbm.at[pl.ds(base + h * HALF, HALF)])

    return sc_gather


BM = 2048


def _mlp_body(ue_r, ce_r, ut_r, ct_r, wtag_r, btag_r, w1_r, b1_r, w2_r, b2_r,
              w3_r, b3_r, out_r):
    f32 = jnp.float32
    utf = jnp.maximum(
        jnp.dot(ut_r[...], wtag_r[...], preferred_element_type=f32) + btag_r[...], 0.0)
    ctf = jnp.maximum(
        jnp.dot(ct_r[...], wtag_r[...], preferred_element_type=f32) + btag_r[...], 0.0)
    x = jnp.concatenate([ue_r[...], ce_r[...], utf, ctf], axis=1)
    h = jnp.maximum(jnp.dot(x, w1_r[...], preferred_element_type=f32) + b1_r[...], 0.0)
    h = jnp.maximum(jnp.dot(h, w2_r[...], preferred_element_type=f32) + b2_r[...], 0.0)
    z = jnp.dot(h, w3_r[...], preferred_element_type=f32) + b3_r[...]
    out_r[...] = jax.nn.sigmoid(z)


_mlp = pl.pallas_call(
    _mlp_body,
    grid=(B // BM,),
    in_specs=[
        pl.BlockSpec((BM, D), lambda i: (i, 0)),
        pl.BlockSpec((BM, D), lambda i: (i, 0)),
        pl.BlockSpec((BM, D), lambda i: (i, 0)),
        pl.BlockSpec((BM, D), lambda i: (i, 0)),
        pl.BlockSpec((D, H), lambda i: (0, 0)),
        pl.BlockSpec((1, H), lambda i: (0, 0)),
        pl.BlockSpec((2 * D + 2 * H, 2 * H), lambda i: (0, 0)),
        pl.BlockSpec((1, 2 * H), lambda i: (0, 0)),
        pl.BlockSpec((2 * H, H), lambda i: (0, 0)),
        pl.BlockSpec((1, H), lambda i: (0, 0)),
        pl.BlockSpec((H, 1), lambda i: (0, 0)),
        pl.BlockSpec((1, 1), lambda i: (0, 0)),
    ],
    out_specs=pl.BlockSpec((BM, 1), lambda i: (i, 0)),
    out_shape=jax.ShapeDtypeStruct((B, 1), jnp.float32),
)


def kernel(user_idx, community_idx, user_tag_embedding, community_tag_embedding,
           user_table, community_table, W_tag, b_tag, W1, b1, W2, b2, W3, b3):
    uidx = user_idx.astype(jnp.int32)
    cidx = community_idx.astype(jnp.int32)
    utab3 = user_table.reshape(NU // 8, 8, D)
    ctab3 = community_table.reshape(NCOMM // 8, 8, D)
    ue, ce = _build_sc_gather()(uidx, cidx, utab3, ctab3)
    return _mlp(ue, ce, user_tag_embedding, community_tag_embedding,
                W_tag, b_tag.reshape(1, H), W1, b1.reshape(1, 2 * H),
                W2, b2.reshape(1, H), W3, b3.reshape(1, 1))

# --- scband reference (transcript-rebuilt; emitter-appended) ---
"""Pipeline reference for scband-deep-community-recommender-90769838833714 (READ-ONLY COPY).

The authoritative reference and input builder live on the scoring server;
editing this copy changes nothing except your own understanding.
"""

import jax, jax.numpy as jnp
import numpy as np

B = 16384
NU = 1000000
NC = 100000
D = 64
H = 128

def setup_inputs(seed: int = 0) -> dict:
    key = jax.random.key(seed)
    ks = jax.random.split(key, 12)
    inp = {}
    inp["user_idx"] = jax.random.randint(ks[0], (B,), 0, NU)
    inp["community_idx"] = jax.random.randint(ks[1], (B,), 0, NC)
    inp["user_tag_embedding"] = jax.random.normal(ks[2], (B, D), dtype=jnp.float32)
    inp["community_tag_embedding"] = jax.random.normal(ks[3], (B, D), dtype=jnp.float32)
    inp["user_table"] = jax.random.normal(ks[4], (NU, D), dtype=jnp.float32) * 0.02
    inp["community_table"] = jax.random.normal(ks[5], (NC, D), dtype=jnp.float32) * 0.02
    inp["W_tag"] = jax.random.normal(ks[6], (D, H), dtype=jnp.float32) / np.sqrt(D)
    inp["b_tag"] = jnp.zeros((H,), dtype=jnp.float32)
    inp["W1"] = jax.random.normal(ks[7], (2 * D + 2 * H, 2 * H), dtype=jnp.float32) / np.sqrt(2 * D + 2 * H)
    inp["b1"] = jnp.zeros((2 * H,), dtype=jnp.float32)
    inp["W2"] = jax.random.normal(ks[8], (2 * H, H), dtype=jnp.float32) / np.sqrt(2 * H)
    inp["b2"] = jnp.zeros((H,), dtype=jnp.float32)
    inp["W3"] = jax.random.normal(ks[9], (H, 1), dtype=jnp.float32) / np.sqrt(H)
    inp["b3"] = jnp.zeros((1,), dtype=jnp.float32)
    return inp

def reference(user_idx, community_idx, user_tag_embedding, community_tag_embedding,
              user_table, community_table, W_tag, b_tag, W1, b1, W2, b2, W3, b3):
    # embedding lookups (gather)
    user_emb = jnp.take(user_table, user_idx, axis=0)
    community_emb = jnp.take(community_table, community_idx, axis=0)
    # shared tag transform (dropout inactive in eval)
    user_tag_features = jax.nn.relu(user_tag_embedding @ W_tag + b_tag)
    community_tag_features = jax.nn.relu(community_tag_embedding @ W_tag + b_tag)
    combined = jnp.concatenate([user_emb, community_emb, user_tag_features, community_tag_features], axis=1)
    h = jax.nn.relu(combined @ W1 + b1)
    h = jax.nn.relu(h @ W2 + b2)
    out = jax.nn.sigmoid(h @ W3 + b3)
    return out

if __name__ == "__main__":
    import jax
    _d = setup_inputs()
    print(jax.jit(kernel)(*tuple(_d.values())))

</pallas_src>

<mosaic_0001>
#map = affine_map<(d0, d1) -> (0)>
#map1 = affine_map<(d0, d1) -> (0, 0, 0)>
#map2 = affine_map<(d0, d1) -> (0, 0)>
module attributes {stable_mosaic.version = 14 : i64} {
  func.func @sc_gather(%arg0: i32, %arg1: i32, %arg2: memref<16384xi32, #tpu.memory_space<hbm>>, %arg3: memref<16384xi32, #tpu.memory_space<hbm>>, %arg4: memref<125000x8x64xf32, #tpu.memory_space<hbm>>, %arg5: memref<12500x8x64xf32, #tpu.memory_space<hbm>>, %arg6: memref<16384x64xf32, #tpu.memory_space<hbm>>, %arg7: memref<16384x64xf32, #tpu.memory_space<hbm>>, %arg8: memref<512xi32, #tpu.memory_space<vmem>>, %arg9: memref<256x64xf32, #tpu.memory_space<vmem>>, %arg10: memref<!tpu.dma_semaphore, #tpu.memory_space<semaphore_mem>>) attributes {dimension_semantics = [#tpu.dimension_semantics<core_parallel>, #tpu.dimension_semantics<subcore_parallel>], iteration_bounds = array<i64: 2, 16>, scalar_prefetch = 0 : i64, scratch_operands = 3 : i64, tpu.core_type = #tpu.core_type<sc_vector_subcore>, window_params = [{transform_indices = #map}, {transform_indices = #map}, {transform_indices = #map1}, {transform_indices = #map1}, {transform_indices = #map2}, {transform_indices = #map2}]} {
    %mul3A = arith.constant 100000 : i32
    %mul3A_0 = arith.muli %arg1, %mul3A : i32
    %add3A = arith.addi %mul3A_0, %arg0 : i32
    %mul3A_1 = arith.constant 512 : i32
    %mul3A_2 = arith.muli %add3A, %mul3A_1 : i32
    "tpu.region"() ({
      %run_scoped3A = tpu.sem_alloc : memref<!tpu.dma_semaphore, #tpu.memory_space<semaphore_mem>>
      %dma_start3A = tpu.memref_slice %arg2[%mul3A_2] : memref<16384xi32, #tpu.memory_space<hbm>> -> memref<512xi32, #tpu.memory_space<hbm>>
      %dma_start3A_50 = tpu.memref_slice %arg2[%mul3A_2] : memref<16384xi32, #tpu.memory_space<hbm>> -> memref<512xi32, #tpu.memory_space<hbm>>
      tpu.enqueue_dma source(%dma_start3A_50 : memref<512xi32, #tpu.memory_space<hbm>>) target(%arg8 : memref<512xi32, #tpu.memory_space<vmem>>) target_semaphore(%run_scoped3A : memref<!tpu.dma_semaphore, #tpu.memory_space<semaphore_mem>>)
      %dma_wait3A = tpu.memref_slice %arg2[%mul3A_2] : memref<16384xi32, #tpu.memory_space<hbm>> -> memref<512xi32, #tpu.memory_space<hbm>>
      %dma_wait3A_51 = tpu.memref_slice %arg2[%mul3A_2] : memref<16384xi32, #tpu.memory_space<hbm>> -> memref<512xi32, #tpu.memory_space<hbm>>
      tpu.wait_dma2 semaphore(%run_scoped3A : memref<!tpu.dma_semaphore, #tpu.memory_space<semaphore_mem>>) src(%dma_wait3A_51 : memref<512xi32, #tpu.memory_space<hbm>>) dst(%arg8 : memref<512xi32, #tpu.memory_space<vmem>>)
      tpu.yield
    }) : () -> ()
    %scan3A = arith.constant 0 : i32
    %scan3A_3 = arith.constant 16 : i32
    %scan3A_4 = arith.addi %scan3A, %scan3A_3 : i32
    %scan3A_5 = arith.constant 1 : i32
    scf.for %scan3A_50 = %scan3A to %scan3A_4 step %scan3A_5  : i32 {
      %mul3A_51 = arith.constant 16 : i32
      %mul3A_52 = arith.muli %scan3A_50, %mul3A_51 : i32
      %add3A_53 = arith.constant 0 : i32
      %add3A_54 = arith.addi %add3A_53, %mul3A_52 : i32
      %get3A = arith.index_cast %add3A_54 : i32 to index
      %get3A_55 = tpu.vector_load %arg8[%get3A] {strides = array<i32>} : memref<512xi32, #tpu.memory_space<vmem>>, vector<16xi32>,
      %get3A_56 = vector.shape_cast %get3A_55 : vector<16xi32> to vector<16xi32>
      %shift_right_logical3A = arith.constant 3 : i32
      %shift_right_logical3A_57 = vector.broadcast %shift_right_logical3A : i32 to vector<16xi32>
      %shift_right_logical3A_58 = arith.shrui %get3A_56, %shift_right_logical3A_57 : vector<16xi32>
      %and3A = arith.constant 7 : i32
      %and3A_59 = vector.broadcast %and3A : i32 to vector<16xi32>
      %and3A_60 = arith.andi %get3A_56, %and3A_59 : vector<16xi32>
      %slice3A = vector.extract_strided_slice %shift_right_logical3A_58 {offsets = [0], sizes = [1], strides = [1]} : vector<16xi32> to vector<1xi32>
      %squeeze3A = vector.extract %slice3A[0] : i32 from vector<1xi32>
      %slice3A_61 = vector.extract_strided_slice %and3A_60 {offsets = [0], sizes = [1], strides = [1]} : vector<16xi32> to vector<1xi32>
      %squeeze3A_62 = vector.extract %slice3A_61[0] : i32 from vector<1xi32>
      %mul3A_63 = arith.constant 16 : i32
      %mul3A_64 = arith.muli %scan3A_50, %mul3A_63 : i32
      %add3A_65 = arith.constant 0 : i32
      %add3A_66 = arith.addi %mul3A_64, %add3A_65 : i32
      %dma_start3A = arith.constant 0 : i32
      %dma_start3A_67 = tpu.memref_slice %arg9[%add3A_66, %dma_start3A] : memref<256x64xf32, #tpu.memory_space<vmem>> -> memref<1x64xf32, #tpu.memory_space<vmem>>
      %dma_start3A_68 = tpu.memref_squeeze %dma_start3A_67 : memref<1x64xf32, #tpu.memory_space<vmem>> -> memref<64xf32, #tpu.memory_space<vmem>>
      %dma_start3A_69 = arith.constant 0 : i32
      %dma_start3A_70 = tpu.memref_slice %arg4[%squeeze3A, %squeeze3A_62, %dma_start3A_69] : memref<125000x8x64xf32, #tpu.memory_space<hbm>> -> memref<1x1x64xf32, #tpu.memory_space<hbm>>
      %dma_start3A_71 = tpu.memref_squeeze %dma_start3A_70 : memref<1x1x64xf32, #tpu.memory_space<hbm>> -> memref<64xf32, #tpu.memory_space<hbm>>
      %dma_start3A_72 = arith.constant 0 : i32
      %dma_start3A_73 = tpu.memref_slice %arg9[%add3A_66, %dma_start3A_72] : memref<256x64xf32, #tpu.memory_space<vmem>> -> memref<1x64xf32, #tpu.memory_space<vmem>>
      %dma_start3A_74 = tpu.memref_squeeze %dma_start3A_73 : memref<1x64xf32, #tpu.memory_space<vmem>> -> memref<64xf32, #tpu.memory_space<vmem>>
      %dma_start3A_75 = arith.constant 0 : i32
      %dma_start3A_76 = tpu.memref_slice %arg4[%squeeze3A, %squeeze3A_62, %dma_start3A_75] : memref<125000x8x64xf32, #tpu.memory_space<hbm>> -> memref<1x1x64xf32, #tpu.memory_space<hbm>>
      %dma_start3A_77 = tpu.memref_squeeze %dma_start3A_76 : memref<1x1x64xf32, #tpu.memory_space<hbm>> -> memref<64xf32, #tpu.memory_space<hbm>>
      tpu.enqueue_dma source(%dma_start3A_77 : memref<64xf32, #tpu.memory_space<hbm>>) target(%dma_start3A_74 : memref<64xf32, #tpu.memory_space<vmem>>) target_semaphore(%arg10 : memref<!tpu.dma_semaphore, #tpu.memory_space<semaphore_mem>>)
      %slice3A_78 = vector.extract_strided_slice %shift_right_logical3A_58 {offsets = [1], sizes = [1], strides = [1]} : vector<16xi32> to vector<1xi32>
      %squeeze3A_79 = vector.extract %slice3A_78[0] : i32 from vector<1xi32>
      %slice3A_80 = vector.extract_strided_slice %and3A_60 {offsets = [1], sizes = [1], strides = [1]} : vector<16xi32> to vector<1xi32>
      %squeeze3A_81 = vector.extract %slice3A_80[0] : i32 from vector<1xi32>
      %mul3A_82 = arith.constant 16 : i32
      %mul3A_83 = arith.muli %scan3A_50, %mul3A_82 : i32
      %add3A_84 = arith.constant 1 : i32
      %add3A_85 = arith.addi %mul3A_83, %add3A_84 : i32
      %dma_start3A_86 = arith.constant 0 : i32
      %dma_start3A_87 = tpu.memref_slice %arg9[%add3A_85, %dma_start3A_86] : memref<256x64xf32, #tpu.memory_space<vmem>> -> memref<1x64xf32, #tpu.memory_space<vmem>>
      %dma_start3A_88 = tpu.memref_squeeze %dma_start3A_87 : memref<1x64xf32, #tpu.memory_space<vmem>> -> memref<64xf32, #tpu.memory_space<vmem>>
      %dma_start3A_89 = arith.constant 0 : i32
      %dma_start3A_90 = tpu.memref_slice %arg4[%squeeze3A_79, %squeeze3A_81, %dma_start3A_89] : memref<125000x8x64xf32, #tpu.memory_space<hbm>> -> memref<1x1x64xf32, #tpu.memory_space<hbm>>
      %dma_start3A_91 = tpu.memref_squeeze %dma_start3A_90 : memref<1x1x64xf32, #tpu.memory_space<hbm>> -> memref<64xf32, #tpu.memory_space<hbm>>
      %dma_start3A_92 = arith.constant 0 : i32
      %dma_start3A_93 = tpu.memref_slice %arg9[%add3A_85, %dma_start3A_92] : memref<256x64xf32, #tpu.memory_space<vmem>> -> memref<1x64xf32, #tpu.memory_space<vmem>>
      %dma_start3A_94 = tpu.memref_squeeze %dma_start3A_93 : memref<1x64xf32, #tpu.memory_space<vmem>> -> memref<64xf32, #tpu.memory_space<vmem>>
      %dma_start3A_95 = arith.constant 0 : i32
      %dma_start3A_96 = tpu.memref_slice %arg4[%squeeze3A_79, %squeeze3A_81, %dma_start3A_95] : memref<125000x8x64xf32, #tpu.memory_space<hbm>> -> memref<1x1x64xf32, #tpu.memory_space<hbm>>
      %dma_start3A_97 = tpu.memref_squeeze %dma_start3A_96 : memref<1x1x64xf32, #tpu.memory_space<hbm>> -> memref<64xf32, #tpu.memory_space<hbm>>
      tpu.enqueue_dma source(%dma_start3A_97 : memref<64xf32, #tpu.memory_space<hbm>>) target(%dma_start3A_94 : memref<64xf32, #tpu.memory_space<vmem>>) target_semaphore(%arg10 : memref<!tpu.dma_semaphore, #tpu.memory_space<semaphore_mem>>)
      %slice3A_98 = vector.extract_strided_slice %shift_right_logical3A_58 {offsets = [2], sizes = [1], strides = [1]} : vector<16xi32> to vector<1xi32>
      %squeeze3A_99 = vector.extract %slice3A_98[0] : i32 from vector<1xi32>
      %slice3A_100 = vector.extract_strided_slice %and3A_60 {offsets = [2], sizes = [1], strides = [1]} : vector<16xi32> to vector<1xi32>
      %squeeze3A_101 = vector.extract %slice3A_100[0] : i32 from vector<1xi32>
      %mul3A_102 = arith.constant 16 : i32
      %mul3A_103 = arith.muli %scan3A_50, %mul3A_102 : i32
      %add3A_104 = arith.constant 2 : i32
      %add3A_105 = arith.addi %mul3A_103, %add3A_104 : i32
      %dma_start3A_106 = arith.constant 0 : i32
      %dma_start3A_107 = tpu.memref_slice %arg9[%add3A_105, %dma_start3A_106] : memref<256x64xf32, #tpu.memory_space<vmem>> -> memref<1x64xf32, #tpu.memory_space<vmem>>
      %dma_start3A_108 = tpu.memref_squeeze %dma_start3A_107 : memref<1x64xf32, #tpu.memory_space<vmem>> -> memref<64xf32, #tpu.memory_space<vmem>>
      %dma_start3A_109 = arith.constant 0 : i32
      %dma_start3A_110 = tpu.memref_slice %arg4[%squeeze3A_99, %squeeze3A_101, %dma_start3A_109] : memref<125000x8x64xf32, #tpu.memory_space<hbm>> -> memref<1x1x64xf32, #tpu.memory_space<hbm>>
      %dma_start3A_111 = tpu.memref_squeeze %dma_start3A_110 : memref<1x1x64xf32, #tpu.memory_space<hbm>> -> memref<64xf32, #tpu.memory_space<hbm>>
      %dma_start3A_112 = arith.constant 0 : i32
      %dma_start3A_113 = tpu.memref_slice %arg9[%add3A_105, %dma_start3A_112] : memref<256x64xf32, #tpu.memory_space<vmem>> -> memref<1x64xf32, #tpu.memory_space<vmem>>
      %dma_start3A_114 = tpu.memref_squeeze %dma_start3A_113 : memref<1x64xf32, #tpu.memory_space<vmem>> -> memref<64xf32, #tpu.memory_space<vmem>>
      %dma_start3A_115 = arith.constant 0 : i32
      %dma_start3A_116 = tpu.memref_slice %arg4[%squeeze3A_99, %squeeze3A_101, %dma_start3A_115] : memref<125000x8x64xf32, #tpu.memory_space<hbm>> -> memref<1x1x64xf32, #tpu.memory_space<hbm>>
      %dma_start3A_117 = tpu.memref_squeeze %dma_start3A_116 : memref<1x1x64xf32, #tpu.memory_space<hbm>> -> memref<64xf32, #tpu.memory_space<hbm>>
      tpu.enqueue_dma source(%dma_start3A_117 : memref<64xf32, #tpu.memory_space<hbm>>) target(%dma_start3A_114 : memref<64xf32, #tpu.memory_space<vmem>>) target_semaphore(%arg10 : memref<!tpu.dma_semaphore, #tpu.memory_space<semaphore_mem>>)
      %slice3A_118 = vector.extract_strided_slice %shift_right_logical3A_58 {offsets = [3], sizes = [1], strides = [1]} : vector<16xi32> to vector<1xi32>
      %squeeze3A_119 = vector.extract %slice3A_118[0] : i32 from vector<1xi32>
      %slice3A_120 = vector.extract_strided_slice %and3A_60 {offsets = [3], sizes = [1], strides = [1]} : vector<16xi32> to vector<1xi32>
      %squeeze3A_121 = vector.extract %slice3A_120[0] : i32 from vector<1xi32>
      %mul3A_122 = arith.constant 16 : i32
      %mul3A_123 = arith.muli %scan3A_50, %mul3A_122 : i32
      %add3A_124 = arith.constant 3 : i32
      %add3A_125 = arith.addi %mul3A_123, %add3A_124 : i32
      %dma_start3A_126 = arith.constant 0 : i32
      %dma_start3A_127 = tpu.memref_slice %arg9[%add3A_125, %dma_start3A_126] : memref<256x64xf32, #tpu.memory_space<vmem>> -> memref<1x64xf32, #tpu.memory_space<vmem>>
      %dma_start3A_128 = tpu.memref_squeeze %dma_start3A_127 : memref<1x64xf32, #tpu.memory_space<vmem>> -> memref<64xf32, #tpu.memory_space<vmem>>
      %dma_start3A_129 = arith.constant 0 : i32
      %dma_start3A_130 = tpu.memref_slice %arg4[%squeeze3A_119, %squeeze3A_121, %dma_start3A_129] : memref<125000x8x64xf32, #tpu.memory_space<hbm>> -> memref<1x1x64xf32, #tpu.memory_space<hbm>>
      %dma_start3A_131 = tpu.memref_squeeze %dma_start3A_130 : memref<1x1x64xf32, #tpu.memory_space<hbm>> -> memref<64xf32, #tpu.memory_space<hbm>>
      %dma_start3A_132 = arith.constant 0 : i32
      %dma_start3A_133 = tpu.memref_slice %arg9[%add3A_125, %dma_start3A_132] : memref<256x64xf32, #tpu.memory_space<vmem>> -> memref<1x64xf32, #tpu.memory_space<vmem>>
      %dma_start3A_134 = tpu.memref_squeeze %dma_start3A_133 : memref<1x64xf32, #tpu.memory_space<vmem>> -> memref<64xf32, #tpu.memory_space<vmem>>
      %dma_start3A_135 = arith.constant 0 : i32
      %dma_start3A_136 = tpu.memref_slice %arg4[%squeeze3A_119, %squeeze3A_121, %dma_start3A_135] : memref<125000x8x64xf32, #tpu.memory_space<hbm>> -> memref<1x1x64xf32, #tpu.memory_space<hbm>>
      %dma_start3A_137 = tpu.memref_squeeze %dma_start3A_136 : memref<1x1x64xf32, #tpu.memory_space<hbm>> -> memref<64xf32, #tpu.memory_space<hbm>>
      tpu.enqueue_dma source(%dma_start3A_137 : memref<64xf32, #tpu.memory_space<hbm>>) target(%dma_start3A_134 : memref<64xf32, #tpu.memory_space<vmem>>) target_semaphore(%arg10 : memref<!tpu.dma_semaphore, #tpu.memory_space<semaphore_mem>>)
      %slice3A_138 = vector.extract_strided_slice %shift_right_logical3A_58 {offsets = [4], sizes = [1], strides = [1]} : vector<16xi32> to vector<1xi32>
      %squeeze3A_139 = vector.extract %slice3A_138[0] : i32 from vector<1xi32>
      %slice3A_140 = vector.extract_strided_slice %and3A_60 {offsets = [4], sizes = [1], strides = [1]} : vector<16xi32> to vector<1xi32>
      %squeeze3A_141 = vector.extract %slice3A_140[0] : i32 from vector<1xi32>
      %mul3A_142 = arith.constant 16 : i32
      %mul3A_143 = arith.muli %scan3A_50, %mul3A_142 : i32
      %add3A_144 = arith.constant 4 : i32
      %add3A_145 = arith.addi %mul3A_143, %add3A_144 : i32
      %dma_start3A_146 = arith.constant 0 : i32
      %dma_start3A_147 = tpu.memref_slice %arg9[%add3A_145, %dma_start3A_146] : memref<256x64xf32, #tpu.memory_space<vmem>> -> memref<1x64xf32, #tpu.memory_space<vmem>>
      %dma_start3A_148 = tpu.memref_squeeze %dma_start3A_147 : memref<1x64xf32, #tpu.memory_space<vmem>> -> memref<64xf32, #tpu.memory_space<vmem>>
      %dma_start3A_149 = arith.constant 0 : i32
      %dma_start3A_150 = tpu.memref_slice %arg4[%squeeze3A_139, %squeeze3A_141, %dma_start3A_149] : memref<125000x8x64xf32, #tpu.memory_space<hbm>> -> memref<1x1x64xf32, #tpu.memory_space<hbm>>
      %dma_start3A_151 = tpu.memref_squeeze %dma_start3A_150 : memref<1x1x64xf32, #tpu.memory_space<hbm>> -> memref<64xf32, #tpu.memory_space<hbm>>
      %dma_start3A_152 = arith.constant 0 : i32
      %dma_start3A_153 = tpu.memref_slice %arg9[%add3A_145, %dma_start3A_152] : memref<256x64xf32, #tpu.memory_space<vmem>> -> memref<1x64xf32, #tpu.memory_space<vmem>>
      %dma_start3A_154 = tpu.memref_squeeze %dma_start3A_153 : memref<1x64xf32, #tpu.memory_space<vmem>> -> memref<64xf32, #tpu.memory_space<vmem>>
      %dma_start3A_155 = arith.constant 0 : i32
      %dma_start3A_156 = tpu.memref_slice %arg4[%squeeze3A_139, %squeeze3A_141, %dma_start3A_155] : memref<125000x8x64xf32, #tpu.memory_space<hbm>> -> memref<1x1x64xf32, #tpu.memory_space<hbm>>
      %dma_start3A_157 = tpu.memref_squeeze %dma_start3A_156 : memref<1x1x64xf32, #tpu.memory_space<hbm>> -> memref<64xf32, #tpu.memory_space<hbm>>
      tpu.enqueue_dma source(%dma_start3A_157 : memref<64xf32, #tpu.memory_space<hbm>>) target(%dma_start3A_154 : memref<64xf32, #tpu.memory_space<vmem>>) target_semaphore(%arg10 : memref<!tpu.dma_semaphore, #tpu.memory_space<semaphore_mem>>)
      %slice3A_158 = vector.extract_strided_slice %shift_right_logical3A_58 {offsets = [5], sizes = [1], strides = [1]} : vector<16xi32> to vector<1xi32>
      %squeeze3A_159 = vector.extract %slice3A_158[0] : i32 from vector<1xi32>
      %slice3A_160 = vector.extract_strided_slice %and3A_60 {offsets = [5], sizes = [1], strides = [1]} : vector<16xi32> to vector<1xi32>
      %squeeze3A_161 = vector.extract %slice3A_160[0] : i32 from vector<1xi32>
      %mul3A_162 = arith.constant 16 : i32
      %mul3A_163 = arith.muli %scan3A_50, %mul3A_162 : i32
      %add3A_164 = arith.constant 5 : i32
      %add3A_165 = arith.addi %mul3A_163, %add3A_164 : i32
      %dma_start3A_166 = arith.constant 0 : i32
      %dma_start3A_167 = tpu.memref_slice %arg9[%add3A_165, %dma_start3A_166] : memref<256x64xf32, #tpu.memory_space<vmem>> -> memref<1x64xf32, #tpu.memory_space<vmem>>
      %dma_start3A_168 = tpu.memref_squeeze %dma_start3A_167 : memref<1x64xf32, #tpu.memory_space<vmem>> -> memref<64xf32, #tpu.memory_space<vmem>>
      %dma_start3A_169 = arith.constant 0 : i32
      %dma_start3A_170 = tpu.memref_slice %arg4[%squeeze3A_159, %squeeze3A_161, %dma_start3A_169] : memref<125000x8x64xf32, #tpu.memory_space<hbm>> -> memref<1x1x64xf32, #tpu.memory_space<hbm>>
      %dma_start3A_171 = tpu.memref_squeeze %dma_start3A_170 : memref<1x1x64xf32, #tpu.memory_space<hbm>> -> memref<64xf32, #tpu.memory_space<hbm>>
      %dma_start3A_172 = arith.constant 0 : i32
      %dma_start3A_173 = tpu.memref_slice %arg9[%add3A_165, %dma_start3A_172] : memref<256x64xf32, #tpu.memory_space<vmem>> -> memref<1x64xf32, #tpu.memory_space<vmem>>
      %dma_start3A_174 = tpu.memref_squeeze %dma_start3A_173 : memref<1x64xf32, #tpu.memory_space<vmem>> -> memref<64xf32, #tpu.memory_space<vmem>>
      %dma_start3A_175 = arith.constant 0 : i32
      %dma_start3A_176 = tpu.memref_slice %arg4[%squeeze3A_159, %squeeze3A_161, %dma_start3A_175] : memref<125000x8x64xf32, #tpu.memory_space<hbm>> -> memref<1x1x64xf32, #tpu.memory_space<hbm>>
      %dma_start3A_177 = tpu.memref_squeeze %dma_start3A_176 : memref<1x1x64xf32, #tpu.memory_space<hbm>> -> memref<64xf32, #tpu.memory_space<hbm>>
      tpu.enqueue_dma source(%dma_start3A_177 : memref<64xf32, #tpu.memory_space<hbm>>) target(%dma_start3A_174 : memref<64xf32, #tpu.memory_space<vmem>>) target_semaphore(%arg10 : memref<!tpu.dma_semaphore, #tpu.memory_space<semaphore_mem>>)
      %slice3A_178 = vector.extract_strided_slice %shift_right_logical3A_58 {offsets = [6], sizes = [1], strides = [1]} : vector<16xi32> to vector<1xi32>
      %squeeze3A_179 = vector.extract %slice3A_178[0] : i32 from vector<1xi32>
      %slice3A_180 = vector.extract_strided_slice %and3A_60 {offsets = [6], sizes = [1], strides = [1]} : vector<16xi32> to vector<1xi32>
      %squeeze3A_181 = vector.extract %slice3A_180[0] : i32 from vector<1xi32>
      %mul3A_182 = arith.constant 16 : i32
      %mul3A_183 = arith.muli %scan3A_50, %mul3A_182 : i32
      %add3A_184 = arith.constant 6 : i32
      %add3A_185 = arith.addi %mul3A_183, %add3A_184 : i32
      %dma_start3A_186 = arith.constant 0 : i32
      %dma_start3A_187 = tpu.memref_slice %arg9[%add3A_185, %dma_start3A_186] : memref<256x64xf32, #tpu.memory_space<vmem>> -> memref<1x64xf32, #tpu.memory_space<vmem>>
      %dma_start3A_188 = tpu.memref_squeeze %dma_start3A_187 : memref<1x64xf32, #tpu.memory_space<vmem>> -> memref<64xf32, #tpu.memory_space<vmem>>
      %dma_start3A_189 = arith.constant 0 : i32
      %dma_start3A_190 = tpu.memref_slice %arg4[%squeeze3A_179, %squeeze3A_181, %dma_start3A_189] : memref<125000x8x64xf32, #tpu.memory_space<hbm>> -> memref<1x1x64xf32, #tpu.memory_space<hbm>>
      %dma_start3A_191 = tpu.memref_squeeze %dma_start3A_190 : memref<1x1x64xf32, #tpu.memory_space<hbm>> -> memref<64xf32, #tpu.memory_space<hbm>>
      %dma_start3A_192 = arith.constant 0 : i32
      %dma_start3A_193 = tpu.memref_slice %arg9[%add3A_185, %dma_start3A_192] : memref<256x64xf32, #tpu.memory_space<vmem>> -> memref<1x64xf32, #tpu.memory_space<vmem>>
      %dma_start3A_194 = tpu.memref_squeeze %dma_start3A_193 : memref<1x64xf32, #tpu.memory_space<vmem>> -> memref<64xf32, #tpu.memory_space<vmem>>
      %dma_start3A_195 = arith.constant 0 : i32
      %dma_start3A_196 = tpu.memref_slice %arg4[%squeeze3A_179, %squeeze3A_181, %dma_start3A_195] : memref<125000x8x64xf32, #tpu.memory_space<hbm>> -> memref<1x1x64xf32, #tpu.memory_space<hbm>>
      %dma_start3A_197 = tpu.memref_squeeze %dma_start3A_196 : memref<1x1x64xf32, #tpu.memory_space<hbm>> -> memref<64xf32, #tpu.memory_space<hbm>>
      tpu.enqueue_dma source(%dma_start3A_197 : memref<64xf32, #tpu.memory_space<hbm>>) target(%dma_start3A_194 : memref<64xf32, #tpu.memory_space<vmem>>) target_semaphore(%arg10 : memref<!tpu.dma_semaphore, #tpu.memory_space<semaphore_mem>>)
      %slice3A_198 = vector.extract_strided_slice %shift_right_logical3A_58 {offsets = [7], sizes = [1], strides = [1]} : vector<16xi32> to vector<1xi32>
      %squeeze3A_199 = vector.extract %slice3A_198[0] : i32 from vector<1xi32>
      %slice3A_200 = vector.extract_strided_slice %and3A_60 {offsets = [7], sizes = [1], strides = [1]} : vector<16xi32> to vector<1xi32>
      %squeeze3A_201 = vector.extract %slice3A_200[0] : i32 from vector<1xi32>
      %mul3A_202 = arith.constant 16 : i32
      %mul3A_203 = arith.muli %scan3A_50, %mul3A_202 : i32
      %add3A_204 = arith.constant 7 : i32
      %add3A_205 = arith.addi %mul3A_203, %add3A_204 : i32
      %dma_start3A_206 = arith.constant 0 : i32
      %dma_start3A_207 = tpu.memref_slice %arg9[%add3A_205, %dma_start3A_206] : memref<256x64xf32, #tpu.memory_space<vmem>> -> memref<1x64xf32, #tpu.memory_space<vmem>>
      %dma_start3A_208 = tpu.memref_squeeze %dma_start3A_207 : memref<1x64xf32, #tpu.memory_space<vmem>> -> memref<64xf32, #tpu.memory_space<vmem>>
      %dma_start3A_209 = arith.constant 0 : i32
      %dma_start3A_210 = tpu.memref_slice %arg4[%squeeze3A_199, %squeeze3A_201, %dma_start3A_209] : memref<125000x8x64xf32, #tpu.memory_space<hbm>> -> memref<1x1x64xf32, #tpu.memory_space<hbm>>
      %dma_start3A_211 = tpu.memref_squeeze %dma_start3A_210 : memref<1x1x64xf32, #tpu.memory_space<hbm>> -> memref<64xf32, #tpu.memory_space<hbm>>
      %dma_start3A_212 = arith.constant 0 : i32
      %dma_start3A_213 = tpu.memref_slice %arg9[%add3A_205, %dma_start3A_212] : memref<256x64xf32, #tpu.memory_space<vmem>> -> memref<1x64xf32, #tpu.memory_space<vmem>>
      %dma_start3A_214 = tpu.memref_squeeze %dma_start3A_213 : memref<1x64xf32, #tpu.memory_space<vmem>> -> memref<64xf32, #tpu.memory_space<vmem>>
      %dma_start3A_215 = arith.constant 0 : i32
      %dma_start3A_216 = tpu.memref_slice %arg4[%squeeze3A_199, %squeeze3A_201, %dma_start3A_215] : memref<125000x8x64xf32, #tpu.memory_space<hbm>> -> memref<1x1x64xf32, #tpu.memory_space<hbm>>
      %dma_start3A_217 = tpu.memref_squeeze %dma_start3A_216 : memref<1x1x64xf32, #tpu.memory_space<hbm>> -> memref<64xf32, #tpu.memory_space<hbm>>
      tpu.enqueue_dma source(%dma_start3A_217 : memref<64xf32, #tpu.memory_space<hbm>>) target(%dma_start3A_214 : memref<64xf32, #tpu.memory_space<vmem>>) target_semaphore(%arg10 : memref<!tpu.dma_semaphore, #tpu.memory_space<semaphore_mem>>)
      %slice3A_218 = vector.extract_strided_slice %shift_right_logical3A_58 {offsets = [8], sizes = [1], strides = [1]} : vector<16xi32> to vector<1xi32>
      %squeeze3A_219 = vector.extract %slice3A_218[0] : i32 from vector<1xi32>
      %slice3A_220 = vector.extract_strided_slice %and3A_60 {offsets = [8], sizes = [1], strides = [1]} : vector<16xi32> to vector<1xi32>
      %squeeze3A_221 = vector.extract %slice3A_220[0] : i32 from vector<1xi32>
      %mul3A_222 = arith.constant 16 : i32
      %mul3A_223 = arith.muli %scan3A_50, %mul3A_222 : i32
      %add3A_224 = arith.constant 8 : i32
      %add3A_225 = arith.addi %mul3A_223, %add3A_224 : i32
      %dma_start3A_226 = arith.constant 0 : i32
      %dma_start3A_227 = tpu.memref_slice %arg9[%add3A_225, %dma_start3A_226] : memref<256x64xf32, #tpu.memory_space<vmem>> -> memref<1x64xf32, #tpu.memory_space<vmem>>
      %dma_start3A_228 = tpu.memref_squeeze %dma_start3A_227 : memref<1x64xf32, #tpu.memory_space<vmem>> -> memref<64xf32, #tpu.memory_space<vmem>>
      %dma_start3A_229 = arith.constant 0 : i32
      %dma_start3A_230 = tpu.memref_slice %arg4[%squeeze3A_219, %squeeze3A_221, %dma_start3A_229] : memref<125000x8x64xf32, #tpu.memory_space<hbm>> -> memref<1x1x64xf32, #tpu.memory_space<hbm>>
      %dma_start3A_231 = tpu.memref_squeeze %dma_start3A_230 : memref<1x1x64xf32, #tpu.memory_space<hbm>> -> memref<64xf32, #tpu.memory_space<hbm>>
      %dma_start3A_232 = arith.constant 0 : i32
      %dma_start3A_233 = tpu.memref_slice %arg9[%add3A_225, %dma_start3A_232] : memref<256x64xf32, #tpu.memory_space<vmem>> -> memref<1x64xf32, #tpu.memory_space<vmem>>
      %dma_start3A_234 = tpu.memref_squeeze %dma_start3A_233 : memref<1x64xf32, #tpu.memory_space<vmem>> -> memref<64xf32, #tpu.memory_space<vmem>>
      %dma_start3A_235 = arith.constant 0 : i32
      %dma_start3A_236 = tpu.memref_slice %arg4[%squeeze3A_219, %squeeze3A_221, %dma_start3A_235] : memref<125000x8x64xf32, #tpu.memory_space<hbm>> -> memref<1x1x64xf32, #tpu.memory_space<hbm>>
      %dma_start3A_237 = tpu.memref_squeeze %dma_start3A_236 : memref<1x1x64xf32, #tpu.memory_space<hbm>> -> memref<64xf32, #tpu.memory_space<hbm>>
      tpu.enqueue_dma source(%dma_start3A_237 : memref<64xf32, #tpu.memory_space<hbm>>) target(%dma_start3A_234 : memref<64xf32, #tpu.memory_space<vmem>>) target_semaphore(%arg10 : memref<!tpu.dma_semaphore, #tpu.memory_space<semaphore_mem>>)
      %slice3A_238 = vector.extract_strided_slice %shift_right_logical3A_58 {offsets = [9], sizes = [1], strides = [1]} : vector<16xi32> to vector<1xi32>
      %squeeze3A_239 = vector.extract %slice3A_238[0] : i32 from vector<1xi32>
      %slice3A_240 = vector.extract_strided_slice %and3A_60 {offsets = [9], sizes = [1], strides = [1]} : vector<16xi32> to vector<1xi32>
      %squeeze3A_241 = vector.extract %slice3A_240[0] : i32 from vector<1xi32>
      %mul3A_242 = arith.constant 16 : i32
      %mul3A_243 = arith.muli %scan3A_50, %mul3A_242 : i32
      %add3A_244 = arith.constant 9 : i32
      %add3A_245 = arith.addi %mul3A_243, %add3A_244 : i32
      %dma_start3A_246 = arith.constant 0 : i32
      %dma_start3A_247 = tpu.memref_slice %arg9[%add3A_245, %dma_start3A_246] : memref<256x64xf32, #tpu.memory_space<vmem>> -> memref<1x64xf32, #tpu.memory_space<vmem>>
      %dma_start3A_248 = tpu.memref_squeeze %dma_start3A_247 : memref<1x64xf32, #tpu.memory_space<vmem>> -> memref<64xf32, #tpu.memory_space<vmem>>
      %dma_start3A_249 = arith.constant 0 : i32
      %dma_start3A_250 = tpu.memref_slice %arg4[%squeeze3A_239, %squeeze3A_241, %dma_start3A_249] : memref<125000x8x64xf32, #tpu.memory_space<hbm>> -> memref<1x1x64xf32, #tpu.memory_space<hbm>>
      %dma_start3A_251 = tpu.memref_squeeze %dma_start3A_250 : memref<1x1x64xf32, #tpu.memory_space<hbm>> -> memref<64xf32, #tpu.memory_space<hbm>>
      %dma_start3A_252 = arith.constant 0 : i32
      %dma_start3A_253 = tpu.memref_slice %arg9[%add3A_245, %dma_start3A_252] : memref<256x64xf32, #tpu.memory_space<vmem>> -> memref<1x64xf32, #tpu.memory_space<vmem>>
      %dma_start3A_254 = tpu.memref_squeeze %dma_start3A_253 : memref<1x64xf32, #tpu.memory_space<vmem>> -> memref<64xf32, #tpu.memory_space<vmem>>
      %dma_start3A_255 = arith.constant 0 : i32
      %dma_start3A_256 = tpu.memref_slice %arg4[%squeeze3A_239, %squeeze3A_241, %dma_start3A_255] : memref<125000x8x64xf32, #tpu.memory_space<hbm>> -> memref<1x1x64xf32, #tpu.memory_space<hbm>>
      %dma_start3A_257 = tpu.memref_squeeze %dma_start3A_256 : memref<1x1x64xf32, #tpu.memory_space<hbm>> -> memref<64xf32, #tpu.memory_space<hbm>>
      tpu.enqueue_dma source(%dma_start3A_257 : memref<64xf32, #tpu.memory_space<hbm>>) target(%dma_start3A_254 : memref<64xf32, #tpu.memory_space<vmem>>) target_semaphore(%arg10 : memref<!tpu.dma_semaphore, #tpu.memory_space<semaphore_mem>>)
      %slice3A_258 = vector.extract_strided_slice %shift_right_logical3A_58 {offsets = [10], sizes = [1], strides = [1]} : vector<16xi32> to vector<1xi32>
      %squeeze3A_259 = vector.extract %slice3A_258[0] : i32 from vector<1xi32>
      %slice3A_260 = vector.extract_strided_slice %and3A_60 {offsets = [10], sizes = [1], strides = [1]} : vector<16xi32> to vector<1xi32>
      %squeeze3A_261 = vector.extract %slice3A_260[0] : i32 from vector<1xi32>
      %mul3A_262 = arith.constant 16 : i32
      %mul3A_263 = arith.muli %scan3A_50, %mul3A_262 : i32
      %add3A_264 = arith.constant 10 : i32
      %add3A_265 = arith.addi %mul3A_263, %add3A_264 : i32
      %dma_start3A_266 = arith.constant 0 : i32
      %dma_start3A_267 = tpu.memref_slice %arg9[%add3A_265, %dma_start3A_266] : memref<256x64xf32, #tpu.memory_space<vmem>> -> memref<1x64xf32, #tpu.memory_space<vmem>>
      %dma_start3A_268 = tpu.memref_squeeze %dma_start3A_267 : memref<1x64xf32, #tpu.memory_space<vmem>> -> memref<64xf32, #tpu.memory_space<vmem>>
      %dma_start3A_269 = arith.constant 0 : i32
      %dma_start3A_270 = tpu.memref_slice %arg4[%squeeze3A_259, %squeeze3A_261, %dma_start3A_269] : memref<125000x8x64xf32, #tpu.memory_space<hbm>> -> memref<1x1x64xf32, #tpu.memory_space<hbm>>
      %dma_start3A_271 = tpu.memref_squeeze %dma_start3A_270 : memref<1x1x64xf32, #tpu.memory_space<hbm>> -> memref<64xf32, #tpu.memory_space<hbm>>
      %dma_start3A_272 = arith.constant 0 : i32
      %dma_start3A_273 = tpu.memref_slice %arg9[%add3A_265, %dma_start3A_272] : memref<256x64xf32, #tpu.memory_space<vmem>> -> memref<1x64xf32, #tpu.memory_space<vmem>>
      %dma_start3A_274 = tpu.memref_squeeze %dma_start3A_273 : memref<1x64xf32, #tpu.memory_space<vmem>> -> memref<64xf32, #tpu.memory_space<vmem>>
      %dma_start3A_275 = arith.constant 0 : i32
      %dma_start3A_276 = tpu.memref_slice %arg4[%squeeze3A_259, %squeeze3A_261, %dma_start3A_275] : memref<125000x8x64xf32, #tpu.memory_space<hbm>> -> memref<1x1x64xf32, #tpu.memory_space<hbm>>
      %dma_start3A_277 = tpu.memref_squeeze %dma_start3A_276 : memref<1x1x64xf32, #tpu.memory_space<hbm>> -> memref<64xf32, #tpu.memory_space<hbm>>
      tpu.enqueue_dma source(%dma_start3A_277 : memref<64xf32, #tpu.memory_space<hbm>>) target(%dma_start3A_274 : memref<64xf32, #tpu.memory_space<vmem>>) target_semaphore(%arg10 : memref<!tpu.dma_semaphore, #tpu.memory_space<semaphore_mem>>)
      %slice3A_278 = vector.extract_strided_slice %shift_right_logical3A_58 {offsets = [11], sizes = [1], strides = [1]} : vector<16xi32> to vector<1xi32>
      %squeeze3A_279 = vector.extract %slice3A_278[0] : i32 from vector<1xi32>
      %slice3A_280 = vector.extract_strided_slice %and3A_60 {offsets = [11], sizes = [1], strides = [1]} : vector<16xi32> to vector<1xi32>
      %squeeze3A_281 = vector.extract %slice3A_280[0] : i32 from vector<1xi32>
      %mul3A_282 = arith.constant 16 : i32
      %mul3A_283 = arith.muli %scan3A_50, %mul3A_282 : i32
      %add3A_284 = arith.constant 11 : i32
      %add3A_285 = arith.addi %mul3A_283, %add3A_284 : i32
      %dma_start3A_286 = arith.constant 0 : i32
      %dma_start3A_287 = tpu.memref_slice %arg9[%add3A_285, %dma_start3A_286] : memref<256x64xf32, #tpu.memory_space<vmem>> -> memref<1x64xf32, #tpu.memory_space<vmem>>
      %dma_start3A_288 = tpu.memref_squeeze %dma_start3A_287 : memref<1x64xf32, #tpu.memory_space<vmem>> -> memref<64xf32, #tpu.memory_space<vmem>>
      %dma_start3A_289 = arith.constant 0 : i32
      %dma_start3A_290 = tpu.memref_slice %arg4[%squeeze3A_279, %squeeze3A_281, %dma_start3A_289] : memref<125000x8x64xf32, #tpu.memory_space<hbm>> -> memref<1x1x64xf32, #tpu.memory_space<hbm>>
      %dma_start3A_291 = tpu.memref_squeeze %dma_start3A_290 : memref<1x1x64xf32, #tpu.memory_space<hbm>> -> memref<64xf32, #tpu.memory_space<hbm>>
      %dma_start3A_292 = arith.constant 0 : i32
      %dma_start3A_293 = tpu.memref_slice %arg9[%add3A_285, %dma_start3A_292] : memref<256x64xf32, #tpu.memory_space<vmem>> -> memref<1x64xf32, #tpu.memory_space<vmem>>
      %dma_start3A_294 = tpu.memref_squeeze %dma_start3A_293 : memref<1x64xf32, #tpu.memory_space<vmem>> -> memref<64xf32, #tpu.memory_space<vmem>>
      %dma_start3A_295 = arith.constant 0 : i32
      %dma_start3A_296 = tpu.memref_slice %arg4[%squeeze3A_279, %squeeze3A_281, %dma_start3A_295] : memref<125000x8x64xf32, #tpu.memory_space<hbm>> -> memref<1x1x64xf32, #tpu.memory_space<hbm>>
      %dma_start3A_297 = tpu.memref_squeeze %dma_start3A_296 : memref<1x1x64xf32, #tpu.memory_space<hbm>> -> memref<64xf32, #tpu.memory_space<hbm>>
      tpu.enqueue_dma source(%dma_start3A_297 : memref<64xf32, #tpu.memory_space<hbm>>) target(%dma_start3A_294 : memref<64xf32, #tpu.memory_space<vmem>>) target_semaphore(%arg10 : memref<!tpu.dma_semaphore, #tpu.memory_space<semaphore_mem>>)
      %slice3A_298 = vector.extract_strided_slice %shift_right_logical3A_58 {offsets = [12], sizes = [1], strides = [1]} : vector<16xi32> to vector<1xi32>
      %squeeze3A_299 = vector.extract %slice3A_298[0] : i32 from vector<1xi32>
      %slice3A_300 = vector.extract_strided_slice %and3A_60 {offsets = [12], sizes = [1], strides = [1]} : vector<16xi32> to vector<1xi32>
      %squeeze3A_301 = vector.extract %slice3A_300[0] : i32 from vector<1xi32>
      %mul3A_302 = arith.constant 16 : i32
      %mul3A_303 = arith.muli %scan3A_50, %mul3A_302 : i32
      %add3A_304 = arith.constant 12 : i32
      %add3A_305 = arith.addi %mul3A_303, %add3A_304 : i32
      %dma_start3A_306 = arith.constant 0 : i32
      %dma_start3A_307 = tpu.memref_slice %arg9[%add3A_305, %dma_start3A_306] : memref<256x64xf32, #tpu.memory_space<vmem>> -> memref<1x64xf32, #tpu.memory_space<vmem>>
      %dma_start3A_308 = tpu.memref_squeeze %dma_start3A_307 : memref<1x64xf32, #tpu.memory_space<vmem>> -> memref<64xf32, #tpu.memory_space<vmem>>
      %dma_start3A_309 = arith.constant 0 : i32
      %dma_start3A_310 = tpu.memref_slice %arg4[%squeeze3A_299, %squeeze3A_301, %dma_start3A_309] : memref<125000x8x64xf32, #tpu.memory_space<hbm>> -> memref<1x1x64xf32, #tpu.memory_space<hbm>>
      %dma_start3A_311 = tpu.memref_squeeze %dma_start3A_310 : memref<1x1x64xf32, #tpu.memory_space<hbm>> -> memref<64xf32, #tpu.memory_space<hbm>>
      %dma_start3A_312 = arith.constant 0 : i32
      %dma_start3A_313 = tpu.memref_slice %arg9[%add3A_305, %dma_start3A_312] : memref<256x64xf32, #tpu.memory_space<vmem>> -> memref<1x64xf32, #tpu.memory_space<vmem>>
      %dma_start3A_314 = tpu.memref_squeeze %dma_start3A_313 : memref<1x64xf32, #tpu.memory_space<vmem>> -> memref<64xf32, #tpu.memory_space<vmem>>
      %dma_start3A_315 = arith.constant 0 : i32
      %dma_start3A_316 = tpu.memref_slice %arg4[%squeeze3A_299, %squeeze3A_301, %dma_start3A_315] : memref<125000x8x64xf32, #tpu.memory_space<hbm>> -> memref<1x1x64xf32, #tpu.memory_space<hbm>>
      %dma_start3A_317 = tpu.memref_squeeze %dma_start3A_316 : memref<1x1x64xf32, #tpu.memory_space<hbm>> -> memref<64xf32, #tpu.memory_space<hbm>>
      tpu.enqueue_dma source(%dma_start3A_317 : memref<64xf32, #tpu.memory_space<hbm>>) target(%dma_start3A_314 : memref<64xf32, #tpu.memory_space<vmem>>) target_semaphore(%arg10 : memref<!tpu.dma_semaphore, #tpu.memory_space<semaphore_mem>>)
      %slice3A_318 = vector.extract_strided_slice %shift_right_logical3A_58 {offsets = [13], sizes = [1], strides = [1]} : vector<16xi32> to vector<1xi32>
      %squeeze3A_319 = vector.extract %slice3A_318[0] : i32 from vector<1xi32>
      %slice3A_320 = vector.extract_strided_slice %and3A_60 {offsets = [13], sizes = [1], strides = [1]} : vector<16xi32> to vector<1xi32>
      %squeeze3A_321 = vector.extract %slice3A_320[0] : i32 from vector<1xi32>
      %mul3A_322 = arith.constant 16 : i32
      %mul3A_323 = arith.muli %scan3A_50, %mul3A_322 : i32
      %add3A_324 = arith.constant 13 : i32
      %add3A_325 = arith.addi %mul3A_323, %add3A_324 : i32
      %dma_start3A_326 = arith.constant 0 : i32
      %dma_start3A_327 = tpu.memref_slice %arg9[%add3A_325, %dma_start3A_326] : memref<256x64xf32, #tpu.memory_space<vmem>> -> memref<1x64xf32, #tpu.memory_space<vmem>>
      %dma_start3A_328 = tpu.memref_squeeze %dma_start3A_327 : memref<1x64xf32, #tpu.memory_space<vmem>> -> memref<64xf32, #tpu.memory_space<vmem>>
      %dma_start3A_329 = arith.constant 0 : i32
      %dma_start3A_330 = tpu.memref_slice %arg4[%squeeze3A_319, %squeeze3A_321, %dma_start3A_329] : memref<125000x8x64xf32, #tpu.memory_space<hbm>> -> memref<1x1x64xf32, #tpu.memory_space<hbm>>
      %dma_start3A_331 = tpu.memref_squeeze %dma_start3A_330 : memref<1x1x64xf32, #tpu.memory_space<hbm>> -> memref<64xf32, #tpu.memory_space<hbm>>
      %dma_start3A_332 = arith.constant 0 : i32
      %dma_start3A_333 = tpu.memref_slice %arg9[%add3A_325, %dma_start3A_332] : memref<256x64xf32, #tpu.memory_space<vmem>> -> memref<1x64xf32, #tpu.memory_space<vmem>>
      %dma_start3A_334 = tpu.memref_squeeze %dma_start3A_333 : memref<1x64xf32, #tpu.memory_space<vmem>> -> memref<64xf32, #tpu.memory_space<vmem>>
      %dma_start3A_335 = arith.constant 0 : i32
      %dma_start3A_336 = tpu.memref_slice %arg4[%squeeze3A_319, %squeeze3A_321, %dma_start3A_335] : memref<125000x8x64xf32, #tpu.memory_space<hbm>> -> memref<1x1x64xf32, #tpu.memory_space<hbm>>
      %dma_start3A_337 = tpu.memref_squeeze %dma_start3A_336 : memref<1x1x64xf32, #tpu.memory_space<hbm>> -> memref<64xf32, #tpu.memory_space<hbm>>
      tpu.enqueue_dma source(%dma_start3A_337 : memref<64xf32, #tpu.memory_space<hbm>>) target(%dma_start3A_334 : memref<64xf32, #tpu.memory_space<vmem>>) target_semaphore(%arg10 : memref<!tpu.dma_semaphore, #tpu.memory_space<semaphore_mem>>)
      %slice3A_338 = vector.extract_strided_slice %shift_right_logical3A_58 {offsets = [14], sizes = [1], strides = [1]} : vector<16xi32> to vector<1xi32>
      %squeeze3A_339 = vector.extract %slice3A_338[0] : i32 from vector<1xi32>
      %slice3A_340 = vector.extract_strided_slice %and3A_60 {offsets = [14], sizes = [1], strides = [1]} : vector<16xi32> to vector<1xi32>
      %squeeze3A_341 = vector.extract %slice3A_340[0] : i32 from vector<1xi32>
      %mul3A_342 = arith.constant 16 : i32
      %mul3A_343 = arith.muli %scan3A_50, %mul3A_342 : i32
      %add3A_344 = arith.constant 14 : i32
      %add3A_345 = arith.addi %mul3A_343, %add3A_344 : i32
      %dma_start3A_346 = arith.constant 0 : i32
      %dma_start3A_347 = tpu.memref_slice %arg9[%add3A_345, %dma_start3A_346] : memref<256x64xf32, #tpu.memory_space<vmem>> -> memref<1x64xf32, #tpu.memory_space<vmem>>
      %dma_start3A_348 = tpu.memref_squeeze %dma_start3A_347 : memref<1x64xf32, #tpu.memory_space<vmem>> -> memref<64xf32, #tpu.memory_space<vmem>>
      %dma_start3A_349 = arith.constant 0 : i32
      %dma_start3A_350 = tpu.memref_slice %arg4[%squeeze3A_339, %squeeze3A_341, %dma_start3A_349] : memref<125000x8x64xf32, #tpu.memory_space<hbm>> -> memref<1x1x64xf32, #tpu.memory_space<hbm>>
      %dma_start3A_351 = tpu.memref_squeeze %dma_start3A_350 : memref<1x1x64xf32, #tpu.memory_space<hbm>> -> memref<64xf32, #tpu.memory_space<hbm>>
      %dma_start3A_352 = arith.constant 0 : i32
      %dma_start3A_353 = tpu.memref_slice %arg9[%add3A_345, %dma_start3A_352] : memref<256x64xf32, #tpu.memory_space<vmem>> -> memref<1x64xf32, #tpu.memory_space<vmem>>
      %dma_start3A_354 = tpu.memref_squeeze %dma_start3A_353 : memref<1x64xf32, #tpu.memory_space<vmem>> -> memref<64xf32, #tpu.memory_space<vmem>>
      %dma_start3A_355 = arith.constant 0 : i32
      %dma_start3A_356 = tpu.memref_slice %arg4[%squeeze3A_339, %squeeze3A_341, %dma_start3A_355] : memref<125000x8x64xf32, #tpu.memory_space<hbm>> -> memref<1x1x64xf32, #tpu.memory_space<hbm>>
      %dma_start3A_357 = tpu.memref_squeeze %dma_start3A_356 : memref<1x1x64xf32, #tpu.memory_space<hbm>> -> memref<64xf32, #tpu.memory_space<hbm>>
      tpu.enqueue_dma source(%dma_start3A_357 : memref<64xf32, #tpu.memory_space<hbm>>) target(%dma_start3A_354 : memref<64xf32, #tpu.memory_space<vmem>>) target_semaphore(%arg10 : memref<!tpu.dma_semaphore, #tpu.memory_space<semaphore_mem>>)
      %slice3A_358 = vector.extract_strided_slice %shift_right_logical3A_58 {offsets = [15], sizes = [1], strides = [1]} : vector<16xi32> to vector<1xi32>
      %squeeze3A_359 = vector.extract %slice3A_358[0] : i32 from vector<1xi32>
      %slice3A_360 = vector.extract_strided_slice %and3A_60 {offsets = [15], sizes = [1], strides = [1]} : vector<16xi32> to vector<1xi32>
      %squeeze3A_361 = vector.extract %slice3A_360[0] : i32 from vector<1xi32>
      %mul3A_362 = arith.constant 16 : i32
      %mul3A_363 = arith.muli %scan3A_50, %mul3A_362 : i32
      %add3A_364 = arith.constant 15 : i32
      %add3A_365 = arith.addi %mul3A_363, %add3A_364 : i32
      %dma_start3A_366 = arith.constant 0 : i32
      %dma_start3A_367 = tpu.memref_slice %arg9[%add3A_365, %dma_start3A_366] : memref<256x64xf32, #tpu.memory_space<vmem>> -> memref<1x64xf32, #tpu.memory_space<vmem>>
      %dma_start3A_368 = tpu.memref_squeeze %dma_start3A_367 : memref<1x64xf32, #tpu.memory_space<vmem>> -> memref<64xf32, #tpu.memory_space<vmem>>
      %dma_start3A_369 = arith.constant 0 : i32
      %dma_start3A_370 = tpu.memref_slice %arg4[%squeeze3A_359, %squeeze3A_361, %dma_start3A_369] : memref<125000x8x64xf32, #tpu.memory_space<hbm>> -> memref<1x1x64xf32, #tpu.memory_space<hbm>>
      %dma_start3A_371 = tpu.memref_squeeze %dma_start3A_370 : memref<1x1x64xf32, #tpu.memory_space<hbm>> -> memref<64xf32, #tpu.memory_space<hbm>>
      %dma_start3A_372 = arith.constant 0 : i32
      %dma_start3A_373 = tpu.memref_slice %arg9[%add3A_365, %dma_start3A_372] : memref<256x64xf32, #tpu.memory_space<vmem>> -> memref<1x64xf32, #tpu.memory_space<vmem>>
      %dma_start3A_374 = tpu.memref_squeeze %dma_start3A_373 : memref<1x64xf32, #tpu.memory_space<vmem>> -> memref<64xf32, #tpu.memory_space<vmem>>
      %dma_start3A_375 = arith.constant 0 : i32
      %dma_start3A_376 = tpu.memref_slice %arg4[%squeeze3A_359, %squeeze3A_361, %dma_start3A_375] : memref<125000x8x64xf32, #tpu.memory_space<hbm>> -> memref<1x1x64xf32, #tpu.memory_space<hbm>>
      %dma_start3A_377 = tpu.memref_squeeze %dma_start3A_376 : memref<1x1x64xf32, #tpu.memory_space<hbm>> -> memref<64xf32, #tpu.memory_space<hbm>>
      tpu.enqueue_dma source(%dma_start3A_377 : memref<64xf32, #tpu.memory_space<hbm>>) target(%dma_start3A_374 : memref<64xf32, #tpu.memory_space<vmem>>) target_semaphore(%arg10 : memref<!tpu.dma_semaphore, #tpu.memory_space<semaphore_mem>>)
    }
    %scan3A_6 = arith.constant 16 : i32
    %scan3A_7 = arith.constant 0 : i32
    %scan3A_8 = arith.constant 256 : i32
    %scan3A_9 = arith.addi %scan3A_7, %scan3A_8 : i32
    %scan3A_10 = arith.constant 1 : i32
    scf.for %scan3A_50 = %scan3A_7 to %scan3A_9 step %scan3A_10  : i32 {
      %dma_wait3A = arith.constant 0 : i32
      %dma_wait3A_51 = arith.constant 0 : i32
      %dma_wait3A_52 = arith.constant 0 : i32
      %dma_wait3A_53 = tpu.memref_slice %arg9[%scan3A_50, %dma_wait3A_52] : memref<256x64xf32, #tpu.memory_space<vmem>> -> memref<1x64xf32, #tpu.memory_space<vmem>>
      %dma_wait3A_54 = tpu.memref_squeeze %dma_wait3A_53 : memref<1x64xf32, #tpu.memory_space<vmem>> -> memref<64xf32, #tpu.memory_space<vmem>>
      %dma_wait3A_55 = arith.constant 0 : i32
      %dma_wait3A_56 = tpu.memref_slice %arg4[%dma_wait3A, %dma_wait3A_51, %dma_wait3A_55] : memref<125000x8x64xf32, #tpu.memory_space<hbm>> -> memref<1x1x64xf32, #tpu.memory_space<hbm>>
      %dma_wait3A_57 = tpu.memref_squeeze %dma_wait3A_56 : memref<1x1x64xf32, #tpu.memory_space<hbm>> -> memref<64xf32, #tpu.memory_space<hbm>>
      %dma_wait3A_58 = arith.constant 0 : i32
      %dma_wait3A_59 = tpu.memref_slice %arg9[%scan3A_50, %dma_wait3A_58] : memref<256x64xf32, #tpu.memory_space<vmem>> -> memref<1x64xf32, #tpu.memory_space<vmem>>
      %dma_wait3A_60 = tpu.memref_squeeze %dma_wait3A_59 : memref<1x64xf32, #tpu.memory_space<vmem>> -> memref<64xf32, #tpu.memory_space<vmem>>
      %dma_wait3A_61 = arith.constant 0 : i32
      %dma_wait3A_62 = tpu.memref_slice %arg4[%dma_wait3A, %dma_wait3A_51, %dma_wait3A_61] : memref<125000x8x64xf32, #tpu.memory_space<hbm>> -> memref<1x1x64xf32, #tpu.memory_space<hbm>>
      %dma_wait3A_63 = tpu.memref_squeeze %dma_wait3A_62 : memref<1x1x64xf32, #tpu.memory_space<hbm>> -> memref<64xf32, #tpu.memory_space<hbm>>
      tpu.wait_dma2 semaphore(%arg10 : memref<!tpu.dma_semaphore, #tpu.memory_space<semaphore_mem>>) src(%dma_wait3A_63 : memref<64xf32, #tpu.memory_space<hbm>>) dst(%dma_wait3A_60 : memref<64xf32, #tpu.memory_space<vmem>>)
    }
    %scan3A_11 = arith.constant 256 : i32
    %add3A_12 = arith.constant 0 : i32
    %add3A_13 = arith.addi %mul3A_2, %add3A_12 : i32
    "tpu.region"() ({
      %run_scoped3A = tpu.sem_alloc : memref<!tpu.dma_semaphore, #tpu.memory_space<semaphore_mem>>
      %dma_start3A = arith.constant 0 : i32
      %dma_start3A_50 = tpu.memref_slice %arg6[%add3A_13, %dma_start3A] : memref<16384x64xf32, #tpu.memory_space<hbm>> -> memref<256x64xf32, #tpu.memory_space<hbm>>
      %dma_start3A_51 = arith.constant 0 : i32
      %dma_start3A_52 = tpu.memref_slice %arg6[%add3A_13, %dma_start3A_51] : memref<16384x64xf32, #tpu.memory_space<hbm>> -> memref<256x64xf32, #tpu.memory_space<hbm>>
      tpu.enqueue_dma source(%arg9 : memref<256x64xf32, #tpu.memory_space<vmem>>) target(%dma_start3A_52 : memref<256x64xf32, #tpu.memory_space<hbm>>) target_semaphore(%run_scoped3A : memref<!tpu.dma_semaphore, #tpu.memory_space<semaphore_mem>>)
      %dma_wait3A = arith.constant 0 : i32
      %dma_wait3A_53 = tpu.memref_slice %arg6[%add3A_13, %dma_wait3A] : memref<16384x64xf32, #tpu.memory_space<hbm>> -> memref<256x64xf32, #tpu.memory_space<hbm>>
      %dma_wait3A_54 = arith.constant 0 : i32
      %dma_wait3A_55 = tpu.memref_slice %arg6[%add3A_13, %dma_wait3A_54] : memref<16384x64xf32, #tpu.memory_space<hbm>> -> memref<256x64xf32, #tpu.memory_space<hbm>>
      tpu.wait_dma2 semaphore(%run_scoped3A : memref<!tpu.dma_semaphore, #tpu.memory_space<semaphore_mem>>) src(%arg9 : memref<256x64xf32, #tpu.memory_space<vmem>>) dst(%dma_wait3A_55 : memref<256x64xf32, #tpu.memory_space<hbm>>)
      tpu.yield
    }) : () -> ()
    %scan3A_14 = arith.constant 0 : i32
    %scan3A_15 = arith.constant 16 : i32
    %scan3A_16 = arith.addi %scan3A_14, %scan3A_15 : i32
    %scan3A_17 = arith.constant 1 : i32
    scf.for %scan3A_50 = %scan3A_14 to %scan3A_16 step %scan3A_17  : i32 {
      %mul3A_51 = arith.constant 16 : i32
      %mul3A_52 = arith.muli %scan3A_50, %mul3A_51 : i32
      %add3A_53 = arith.constant 256 : i32
      %add3A_54 = arith.addi %add3A_53, %mul3A_52 : i32
      %get3A = arith.index_cast %add3A_54 : i32 to index
      %get3A_55 = tpu.vector_load %arg8[%get3A] {strides = array<i32>} : memref<512xi32, #tpu.memory_space<vmem>>, vector<16xi32>,
      %get3A_56 = vector.shape_cast %get3A_55 : vector<16xi32> to vector<16xi32>
      %shift_right_logical3A = arith.constant 3 : i32
      %shift_right_logical3A_57 = vector.broadcast %shift_right_logical3A : i32 to vector<16xi32>
      %shift_right_logical3A_58 = arith.shrui %get3A_56, %shift_right_logical3A_57 : vector<16xi32>
      %and3A = arith.constant 7 : i32
      %and3A_59 = vector.broadcast %and3A : i32 to vector<16xi32>
      %and3A_60 = arith.andi %get3A_56, %and3A_59 : vector<16xi32>
      %slice3A = vector.extract_strided_slice %shift_right_logical3A_58 {offsets = [0], sizes = [1], strides = [1]} : vector<16xi32> to vector<1xi32>
      %squeeze3A = vector.extract %slice3A[0] : i32 from vector<1xi32>
      %slice3A_61 = vector.extract_strided_slice %and3A_60 {offsets = [0], sizes = [1], strides = [1]} : vector<16xi32> to vector<1xi32>
      %squeeze3A_62 = vector.extract %slice3A_61[0] : i32 from vector<1xi32>
      %mul3A_63 = arith.constant 16 : i32
      %mul3A_64 = arith.muli %scan3A_50, %mul3A_63 : i32
      %add3A_65 = arith.constant 0 : i32
      %add3A_66 = arith.addi %mul3A_64, %add3A_65 : i32
      %dma_start3A = arith.constant 0 : i32
      %dma_start3A_67 = tpu.memref_slice %arg9[%add3A_66, %dma_start3A] : memref<256x64xf32, #tpu.memory_space<vmem>> -> memref<1x64xf32, #tpu.memory_space<vmem>>
      %dma_start3A_68 = tpu.memref_squeeze %dma_start3A_67 : memref<1x64xf32, #tpu.memory_space<vmem>> -> memref<64xf32, #tpu.memory_space<vmem>>
      %dma_start3A_69 = arith.constant 0 : i32
      %dma_start3A_70 = tpu.memref_slice %arg4[%squeeze3A, %squeeze3A_62, %dma_start3A_69] : memref<125000x8x64xf32, #tpu.memory_space<hbm>> -> memref<1x1x64xf32, #tpu.memory_space<hbm>>
      %dma_start3A_71 = tpu.memref_squeeze %dma_start3A_70 : memref<1x1x64xf32, #tpu.memory_space<hbm>> -> memref<64xf32, #tpu.memory_space<hbm>>
      %dma_start3A_72 = arith.constant 0 : i32
      %dma_start3A_73 = tpu.memref_slice %arg9[%add3A_66, %dma_start3A_72] : memref<256x64xf32, #tpu.memory_space<vmem>> -> memref<1x64xf32, #tpu.memory_space<vmem>>
      %dma_start3A_74 = tpu.memref_squeeze %dma_start3A_73 : memref<1x64xf32, #tpu.memory_space<vmem>> -> memref<64xf32, #tpu.memory_space<vmem>>
      %dma_start3A_75 = arith.constant 0 : i32
      %dma_start3A_76 = tpu.memref_slice %arg4[%squeeze3A, %squeeze3A_62, %dma_start3A_75] : memref<125000x8x64xf32, #tpu.memory_space<hbm>> -> memref<1x1x64xf32, #tpu.memory_space<hbm>>
      %dma_start3A_77 = tpu.memref_squeeze %dma_start3A_76 : memref<1x1x64xf32, #tpu.memory_space<hbm>> -> memref<64xf32, #tpu.memory_space<hbm>>
      tpu.enqueue_dma source(%dma_start3A_77 : memref<64xf32, #tpu.memory_space<hbm>>) target(%dma_start3A_74 : memref<64xf32, #tpu.memory_space<vmem>>) target_semaphore(%arg10 : memref<!tpu.dma_semaphore, #tpu.memory_space<semaphore_mem>>)
      %slice3A_78 = vector.extract_strided_slice %shift_right_logical3A_58 {offsets = [1], sizes = [1], strides = [1]} : vector<16xi32> to vector<1xi32>
      %squeeze3A_79 = vector.extract %slice3A_78[0] : i32 from vector<1xi32>
      %slice3A_80 = vector.extract_strided_slice %and3A_60 {offsets = [1], sizes = [1], strides = [1]} : vector<16xi32> to vector<1xi32>
      %squeeze3A_81 = vector.extract %slice3A_80[0] : i32 from vector<1xi32>
      %mul3A_82 = arith.constant 16 : i32
      %mul3A_83 = arith.muli %scan3A_50, %mul3A_82 : i32
      %add3A_84 = arith.constant 1 : i32
      %add3A_85 = arith.addi %mul3A_83, %add3A_84 : i32
      %dma_start3A_86 = arith.constant 0 : i32
      %dma_start3A_87 = tpu.memref_slice %arg9[%add3A_85, %dma_start3A_86] : memref<256x64xf32, #tpu.memory_space<vmem>> -> memref<1x64xf32, #tpu.memory_space<vmem>>
      %dma_start3A_88 = tpu.memref_squeeze %dma_start3A_87 : memref<1x64xf32, #tpu.memory_space<vmem>> -> memref<64xf32, #tpu.memory_space<vmem>>
      %dma_start3A_89 = arith.constant 0 : i32
      %dma_start3A_90 = tpu.memref_slice %arg4[%squeeze3A_79, %squeeze3A_81, %dma_start3A_89] : memref<125000x8x64xf32, #tpu.memory_space<hbm>> -> memref<1x1x64xf32, #tpu.memory_space<hbm>>
      %dma_start3A_91 = tpu.memref_squeeze %dma_start3A_90 : memref<1x1x64xf32, #tpu.memory_space<hbm>> -> memref<64xf32, #tpu.memory_space<hbm>>
      %dma_start3A_92 = arith.constant 0 : i32
      %dma_start3A_93 = tpu.memref_slice %arg9[%add3A_85, %dma_start3A_92] : memref<256x64xf32, #tpu.memory_space<vmem>> -> memref<1x64xf32, #tpu.memory_space<vmem>>
      %dma_start3A_94 = tpu.memref_squeeze %dma_start3A_93 : memref<1x64xf32, #tpu.memory_space<vmem>> -> memref<64xf32, #tpu.memory_space<vmem>>
      %dma_start3A_95 = arith.constant 0 : i32
      %dma_start3A_96 = tpu.memref_slice %arg4[%squeeze3A_79, %squeeze3A_81, %dma_start3A_95] : memref<125000x8x64xf32, #tpu.memory_space<hbm>> -> memref<1x1x64xf32, #tpu.memory_space<hbm>>
      %dma_start3A_97 = tpu.memref_squeeze %dma_start3A_96 : memref<1x1x64xf32, #tpu.memory_space<hbm>> -> memref<64xf32, #tpu.memory_space<hbm>>
      tpu.enqueue_dma source(%dma_start3A_97 : memref<64xf32, #tpu.memory_space<hbm>>) target(%dma_start3A_94 : memref<64xf32, #tpu.memory_space<vmem>>) target_semaphore(%arg10 : memref<!tpu.dma_semaphore, #tpu.memory_space<semaphore_mem>>)
      %slice3A_98 = vector.extract_strided_slice %shift_right_logical3A_58 {offsets = [2], sizes = [1], strides = [1]} : vector<16xi32> to vector<1xi32>
      %squeeze3A_99 = vector.extract %slice3A_98[0] : i32 from vector<1xi32>
      %slice3A_100 = vector.extract_strided_slice %and3A_60 {offsets = [2], sizes = [1], strides = [1]} : vector<16xi32> to vector<1xi32>
      %squeeze3A_101 = vector.extract %slice3A_100[0] : i32 from vector<1xi32>
      %mul3A_102 = arith.constant 16 : i32
      %mul3A_103 = arith.muli %scan3A_50, %mul3A_102 : i32
      %add3A_104 = arith.constant 2 : i32
      %add3A_105 = arith.addi %mul3A_103, %add3A_104 : i32
      %dma_start3A_106 = arith.constant 0 : i32
      %dma_start3A_107 = tpu.memref_slice %arg9[%add3A_105, %dma_start3A_106] : memref<256x64xf32, #tpu.memory_space<vmem>> -> memref<1x64xf32, #tpu.memory_space<vmem>>
      %dma_start3A_108 = tpu.memref_squeeze %dma_start3A_107 : memref<1x64xf32, #tpu.memory_space<vmem>> -> memref<64xf32, #tpu.memory_space<vmem>>
      %dma_start3A_109 = arith.constant 0 : i32
      %dma_start3A_110 = tpu.memref_slice %arg4[%squeeze3A_99, %squeeze3A_101, %dma_start3A_109] : memref<125000x8x64xf32, #tpu.memory_space<hbm>> -> memref<1x1x64xf32, #tpu.memory_space<hbm>>
      %dma_start3A_111 = tpu.memref_squeeze %dma_start3A_110 : memref<1x1x64xf32, #tpu.memory_space<hbm>> -> memref<64xf32, #tpu.memory_space<hbm>>
      %dma_start3A_112 = arith.constant 0 : i32
      %dma_start3A_113 = tpu.memref_slice %arg9[%add3A_105, %dma_start3A_112] : memref<256x64xf32, #tpu.memory_space<vmem>> -> memref<1x64xf32, #tpu.memory_space<vmem>>
      %dma_start3A_114 = tpu.memref_squeeze %dma_start3A_113 : memref<1x64xf32, #tpu.memory_space<vmem>> -> memref<64xf32, #tpu.memory_space<vmem>>
      %dma_start3A_115 = arith.constant 0 : i32
      %dma_start3A_116 = tpu.memref_slice %arg4[%squeeze3A_99, %squeeze3A_101, %dma_start3A_115] : memref<125000x8x64xf32, #tpu.memory_space<hbm>> -> memref<1x1x64xf32, #tpu.memory_space<hbm>>
      %dma_start3A_117 = tpu.memref_squeeze %dma_start3A_116 : memref<1x1x64xf32, #tpu.memory_space<hbm>> -> memref<64xf32, #tpu.memory_space<hbm>>
      tpu.enqueue_dma source(%dma_start3A_117 : memref<64xf32, #tpu.memory_space<hbm>>) target(%dma_start3A_114 : memref<64xf32, #tpu.memory_space<vmem>>) target_semaphore(%arg10 : memref<!tpu.dma_semaphore, #tpu.memory_space<semaphore_mem>>)
      %slice3A_118 = vector.extract_strided_slice %shift_right_logical3A_58 {offsets = [3], sizes = [1], strides = [1]} : vector<16xi32> to vector<1xi32>
      %squeeze3A_119 = vector.extract %slice3A_118[0] : i32 from vector<1xi32>
      %slice3A_120 = vector.extract_strided_slice %and3A_60 {offsets = [3], sizes = [1], strides = [1]} : vector<16xi32> to vector<1xi32>
      %squeeze3A_121 = vector.extract %slice3A_120[0] : i32 from vector<1xi32>
      %mul3A_122 = arith.constant 16 : i32
      %mul3A_123 = arith.muli %scan3A_50, %mul3A_122 : i32
      %add3A_124 = arith.constant 3 : i32
      %add3A_125 = arith.addi %mul3A_123, %add3A_124 : i32
      %dma_start3A_126 = arith.constant 0 : i32
      %dma_start3A_127 = tpu.memref_slice %arg9[%add3A_125, %dma_start3A_126] : memref<256x64xf32, #tpu.memory_space<vmem>> -> memref<1x64xf32, #tpu.memory_space<vmem>>
      %dma_start3A_128 = tpu.memref_squeeze %dma_start3A_127 : memref<1x64xf32, #tpu.memory_space<vmem>> -> memref<64xf32, #tpu.memory_space<vmem>>
      %dma_start3A_129 = arith.constant 0 : i32
      %dma_start3A_130 = tpu.memref_slice %arg4[%squeeze3A_119, %squeeze3A_121, %dma_start3A_129] : memref<125000x8x64xf32, #tpu.memory_space<hbm>> -> memref<1x1x64xf32, #tpu.memory_space<hbm>>
      %dma_start3A_131 = tpu.memref_squeeze %dma_start3A_130 : memref<1x1x64xf32, #tpu.memory_space<hbm>> -> memref<64xf32, #tpu.memory_space<hbm>>
      %dma_start3A_132 = arith.constant 0 : i32
      %dma_start3A_133 = tpu.memref_slice %arg9[%add3A_125, %dma_start3A_132] : memref<256x64xf32, #tpu.memory_space<vmem>> -> memref<1x64xf32, #tpu.memory_space<vmem>>
      %dma_start3A_134 = tpu.memref_squeeze %dma_start3A_133 : memref<1x64xf32, #tpu.memory_space<vmem>> -> memref<64xf32, #tpu.memory_space<vmem>>
      %dma_start3A_135 = arith.constant 0 : i32
      %dma_start3A_136 = tpu.memref_slice %arg4[%squeeze3A_119, %squeeze3A_121, %dma_start3A_135] : memref<125000x8x64xf32, #tpu.memory_space<hbm>> -> memref<1x1x64xf32, #tpu.memory_space<hbm>>
      %dma_start3A_137 = tpu.memref_squeeze %dma_start3A_136 : memref<1x1x64xf32, #tpu.memory_space<hbm>> -> memref<64xf32, #tpu.memory_space<hbm>>
      tpu.enqueue_dma source(%dma_start3A_137 : memref<64xf32, #tpu.memory_space<hbm>>) target(%dma_start3A_134 : memref<64xf32, #tpu.memory_space<vmem>>) target_semaphore(%arg10 : memref<!tpu.dma_semaphore, #tpu.memory_space<semaphore_mem>>)
      %slice3A_138 = vector.extract_strided_slice %shift_right_logical3A_58 {offsets = [4], sizes = [1], strides = [1]} : vector<16xi32> to vector<1xi32>
      %squeeze3A_139 = vector.extract %slice3A_138[0] : i32 from vector<1xi32>
      %slice3A_140 = vector.extract_strided_slice %and3A_60 {offsets = [4], sizes = [1], strides = [1]} : vector<16xi32> to vector<1xi32>
      %squeeze3A_141 = vector.extract %slice3A_140[0] : i32 from vector<1xi32>
      %mul3A_142 = arith.constant 16 : i32
      %mul3A_143 = arith.muli %scan3A_50, %mul3A_142 : i32
      %add3A_144 = arith.constant 4 : i32
      %add3A_145 = arith.addi %mul3A_143, %add3A_144 : i32
      %dma_start3A_146 = arith.constant 0 : i32
      %dma_start3A_147 = tpu.memref_slice %arg9[%add3A_145, %dma_start3A_146] : memref<256x64xf32, #tpu.memory_space<vmem>> -> memref<1x64xf32, #tpu.memory_space<vmem>>
      %dma_start3A_148 = tpu.memref_squeeze %dma_start3A_147 : memref<1x64xf32, #tpu.memory_space<vmem>> -> memref<64xf32, #tpu.memory_space<vmem>>
      %dma_start3A_149 = arith.constant 0 : i32
      %dma_start3A_150 = tpu.memref_slice %arg4[%squeeze3A_139, %squeeze3A_141, %dma_start3A_149] : memref<125000x8x64xf32, #tpu.memory_space<hbm>> -> memref<1x1x64xf32, #tpu.memory_space<hbm>>
      %dma_start3A_151 = tpu.memref_squeeze %dma_start3A_150 : memref<1x1x64xf32, #tpu.memory_space<hbm>> -> memref<64xf32, #tpu.memory_space<hbm>>
      %dma_start3A_152 = arith.constant 0 : i32
      %dma_start3A_153 = tpu.memref_slice %arg9[%add3A_145, %dma_start3A_152] : memref<256x64xf32, #tpu.memory_space<vmem>> -> memref<1x64xf32, #tpu.memory_space<vmem>>
      %dma_start3A_154 = tpu.memref_squeeze %dma_start3A_153 : memref<1x64xf32, #tpu.memory_space<vmem>> -> memref<64xf32, #tpu.memory_space<vmem>>
      %dma_start3A_155 = arith.constant 0 : i32
      %dma_start3A_156 = tpu.memref_slice %arg4[%squeeze3A_139, %squeeze3A_141, %dma_start3A_155] : memref<125000x8x64xf32, #tpu.memory_space<hbm>> -> memref<1x1x64xf32, #tpu.memory_space<hbm>>
      %dma_start3A_157 = tpu.memref_squeeze %dma_start3A_156 : memref<1x1x64xf32, #tpu.memory_space<hbm>> -> memref<64xf32, #tpu.memory_space<hbm>>
      tpu.enqueue_dma source(%dma_start3A_157 : memref<64xf32, #tpu.memory_space<hbm>>) target(%dma_start3A_154 : memref<64xf32, #tpu.memory_space<vmem>>) target_semaphore(%arg10 : memref<!tpu.dma_semaphore, #tpu.memory_space<semaphore_mem>>)
      %slice3A_158 = vector.extract_strided_slice %shift_right_logical3A_58 {offsets = [5], sizes = [1], strides = [1]} : vector<16xi32> to vector<1xi32>
      %squeeze3A_159 = vector.extract %slice3A_158[0] : i32 from vector<1xi32>
      %slice3A_160 = vector.extract_strided_slice %and3A_60 {offsets = [5], sizes = [1], strides = [1]} : vector<16xi32> to vector<1xi32>
      %squeeze3A_161 = vector.extract %slice3A_160[0] : i32 from vector<1xi32>
      %mul3A_162 = arith.constant 16 : i32
      %mul3A_163 = arith.muli %scan3A_50, %mul3A_162 : i32
      %add3A_164 = arith.constant 5 : i32
      %add3A_165 = arith.addi %mul3A_163, %add3A_164 : i32
      %dma_start3A_166 = arith.constant 0 : i32
      %dma_start3A_167 = tpu.memref_slice %arg9[%add3A_165, %dma_start3A_166] : memref<256x64xf32, #tpu.memory_space<vmem>> -> memref<1x64xf32, #tpu.memory_space<vmem>>
      %dma_start3A_168 = tpu.memref_squeeze %dma_start3A_167 : memref<1x64xf32, #tpu.memory_space<vmem>> -> memref<64xf32, #tpu.memory_space<vmem>>
      %dma_start3A_169 = arith.constant 0 : i32
      %dma_start3A_170 = tpu.memref_slice %arg4[%squeeze3A_159, %squeeze3A_161, %dma_start3A_169] : memref<125000x8x64xf32, #tpu.memory_space<hbm>> -> memref<1x1x64xf32, #tpu.memory_space<hbm>>
      %dma_start3A_171 = tpu.memref_squeeze %dma_start3A_170 : memref<1x1x64xf32, #tpu.memory_space<hbm>> -> memref<64xf32, #tpu.memory_space<hbm>>
      %dma_start3A_172 = arith.constant 0 : i32
      %dma_start3A_173 = tpu.memref_slice %arg9[%add3A_165, %dma_start3A_172] : memref<256x64xf32, #tpu.memory_space<vmem>> -> memref<1x64xf32, #tpu.memory_space<vmem>>
      %dma_start3A_174 = tpu.memref_squeeze %dma_start3A_173 : memref<1x64xf32, #tpu.memory_space<vmem>> -> memref<64xf32, #tpu.memory_space<vmem>>
      %dma_start3A_175 = arith.constant 0 : i32
      %dma_start3A_176 = tpu.memref_slice %arg4[%squeeze3A_159, %squeeze3A_161, %dma_start3A_175] : memref<125000x8x64xf32, #tpu.memory_space<hbm>> -> memref<1x1x64xf32, #tpu.memory_space<hbm>>
      %dma_start3A_177 = tpu.memref_squeeze %dma_start3A_176 : memref<1x1x64xf32, #tpu.memory_space<hbm>> -> memref<64xf32, #tpu.memory_space<hbm>>
      tpu.enqueue_dma source(%dma_start3A_177 : memref<64xf32, #tpu.memory_space<hbm>>) target(%dma_start3A_174 : memref<64xf32, #tpu.memory_space<vmem>>) target_semaphore(%arg10 : memref<!tpu.dma_semaphore, #tpu.memory_space<semaphore_mem>>)
      %slice3A_178 = vector.extract_strided_slice %shift_right_logical3A_58 {offsets = [6], sizes = [1], strides = [1]} : vector<16xi32> to vector<1xi32>
      %squeeze3A_179 = vector.extract %slice3A_178[0] : i32 from vector<1xi32>
      %slice3A_180 = vector.extract_strided_slice %and3A_60 {offsets = [6], sizes = [1], strides = [1]} : vector<16xi32> to vector<1xi32>
      %squeeze3A_181 = vector.extract %slice3A_180[0] : i32 from vector<1xi32>
      %mul3A_182 = arith.constant 16 : i32
      %mul3A_183 = arith.muli %scan3A_50, %mul3A_182 : i32
      %add3A_184 = arith.constant 6 : i32
      %add3A_185 = arith.addi %mul3A_183, %add3A_184 : i32
      %dma_start3A_186 = arith.constant 0 : i32
      %dma_start3A_187 = tpu.memref_slice %arg9[%add3A_185, %dma_start3A_186] : memref<256x64xf32, #tpu.memory_space<vmem>> -> memref<1x64xf32, #tpu.memory_space<vmem>>
      %dma_start3A_188 = tpu.memref_squeeze %dma_start3A_187 : memref<1x64xf32, #tpu.memory_space<vmem>> -> memref<64xf32, #tpu.memory_space<vmem>>
      %dma_start3A_189 = arith.constant 0 : i32
      %dma_start3A_190 = tpu.memref_slice %arg4[%squeeze3A_179, %squeeze3A_181, %dma_start3A_189] : memref<125000x8x64xf32, #tpu.memory_space<hbm>> -> memref<1x1x64xf32, #tpu.memory_space<hbm>>
      %dma_start3A_191 = tpu.memref_squeeze %dma_start3A_190 : memref<1x1x64xf32, #tpu.memory_space<hbm>> -> memref<64xf32, #tpu.memory_space<hbm>>
      %dma_start3A_192 = arith.constant 0 : i32
      %dma_start3A_193 = tpu.memref_slice %arg9[%add3A_185, %dma_start3A_192] : memref<256x64xf32, #tpu.memory_space<vmem>> -> memref<1x64xf32, #tpu.memory_space<vmem>>
      %dma_start3A_194 = tpu.memref_squeeze %dma_start3A_193 : memref<1x64xf32, #tpu.memory_space<vmem>> -> memref<64xf32, #tpu.memory_space<vmem>>
      %dma_start3A_195 = arith.constant 0 : i32
      %dma_start3A_196 = tpu.memref_slice %arg4[%squeeze3A_179, %squeeze3A_181, %dma_start3A_195] : memref<125000x8x64xf32, #tpu.memory_space<hbm>> -> memref<1x1x64xf32, #tpu.memory_space<hbm>>
      %dma_start3A_197 = tpu.memref_squeeze %dma_start3A_196 : memref<1x1x64xf32, #tpu.memory_space<hbm>> -> memref<64xf32, #tpu.memory_space<hbm>>
      tpu.enqueue_dma source(%dma_start3A_197 : memref<64xf32, #tpu.memory_space<hbm>>) target(%dma_start3A_194 : memref<64xf32, #tpu.memory_space<vmem>>) target_semaphore(%arg10 : memref<!tpu.dma_semaphore, #tpu.memory_space<semaphore_mem>>)
      %slice3A_198 = vector.extract_strided_slice %shift_right_logical3A_58 {offsets = [7], sizes = [1], strides = [1]} : vector<16xi32> to vector<1xi32>
      %squeeze3A_199 = vector.extract %slice3A_198[0] : i32 from vector<1xi32>
      %slice3A_200 = vector.extract_strided_slice %and3A_60 {offsets = [7], sizes = [1], strides = [1]} : vector<16xi32> to vector<1xi32>
      %squeeze3A_201 = vector.extract %slice3A_200[0] : i32 from vector<1xi32>
      %mul3A_202 = arith.constant 16 : i32
      %mul3A_203 = arith.muli %scan3A_50, %mul3A_202 : i32
      %add3A_204 = arith.constant 7 : i32
      %add3A_205 = arith.addi %mul3A_203, %add3A_204 : i32
      %dma_start3A_206 = arith.constant 0 : i32
      %dma_start3A_207 = tpu.memref_slice %arg9[%add3A_205, %dma_start3A_206] : memref<256x64xf32, #tpu.memory_space<vmem>> -> memref<1x64xf32, #tpu.memory_space<vmem>>
      %dma_start3A_208 = tpu.memref_squeeze %dma_start3A_207 : memref<1x64xf32, #tpu.memory_space<vmem>> -> memref<64xf32, #tpu.memory_space<vmem>>
      %dma_start3A_209 = arith.constant 0 : i32
      %dma_start3A_210 = tpu.memref_slice %arg4[%squeeze3A_199, %squeeze3A_201, %dma_start3A_209] : memref<125000x8x64xf32, #tpu.memory_space<hbm>> -> memref<1x1x64xf32, #tpu.memory_space<hbm>>
      %dma_start3A_211 = tpu.memref_squeeze %dma_start3A_210 : memref<1x1x64xf32, #tpu.memory_space<hbm>> -> memref<64xf32, #tpu.memory_space<hbm>>
      %dma_start3A_212 = arith.constant 0 : i32
      %dma_start3A_213 = tpu.memref_slice %arg9[%add3A_205, %dma_start3A_212] : memref<256x64xf32, #tpu.memory_space<vmem>> -> memref<1x64xf32, #tpu.memory_space<vmem>>
      %dma_start3A_214 = tpu.memref_squeeze %dma_start3A_213 : memref<1x64xf32, #tpu.memory_space<vmem>> -> memref<64xf32, #tpu.memory_space<vmem>>
      %dma_start3A_215 = arith.constant 0 : i32
      %dma_start3A_216 = tpu.memref_slice %arg4[%squeeze3A_199, %squeeze3A_201, %dma_start3A_215] : memref<125000x8x64xf32, #tpu.memory_space<hbm>> -> memref<1x1x64xf32, #tpu.memory_space<hbm>>
      %dma_start3A_217 = tpu.memref_squeeze %dma_start3A_216 : memref<1x1x64xf32, #tpu.memory_space<hbm>> -> memref<64xf32, #tpu.memory_space<hbm>>
      tpu.enqueue_dma source(%dma_start3A_217 : memref<64xf32, #tpu.memory_space<hbm>>) target(%dma_start3A_214 : memref<64xf32, #tpu.memory_space<vmem>>) target_semaphore(%arg10 : memref<!tpu.dma_semaphore, #tpu.memory_space<semaphore_mem>>)
      %slice3A_218 = vector.extract_strided_slice %shift_right_logical3A_58 {offsets = [8], sizes = [1], strides = [1]} : vector<16xi32> to vector<1xi32>
      %squeeze3A_219 = vector.extract %slice3A_218[0] : i32 from vector<1xi32>
      %slice3A_220 = vector.extract_strided_slice %and3A_60 {offsets = [8], sizes = [1], strides = [1]} : vector<16xi32> to vector<1xi32>
      %squeeze3A_221 = vector.extract %slice3A_220[0] : i32 from vector<1xi32>
      %mul3A_222 = arith.constant 16 : i32
      %mul3A_223 = arith.muli %scan3A_50, %mul3A_222 : i32
      %add3A_224 = arith.constant 8 : i32
      %add3A_225 = arith.addi %mul3A_223, %add3A_224 : i32
      %dma_start3A_226 = arith.constant 0 : i32
      %dma_start3A_227 = tpu.memref_slice %arg9[%add3A_225, %dma_start3A_226] : memref<256x64xf32, #tpu.memory_space<vmem>> -> memref<1x64xf32, #tpu.memory_space<vmem>>
      %dma_start3A_228 = tpu.memref_squeeze %dma_start3A_227 : memref<1x64xf32, #tpu.memory_space<vmem>> -> memref<64xf32, #tpu.memory_space<vmem>>
      %dma_start3A_229 = arith.constant 0 : i32
      %dma_start3A_230 = tpu.memref_slice %arg4[%squeeze3A_219, %squeeze3A_221, %dma_start3A_229] : memref<125000x8x64xf32, #tpu.memory_space<hbm>> -> memref<1x1x64xf32, #tpu.memory_space<hbm>>
      %dma_start3A_231 = tpu.memref_squeeze %dma_start3A_230 : memref<1x1x64xf32, #tpu.memory_space<hbm>> -> memref<64xf32, #tpu.memory_space<hbm>>
      %dma_start3A_232 = arith.constant 0 : i32
      %dma_start3A_233 = tpu.memref_slice %arg9[%add3A_225, %dma_start3A_232] : memref<256x64xf32, #tpu.memory_space<vmem>> -> memref<1x64xf32, #tpu.memory_space<vmem>>
      %dma_start3A_234 = tpu.memref_squeeze %dma_start3A_233 : memref<1x64xf32, #tpu.memory_space<vmem>> -> memref<64xf32, #tpu.memory_space<vmem>>
      %dma_start3A_235 = arith.constant 0 : i32
      %dma_start3A_236 = tpu.memref_slice %arg4[%squeeze3A_219, %squeeze3A_221, %dma_start3A_235] : memref<125000x8x64xf32, #tpu.memory_space<hbm>> -> memref<1x1x64xf32, #tpu.memory_space<hbm>>
      %dma_start3A_237 = tpu.memref_squeeze %dma_start3A_236 : memref<1x1x64xf32, #tpu.memory_space<hbm>> -> memref<64xf32, #tpu.memory_space<hbm>>
      tpu.enqueue_dma source(%dma_start3A_237 : memref<64xf32, #tpu.memory_space<hbm>>) target(%dma_start3A_234 : memref<64xf32, #tpu.memory_space<vmem>>) target_semaphore(%arg10 : memref<!tpu.dma_semaphore, #tpu.memory_space<semaphore_mem>>)
      %slice3A_238 = vector.extract_strided_slice %shift_right_logical3A_58 {offsets = [9], sizes = [1], strides = [1]} : vector<16xi32> to vector<1xi32>
      %squeeze3A_239 = vector.extract %slice3A_238[0] : i32 from vector<1xi32>
      %slice3A_240 = vector.extract_strided_slice %and3A_60 {offsets = [9], sizes = [1], strides = [1]} : vector<16xi32> to vector<1xi32>
      %squeeze3A_241 = vector.extract %slice3A_240[0] : i32 from vector<1xi32>
      %mul3A_242 = arith.constant 16 : i32
      %mul3A_243 = arith.muli %scan3A_50, %mul3A_242 : i32
      %add3A_244 = arith.constant 9 : i32
      %add3A_245 = arith.addi %mul3A_243, %add3A_244 : i32
      %dma_start3A_246 = arith.constant 0 : i32
      %dma_start3A_247 = tpu.memref_slice %arg9[%add3A_245, %dma_start3A_246] : memref<256x64xf32, #tpu.memory_space<vmem>> -> memref<1x64xf32, #tpu.memory_space<vmem>>
      %dma_start3A_248 = tpu.memref_squeeze %dma_start3A_247 : memref<1x64xf32, #tpu.memory_space<vmem>> -> memref<64xf32, #tpu.memory_space<vmem>>
      %dma_start3A_249 = arith.constant 0 : i32
      %dma_start3A_250 = tpu.memref_slice %arg4[%squeeze3A_239, %squeeze3A_241, %dma_start3A_249] : memref<125000x8x64xf32, #tpu.memory_space<hbm>> -> memref<1x1x64xf32, #tpu.memory_space<hbm>>
      %dma_start3A_251 = tpu.memref_squeeze %dma_start3A_250 : memref<1x1x64xf32, #tpu.memory_space<hbm>> -> memref<64xf32, #tpu.memory_space<hbm>>
      %dma_start3A_252 = arith.constant 0 : i32
      %dma_start3A_253 = tpu.memref_slice %arg9[%add3A_245, %dma_start3A_252] : memref<256x64xf32, #tpu.memory_space<vmem>> -> memref<1x64xf32, #tpu.memory_space<vmem>>
      %dma_start3A_254 = tpu.memref_squeeze %dma_start3A_253 : memref<1x64xf32, #tpu.memory_space<vmem>> -> memref<64xf32, #tpu.memory_space<vmem>>
      %dma_start3A_255 = arith.constant 0 : i32
      %dma_start3A_256 = tpu.memref_slice %arg4[%squeeze3A_239, %squeeze3A_241, %dma_start3A_255] : memref<125000x8x64xf32, #tpu.memory_space<hbm>> -> memref<1x1x64xf32, #tpu.memory_space<hbm>>
      %dma_start3A_257 = tpu.memref_squeeze %dma_start3A_256 : memref<1x1x64xf32, #tpu.memory_space<hbm>> -> memref<64xf32, #tpu.memory_space<hbm>>
      tpu.enqueue_dma source(%dma_start3A_257 : memref<64xf32, #tpu.memory_space<hbm>>) target(%dma_start3A_254 : memref<64xf32, #tpu.memory_space<vmem>>) target_semaphore(%arg10 : memref<!tpu.dma_semaphore, #tpu.memory_space<semaphore_mem>>)
      %slice3A_258 = vector.extract_strided_slice %shift_right_logical3A_58 {offsets = [10], sizes = [1], strides = [1]} : vector<16xi32> to vector<1xi32>
      %squeeze3A_259 = vector.extract %slice3A_258[0] : i32 from vector<1xi32>
      %slice3A_260 = vector.extract_strided_slice %and3A_60 {offsets = [10], sizes = [1], strides = [1]} : vector<16xi32> to vector<1xi32>
      %squeeze3A_261 = vector.extract %slice3A_260[0] : i32 from vector<1xi32>
      %mul3A_262 = arith.constant 16 : i32
      %mul3A_263 = arith.muli %scan3A_50, %mul3A_262 : i32
      %add3A_264 = arith.constant 10 : i32
      %add3A_265 = arith.addi %mul3A_263, %add3A_264 : i32
      %dma_start3A_266 = arith.constant 0 : i32
      %dma_start3A_267 = tpu.memref_slice %arg9[%add3A_265, %dma_start3A_266] : memref<256x64xf32, #tpu.memory_space<vmem>> -> memref<1x64xf32, #tpu.memory_space<vmem>>
      %dma_start3A_268 = tpu.memref_squeeze %dma_start3A_267 : memref<1x64xf32, #tpu.memory_space<vmem>> -> memref<64xf32, #tpu.memory_space<vmem>>
      %dma_start3A_269 = arith.constant 0 : i32
      %dma_start3A_270 = tpu.memref_slice %arg4[%squeeze3A_259, %squeeze3A_261, %dma_start3A_269] : memref<125000x8x64xf32, #tpu.memory_space<hbm>> -> memref<1x1x64xf32, #tpu.memory_space<hbm>>
      %dma_start3A_271 = tpu.memref_squeeze %dma_start3A_270 : memref<1x1x64xf32, #tpu.memory_space<hbm>> -> memref<64xf32, #tpu.memory_space<hbm>>
      %dma_start3A_272 = arith.constant 0 : i32
      %dma_start3A_273 = tpu.memref_slice %arg9[%add3A_265, %dma_start3A_272] : memref<256x64xf32, #tpu.memory_space<vmem>> -> memref<1x64xf32, #tpu.memory_space<vmem>>
      %dma_start3A_274 = tpu.memref_squeeze %dma_start3A_273 : memref<1x64xf32, #tpu.memory_space<vmem>> -> memref<64xf32, #tpu.memory_space<vmem>>
      %dma_start3A_275 = arith.constant 0 : i32
      %dma_start3A_276 = tpu.memref_slice %arg4[%squeeze3A_259, %squeeze3A_261, %dma_start3A_275] : memref<125000x8x64xf32, #tpu.memory_space<hbm>> -> memref<1x1x64xf32, #tpu.memory_space<hbm>>
      %dma_start3A_277 = tpu.memref_squeeze %dma_start3A_276 : memref<1x1x64xf32, #tpu.memory_space<hbm>> -> memref<64xf32, #tpu.memory_space<hbm>>
      tpu.enqueue_dma source(%dma_start3A_277 : memref<64xf32, #tpu.memory_space<hbm>>) target(%dma_start3A_274 : memref<64xf32, #tpu.memory_space<vmem>>) target_semaphore(%arg10 : memref<!tpu.dma_semaphore, #tpu.memory_space<semaphore_mem>>)
      %slice3A_278 = vector.extract_strided_slice %shift_right_logical3A_58 {offsets = [11], sizes = [1], strides = [1]} : vector<16xi32> to vector<1xi32>
      %squeeze3A_279 = vector.extract %slice3A_278[0] : i32 from vector<1xi32>
      %slice3A_280 = vector.extract_strided_slice %and3A_60 {offsets = [11], sizes = [1], strides = [1]} : vector<16xi32> to vector<1xi32>
      %squeeze3A_281 = vector.extract %slice3A_280[0] : i32 from vector<1xi32>
      %mul3A_282 = arith.constant 16 : i32
      %mul3A_283 = arith.muli %scan3A_50, %mul3A_282 : i32
      %add3A_284 = arith.constant 11 : i32
      %add3A_285 = arith.addi %mul3A_283, %add3A_284 : i32
      %dma_start3A_286 = arith.constant 0 : i32
      %dma_start3A_287 = tpu.memref_slice %arg9[%add3A_285, %dma_start3A_286] : memref<256x64xf32, #tpu.memory_space<vmem>> -> memref<1x64xf32, #tpu.memory_space<vmem>>
      %dma_start3A_288 = tpu.memref_squeeze %dma_start3A_287 : memref<1x64xf32, #tpu.memory_space<vmem>> -> memref<64xf32, #tpu.memory_space<vmem>>
      %dma_start3A_289 = arith.constant 0 : i32
      %dma_start3A_290 = tpu.memref_slice %arg4[%squeeze3A_279, %squeeze3A_281, %dma_start3A_289] : memref<125000x8x64xf32, #tpu.memory_space<hbm>> -> memref<1x1x64xf32, #tpu.memory_space<hbm>>
      %dma_start3A_291 = tpu.memref_squeeze %dma_start3A_290 : memref<1x1x64xf32, #tpu.memory_space<hbm>> -> memref<64xf32, #tpu.memory_space<hbm>>
      %dma_start3A_292 = arith.constant 0 : i32
      %dma_start3A_293 = tpu.memref_slice %arg9[%add3A_285, %dma_start3A_292] : memref<256x64xf32, #tpu.memory_space<vmem>> -> memref<1x64xf32, #tpu.memory_space<vmem>>
      %dma_start3A_294 = tpu.memref_squeeze %dma_start3A_293 : memref<1x64xf32, #tpu.memory_space<vmem>> -> memref<64xf32, #tpu.memory_space<vmem>>
      %dma_start3A_295 = arith.constant 0 : i32
      %dma_start3A_296 = tpu.memref_slice %arg4[%squeeze3A_279, %squeeze3A_281, %dma_start3A_295] : memref<125000x8x64xf32, #tpu.memory_space<hbm>> -> memref<1x1x64xf32, #tpu.memory_space<hbm>>
      %dma_start3A_297 = tpu.memref_squeeze %dma_start3A_296 : memref<1x1x64xf32, #tpu.memory_space<hbm>> -> memref<64xf32, #tpu.memory_space<hbm>>
      tpu.enqueue_dma source(%dma_start3A_297 : memref<64xf32, #tpu.memory_space<hbm>>) target(%dma_start3A_294 : memref<64xf32, #tpu.memory_space<vmem>>) target_semaphore(%arg10 : memref<!tpu.dma_semaphore, #tpu.memory_space<semaphore_mem>>)
      %slice3A_298 = vector.extract_strided_slice %shift_right_logical3A_58 {offsets = [12], sizes = [1], strides = [1]} : vector<16xi32> to vector<1xi32>
      %squeeze3A_299 = vector.extract %slice3A_298[0] : i32 from vector<1xi32>
      %slice3A_300 = vector.extract_strided_slice %and3A_60 {offsets = [12], sizes = [1], strides = [1]} : vector<16xi32> to vector<1xi32>
      %squeeze3A_301 = vector.extract %slice3A_300[0] : i32 from vector<1xi32>
      %mul3A_302 = arith.constant 16 : i32
      %mul3A_303 = arith.muli %scan3A_50, %mul3A_302 : i32
      %add3A_304 = arith.constant 12 : i32
      %add3A_305 = arith.addi %mul3A_303, %add3A_304 : i32
      %dma_start3A_306 = arith.constant 0 : i32
      %dma_start3A_307 = tpu.memref_slice %arg9[%add3A_305, %dma_start3A_306] : memref<256x64xf32, #tpu.memory_space<vmem>> -> memref<1x64xf32, #tpu.memory_space<vmem>>
      %dma_start3A_308 = tpu.memref_squeeze %dma_start3A_307 : memref<1x64xf32, #tpu.memory_space<vmem>> -> memref<64xf32, #tpu.memory_space<vmem>>
      %dma_start3A_309 = arith.constant 0 : i32
      %dma_start3A_310 = tpu.memref_slice %arg4[%squeeze3A_299, %squeeze3A_301, %dma_start3A_309] : memref<125000x8x64xf32, #tpu.memory_space<hbm>> -> memref<1x1x64xf32, #tpu.memory_space<hbm>>
      %dma_start3A_311 = tpu.memref_squeeze %dma_start3A_310 : memref<1x1x64xf32, #tpu.memory_space<hbm>> -> memref<64xf32, #tpu.memory_space<hbm>>
      %dma_start3A_312 = arith.constant 0 : i32
      %dma_start3A_313 = tpu.memref_slice %arg9[%add3A_305, %dma_start3A_312] : memref<256x64xf32, #tpu.memory_space<vmem>> -> memref<1x64xf32, #tpu.memory_space<vmem>>
      %dma_start3A_314 = tpu.memref_squeeze %dma_start3A_313 : memref<1x64xf32, #tpu.memory_space<vmem>> -> memref<64xf32, #tpu.memory_space<vmem>>
      %dma_start3A_315 = arith.constant 0 : i32
      %dma_start3A_316 = tpu.memref_slice %arg4[%squeeze3A_299, %squeeze3A_301, %dma_start3A_315] : memref<125000x8x64xf32, #tpu.memory_space<hbm>> -> memref<1x1x64xf32, #tpu.memory_space<hbm>>
      %dma_start3A_317 = tpu.memref_squeeze %dma_start3A_316 : memref<1x1x64xf32, #tpu.memory_space<hbm>> -> memref<64xf32, #tpu.memory_space<hbm>>
      tpu.enqueue_dma source(%dma_start3A_317 : memref<64xf32, #tpu.memory_space<hbm>>) target(%dma_start3A_314 : memref<64xf32, #tpu.memory_space<vmem>>) target_semaphore(%arg10 : memref<!tpu.dma_semaphore, #tpu.memory_space<semaphore_mem>>)
      %slice3A_318 = vector.extract_strided_slice %shift_right_logical3A_58 {offsets = [13], sizes = [1], strides = [1]} : vector<16xi32> to vector<1xi32>
      %squeeze3A_319 = vector.extract %slice3A_318[0] : i32 from vector<1xi32>
      %slice3A_320 = vector.extract_strided_slice %and3A_60 {offsets = [13], sizes = [1], strides = [1]} : vector<16xi32> to vector<1xi32>
      %squeeze3A_321 = vector.extract %slice3A_320[0] : i32 from vector<1xi32>
      %mul3A_322 = arith.constant 16 : i32
      %mul3A_323 = arith.muli %scan3A_50, %mul3A_322 : i32
      %add3A_324 = arith.constant 13 : i32
      %add3A_325 = arith.addi %mul3A_323, %add3A_324 : i32
      %dma_start3A_326 = arith.constant 0 : i32
      %dma_start3A_327 = tpu.memref_slice %arg9[%add3A_325, %dma_start3A_326] : memref<256x64xf32, #tpu.memory_space<vmem>> -> memref<1x64xf32, #tpu.memory_space<vmem>>
      %dma_start3A_328 = tpu.memref_squeeze %dma_start3A_327 : memref<1x64xf32, #tpu.memory_space<vmem>> -> memref<64xf32, #tpu.memory_space<vmem>>
      %dma_start3A_329 = arith.constant 0 : i32
      %dma_start3A_330 = tpu.memref_slice %arg4[%squeeze3A_319, %squeeze3A_321, %dma_start3A_329] : memref<125000x8x64xf32, #tpu.memory_space<hbm>> -> memref<1x1x64xf32, #tpu.memory_space<hbm>>
      %dma_start3A_331 = tpu.memref_squeeze %dma_start3A_330 : memref<1x1x64xf32, #tpu.memory_space<hbm>> -> memref<64xf32, #tpu.memory_space<hbm>>
      %dma_start3A_332 = arith.constant 0 : i32
      %dma_start3A_333 = tpu.memref_slice %arg9[%add3A_325, %dma_start3A_332] : memref<256x64xf32, #tpu.memory_space<vmem>> -> memref<1x64xf32, #tpu.memory_space<vmem>>
      %dma_start3A_334 = tpu.memref_squeeze %dma_start3A_333 : memref<1x64xf32, #tpu.memory_space<vmem>> -> memref<64xf32, #tpu.memory_space<vmem>>
      %dma_start3A_335 = arith.constant 0 : i32
      %dma_start3A_336 = tpu.memref_slice %arg4[%squeeze3A_319, %squeeze3A_321, %dma_start3A_335] : memref<125000x8x64xf32, #tpu.memory_space<hbm>> -> memref<1x1x64xf32, #tpu.memory_space<hbm>>
      %dma_start3A_337 = tpu.memref_squeeze %dma_start3A_336 : memref<1x1x64xf32, #tpu.memory_space<hbm>> -> memref<64xf32, #tpu.memory_space<hbm>>
      tpu.enqueue_dma source(%dma_start3A_337 : memref<64xf32, #tpu.memory_space<hbm>>) target(%dma_start3A_334 : memref<64xf32, #tpu.memory_space<vmem>>) target_semaphore(%arg10 : memref<!tpu.dma_semaphore, #tpu.memory_space<semaphore_mem>>)
      %slice3A_338 = vector.extract_strided_slice %shift_right_logical3A_58 {offsets = [14], sizes = [1], strides = [1]} : vector<16xi32> to vector<1xi32>
      %squeeze3A_339 = vector.extract %slice3A_338[0] : i32 from vector<1xi32>
      %slice3A_340 = vector.extract_strided_slice %and3A_60 {offsets = [14], sizes = [1], strides = [1]} : vector<16xi32> to vector<1xi32>
      %squeeze3A_341 = vector.extract %slice3A_340[0] : i32 from vector<1xi32>
      %mul3A_342 = arith.constant 16 : i32
      %mul3A_343 = arith.muli %scan3A_50, %mul3A_342 : i32
      %add3A_344 = arith.constant 14 : i32
      %add3A_345 = arith.addi %mul3A_343, %add3A_344 : i32
      %dma_start3A_346 = arith.constant 0 : i32
      %dma_start3A_347 = tpu.memref_slice %arg9[%add3A_345, %dma_start3A_346] : memref<256x64xf32, #tpu.memory_space<vmem>> -> memref<1x64xf32, #tpu.memory_space<vmem>>
      %dma_start3A_348 = tpu.memref_squeeze %dma_start3A_347 : memref<1x64xf32, #tpu.memory_space<vmem>> -> memref<64xf32, #tpu.memory_space<vmem>>
      %dma_start3A_349 = arith.constant 0 : i32
      %dma_start3A_350 = tpu.memref_slice %arg4[%squeeze3A_339, %squeeze3A_341, %dma_start3A_349] : memref<125000x8x64xf32, #tpu.memory_space<hbm>> -> memref<1x1x64xf32, #tpu.memory_space<hbm>>
      %dma_start3A_351 = tpu.memref_squeeze %dma_start3A_350 : memref<1x1x64xf32, #tpu.memory_space<hbm>> -> memref<64xf32, #tpu.memory_space<hbm>>
      %dma_start3A_352 = arith.constant 0 : i32
      %dma_start3A_353 = tpu.memref_slice %arg9[%add3A_345, %dma_start3A_352] : memref<256x64xf32, #tpu.memory_space<vmem>> -> memref<1x64xf32, #tpu.memory_space<vmem>>
      %dma_start3A_354 = tpu.memref_squeeze %dma_start3A_353 : memref<1x64xf32, #tpu.memory_space<vmem>> -> memref<64xf32, #tpu.memory_space<vmem>>
      %dma_start3A_355 = arith.constant 0 : i32
      %dma_start3A_356 = tpu.memref_slice %arg4[%squeeze3A_339, %squeeze3A_341, %dma_start3A_355] : memref<125000x8x64xf32, #tpu.memory_space<hbm>> -> memref<1x1x64xf32, #tpu.memory_space<hbm>>
      %dma_start3A_357 = tpu.memref_squeeze %dma_start3A_356 : memref<1x1x64xf32, #tpu.memory_space<hbm>> -> memref<64xf32, #tpu.memory_space<hbm>>
      tpu.enqueue_dma source(%dma_start3A_357 : memref<64xf32, #tpu.memory_space<hbm>>) target(%dma_start3A_354 : memref<64xf32, #tpu.memory_space<vmem>>) target_semaphore(%arg10 : memref<!tpu.dma_semaphore, #tpu.memory_space<semaphore_mem>>)
      %slice3A_358 = vector.extract_strided_slice %shift_right_logical3A_58 {offsets = [15], sizes = [1], strides = [1]} : vector<16xi32> to vector<1xi32>
      %squeeze3A_359 = vector.extract %slice3A_358[0] : i32 from vector<1xi32>
      %slice3A_360 = vector.extract_strided_slice %and3A_60 {offsets = [15], sizes = [1], strides = [1]} : vector<16xi32> to vector<1xi32>
      %squeeze3A_361 = vector.extract %slice3A_360[0] : i32 from vector<1xi32>
      %mul3A_362 = arith.constant 16 : i32
      %mul3A_363 = arith.muli %scan3A_50, %mul3A_362 : i32
      %add3A_364 = arith.constant 15 : i32
      %add3A_365 = arith.addi %mul3A_363, %add3A_364 : i32
      %dma_start3A_366 = arith.constant 0 : i32
      %dma_start3A_367 = tpu.memref_slice %arg9[%add3A_365, %dma_start3A_366] : memref<256x64xf32, #tpu.memory_space<vmem>> -> memref<1x64xf32, #tpu.memory_space<vmem>>
      %dma_start3A_368 = tpu.memref_squeeze %dma_start3A_367 : memref<1x64xf32, #tpu.memory_space<vmem>> -> memref<64xf32, #tpu.memory_space<vmem>>
      %dma_start3A_369 = arith.constant 0 : i32
      %dma_start3A_370 = tpu.memref_slice %arg4[%squeeze3A_359, %squeeze3A_361, %dma_start3A_369] : memref<125000x8x64xf32, #tpu.memory_space<hbm>> -> memref<1x1x64xf32, #tpu.memory_space<hbm>>
      %dma_start3A_371 = tpu.memref_squeeze %dma_start3A_370 : memref<1x1x64xf32, #tpu.memory_space<hbm>> -> memref<64xf32, #tpu.memory_space<hbm>>
      %dma_start3A_372 = arith.constant 0 : i32
      %dma_start3A_373 = tpu.memref_slice %arg9[%add3A_365, %dma_start3A_372] : memref<256x64xf32, #tpu.memory_space<vmem>> -> memref<1x64xf32, #tpu.memory_space<vmem>>
      %dma_start3A_374 = tpu.memref_squeeze %dma_start3A_373 : memref<1x64xf32, #tpu.memory_space<vmem>> -> memref<64xf32, #tpu.memory_space<vmem>>
      %dma_start3A_375 = arith.constant 0 : i32
      %dma_start3A_376 = tpu.memref_slice %arg4[%squeeze3A_359, %squeeze3A_361, %dma_start3A_375] : memref<125000x8x64xf32, #tpu.memory_space<hbm>> -> memref<1x1x64xf32, #tpu.memory_space<hbm>>
      %dma_start3A_377 = tpu.memref_squeeze %dma_start3A_376 : memref<1x1x64xf32, #tpu.memory_space<hbm>> -> memref<64xf32, #tpu.memory_space<hbm>>
      tpu.enqueue_dma source(%dma_start3A_377 : memref<64xf32, #tpu.memory_space<hbm>>) target(%dma_start3A_374 : memref<64xf32, #tpu.memory_space<vmem>>) target_semaphore(%arg10 : memref<!tpu.dma_semaphore, #tpu.memory_space<semaphore_mem>>)
    }
    %scan3A_18 = arith.constant 16 : i32
    %scan3A_19 = arith.constant 0 : i32
    %scan3A_20 = arith.constant 256 : i32
    %scan3A_21 = arith.addi %scan3A_19, %scan3A_20 : i32
    %scan3A_22 = arith.constant 1 : i32
    scf.for %scan3A_50 = %scan3A_19 to %scan3A_21 step %scan3A_22  : i32 {
      %dma_wait3A = arith.constant 0 : i32
      %dma_wait3A_51 = arith.constant 0 : i32
      %dma_wait3A_52 = arith.constant 0 : i32
      %dma_wait3A_53 = tpu.memref_slice %arg9[%scan3A_50, %dma_wait3A_52] : memref<256x64xf32, #tpu.memory_space<vmem>> -> memref<1x64xf32, #tpu.memory_space<vmem>>
      %dma_wait3A_54 = tpu.memref_squeeze %dma_wait3A_53 : memref<1x64xf32, #tpu.memory_space<vmem>> -> memref<64xf32, #tpu.memory_space<vmem>>
      %dma_wait3A_55 = arith.constant 0 : i32
      %dma_wait3A_56 = tpu.memref_slice %arg4[%dma_wait3A, %dma_wait3A_51, %dma_wait3A_55] : memref<125000x8x64xf32, #tpu.memory_space<hbm>> -> memref<1x1x64xf32, #tpu.memory_space<hbm>>
      %dma_wait3A_57 = tpu.memref_squeeze %dma_wait3A_56 : memref<1x1x64xf32, #tpu.memory_space<hbm>> -> memref<64xf32, #tpu.memory_space<hbm>>
      %dma_wait3A_58 = arith.constant 0 : i32
      %dma_wait3A_59 = tpu.memref_slice %arg9[%scan3A_50, %dma_wait3A_58] : memref<256x64xf32, #tpu.memory_space<vmem>> -> memref<1x64xf32, #tpu.memory_space<vmem>>
      %dma_wait3A_60 = tpu.memref_squeeze %dma_wait3A_59 : memref<1x64xf32, #tpu.memory_space<vmem>> -> memref<64xf32, #tpu.memory_space<vmem>>
      %dma_wait3A_61 = arith.constant 0 : i32
      %dma_wait3A_62 = tpu.memref_slice %arg4[%dma_wait3A, %dma_wait3A_51, %dma_wait3A_61] : memref<125000x8x64xf32, #tpu.memory_space<hbm>> -> memref<1x1x64xf32, #tpu.memory_space<hbm>>
      %dma_wait3A_63 = tpu.memref_squeeze %dma_wait3A_62 : memref<1x1x64xf32, #tpu.memory_space<hbm>> -> memref<64xf32, #tpu.memory_space<hbm>>
      tpu.wait_dma2 semaphore(%arg10 : memref<!tpu.dma_semaphore, #tpu.memory_space<semaphore_mem>>) src(%dma_wait3A_63 : memref<64xf32, #tpu.memory_space<hbm>>) dst(%dma_wait3A_60 : memref<64xf32, #tpu.memory_space<vmem>>)
    }
    %scan3A_23 = arith.constant 256 : i32
    %add3A_24 = arith.constant 256 : i32
    %add3A_25 = arith.addi %mul3A_2, %add3A_24 : i32
    "tpu.region"() ({
      %run_scoped3A = tpu.sem_alloc : memref<!tpu.dma_semaphore, #tpu.memory_space<semaphore_mem>>
      %dma_start3A = arith.constant 0 : i32
      %dma_start3A_50 = tpu.memref_slice %arg6[%add3A_25, %dma_start3A] : memref<16384x64xf32, #tpu.memory_space<hbm>> -> memref<256x64xf32, #tpu.memory_space<hbm>>
      %dma_start3A_51 = arith.constant 0 : i32
      %dma_start3A_52 = tpu.memref_slice %arg6[%add3A_25, %dma_start3A_51] : memref<16384x64xf32, #tpu.memory_space<hbm>> -> memref<256x64xf32, #tpu.memory_space<hbm>>
      tpu.enqueue_dma source(%arg9 : memref<256x64xf32, #tpu.memory_space<vmem>>) target(%dma_start3A_52 : memref<256x64xf32, #tpu.memory_space<hbm>>) target_semaphore(%run_scoped3A : memref<!tpu.dma_semaphore, #tpu.memory_space<semaphore_mem>>)
      %dma_wait3A = arith.constant 0 : i32
      %dma_wait3A_53 = tpu.memref_slice %arg6[%add3A_25, %dma_wait3A] : memref<16384x64xf32, #tpu.memory_space<hbm>> -> memref<256x64xf32, #tpu.memory_space<hbm>>
      %dma_wait3A_54 = arith.constant 0 : i32
      %dma_wait3A_55 = tpu.memref_slice %arg6[%add3A_25, %dma_wait3A_54] : memref<16384x64xf32, #tpu.memory_space<hbm>> -> memref<256x64xf32, #tpu.memory_space<hbm>>
      tpu.wait_dma2 semaphore(%run_scoped3A : memref<!tpu.dma_semaphore, #tpu.memory_space<semaphore_mem>>) src(%arg9 : memref<256x64xf32, #tpu.memory_space<vmem>>) dst(%dma_wait3A_55 : memref<256x64xf32, #tpu.memory_space<hbm>>)
      tpu.yield
    }) : () -> ()
    "tpu.region"() ({
      %run_scoped3A = tpu.sem_alloc : memref<!tpu.dma_semaphore, #tpu.memory_space<semaphore_mem>>
      %dma_start3A = tpu.memref_slice %arg3[%mul3A_2] : memref<16384xi32, #tpu.memory_space<hbm>> -> memref<512xi32, #tpu.memory_space<hbm>>
      %dma_start3A_50 = tpu.memref_slice %arg3[%mul3A_2] : memref<16384xi32, #tpu.memory_space<hbm>> -> memref<512xi32, #tpu.memory_space<hbm>>
      tpu.enqueue_dma source(%dma_start3A_50 : memref<512xi32, #tpu.memory_space<hbm>>) target(%arg8 : memref<512xi32, #tpu.memory_space<vmem>>) target_semaphore(%run_scoped3A : memref<!tpu.dma_semaphore, #tpu.memory_space<semaphore_mem>>)
      %dma_wait3A = tpu.memref_slice %arg3[%mul3A_2] : memref<16384xi32, #tpu.memory_space<hbm>> -> memref<512xi32, #tpu.memory_space<hbm>>
      %dma_wait3A_51 = tpu.memref_slice %arg3[%mul3A_2] : memref<16384xi32, #tpu.memory_space<hbm>> -> memref<512xi32, #tpu.memory_space<hbm>>
      tpu.wait_dma2 semaphore(%run_scoped3A : memref<!tpu.dma_semaphore, #tpu.memory_space<semaphore_mem>>) src(%dma_wait3A_51 : memref<512xi32, #tpu.memory_space<hbm>>) dst(%arg8 : memref<512xi32, #tpu.memory_space<vmem>>)
      tpu.yield
    }) : () -> ()
    %scan3A_26 = arith.constant 0 : i32
    %scan3A_27 = arith.constant 16 : i32
    %scan3A_28 = arith.addi %scan3A_26, %scan3A_27 : i32
    %scan3A_29 = arith.constant 1 : i32
    scf.for %scan3A_50 = %scan3A_26 to %scan3A_28 step %scan3A_29  : i32 {
      %mul3A_51 = arith.constant 16 : i32
      %mul3A_52 = arith.muli %scan3A_50, %mul3A_51 : i32
      %add3A_53 = arith.constant 0 : i32
      %add3A_54 = arith.addi %add3A_53, %mul3A_52 : i32
      %get3A = arith.index_cast %add3A_54 : i32 to index
      %get3A_55 = tpu.vector_load %arg8[%get3A] {strides = array<i32>} : memref<512xi32, #tpu.memory_space<vmem>>, vector<16xi32>,
      %get3A_56 = vector.shape_cast %get3A_55 : vector<16xi32> to vector<16xi32>
      %shift_right_logical3A = arith.constant 3 : i32
      %shift_right_logical3A_57 = vector.broadcast %shift_right_logical3A : i32 to vector<16xi32>
      %shift_right_logical3A_58 = arith.shrui %get3A_56, %shift_right_logical3A_57 : vector<16xi32>
      %and3A = arith.constant 7 : i32
      %and3A_59 = vector.broadcast %and3A : i32 to vector<16xi32>
      %and3A_60 = arith.andi %get3A_56, %and3A_59 : vector<16xi32>
      %slice3A = vector.extract_strided_slice %shift_right_logical3A_58 {offsets = [0], sizes = [1], strides = [1]} : vector<16xi32> to vector<1xi32>
      %squeeze3A = vector.extract %slice3A[0] : i32 from vector<1xi32>
      %slice3A_61 = vector.extract_strided_slice %and3A_60 {offsets = [0], sizes = [1], strides = [1]} : vector<16xi32> to vector<1xi32>
      %squeeze3A_62 = vector.extract %slice3A_61[0] : i32 from vector<1xi32>
      %mul3A_63 = arith.constant 16 : i32
      %mul3A_64 = arith.muli %scan3A_50, %mul3A_63 : i32
      %add3A_65 = arith.constant 0 : i32
      %add3A_66 = arith.addi %mul3A_64, %add3A_65 : i32
      %dma_start3A = arith.constant 0 : i32
      %dma_start3A_67 = tpu.memref_slice %arg9[%add3A_66, %dma_start3A] : memref<256x64xf32, #tpu.memory_space<vmem>> -> memref<1x64xf32, #tpu.memory_space<vmem>>
      %dma_start3A_68 = tpu.memref_squeeze %dma_start3A_67 : memref<1x64xf32, #tpu.memory_space<vmem>> -> memref<64xf32, #tpu.memory_space<vmem>>
      %dma_start3A_69 = arith.constant 0 : i32
      %dma_start3A_70 = tpu.memref_slice %arg5[%squeeze3A, %squeeze3A_62, %dma_start3A_69] : memref<12500x8x64xf32, #tpu.memory_space<hbm>> -> memref<1x1x64xf32, #tpu.memory_space<hbm>>
      %dma_start3A_71 = tpu.memref_squeeze %dma_start3A_70 : memref<1x1x64xf32, #tpu.memory_space<hbm>> -> memref<64xf32, #tpu.memory_space<hbm>>
      %dma_start3A_72 = arith.constant 0 : i32
      %dma_start3A_73 = tpu.memref_slice %arg9[%add3A_66, %dma_start3A_72] : memref<256x64xf32, #tpu.memory_space<vmem>> -> memref<1x64xf32, #tpu.memory_space<vmem>>
      %dma_start3A_74 = tpu.memref_squeeze %dma_start3A_73 : memref<1x64xf32, #tpu.memory_space<vmem>> -> memref<64xf32, #tpu.memory_space<vmem>>
      %dma_start3A_75 = arith.constant 0 : i32
      %dma_start3A_76 = tpu.memref_slice %arg5[%squeeze3A, %squeeze3A_62, %dma_start3A_75] : memref<12500x8x64xf32, #tpu.memory_space<hbm>> -> memref<1x1x64xf32, #tpu.memory_space<hbm>>
      %dma_start3A_77 = tpu.memref_squeeze %dma_start3A_76 : memref<1x1x64xf32, #tpu.memory_space<hbm>> -> memref<64xf32, #tpu.memory_space<hbm>>
      tpu.enqueue_dma source(%dma_start3A_77 : memref<64xf32, #tpu.memory_space<hbm>>) target(%dma_start3A_74 : memref<64xf32, #tpu.memory_space<vmem>>) target_semaphore(%arg10 : memref<!tpu.dma_semaphore, #tpu.memory_space<semaphore_mem>>)
      %slice3A_78 = vector.extract_strided_slice %shift_right_logical3A_58 {offsets = [1], sizes = [1], strides = [1]} : vector<16xi32> to vector<1xi32>
      %squeeze3A_79 = vector.extract %slice3A_78[0] : i32 from vector<1xi32>
      %slice3A_80 = vector.extract_strided_slice %and3A_60 {offsets = [1], sizes = [1], strides = [1]} : vector<16xi32> to vector<1xi32>
      %squeeze3A_81 = vector.extract %slice3A_80[0] : i32 from vector<1xi32>
      %mul3A_82 = arith.constant 16 : i32
      %mul3A_83 = arith.muli %scan3A_50, %mul3A_82 : i32
      %add3A_84 = arith.constant 1 : i32
      %add3A_85 = arith.addi %mul3A_83, %add3A_84 : i32
      %dma_start3A_86 = arith.constant 0 : i32
      %dma_start3A_87 = tpu.memref_slice %arg9[%add3A_85, %dma_start3A_86] : memref<256x64xf32, #tpu.memory_space<vmem>> -> memref<1x64xf32, #tpu.memory_space<vmem>>
      %dma_start3A_88 = tpu.memref_squeeze %dma_start3A_87 : memref<1x64xf32, #tpu.memory_space<vmem>> -> memref<64xf32, #tpu.memory_space<vmem>>
      %dma_start3A_89 = arith.constant 0 : i32
      %dma_start3A_90 = tpu.memref_slice %arg5[%squeeze3A_79, %squeeze3A_81, %dma_start3A_89] : memref<12500x8x64xf32, #tpu.memory_space<hbm>> -> memref<1x1x64xf32, #tpu.memory_space<hbm>>
      %dma_start3A_91 = tpu.memref_squeeze %dma_start3A_90 : memref<1x1x64xf32, #tpu.memory_space<hbm>> -> memref<64xf32, #tpu.memory_space<hbm>>
      %dma_start3A_92 = arith.constant 0 : i32
      %dma_start3A_93 = tpu.memref_slice %arg9[%add3A_85, %dma_start3A_92] : memref<256x64xf32, #tpu.memory_space<vmem>> -> memref<1x64xf32, #tpu.memory_space<vmem>>
      %dma_start3A_94 = tpu.memref_squeeze %dma_start3A_93 : memref<1x64xf32, #tpu.memory_space<vmem>> -> memref<64xf32, #tpu.memory_space<vmem>>
      %dma_start3A_95 = arith.constant 0 : i32
      %dma_start3A_96 = tpu.memref_slice %arg5[%squeeze3A_79, %squeeze3A_81, %dma_start3A_95] : memref<12500x8x64xf32, #tpu.memory_space<hbm>> -> memref<1x1x64xf32, #tpu.memory_space<hbm>>
      %dma_start3A_97 = tpu.memref_squeeze %dma_start3A_96 : memref<1x1x64xf32, #tpu.memory_space<hbm>> -> memref<64xf32, #tpu.memory_space<hbm>>
      tpu.enqueue_dma source(%dma_start3A_97 : memref<64xf32, #tpu.memory_space<hbm>>) target(%dma_start3A_94 : memref<64xf32, #tpu.memory_space<vmem>>) target_semaphore(%arg10 : memref<!tpu.dma_semaphore, #tpu.memory_space<semaphore_mem>>)
      %slice3A_98 = vector.extract_strided_slice %shift_right_logical3A_58 {offsets = [2], sizes = [1], strides = [1]} : vector<16xi32> to vector<1xi32>
      %squeeze3A_99 = vector.extract %slice3A_98[0] : i32 from vector<1xi32>
      %slice3A_100 = vector.extract_strided_slice %and3A_60 {offsets = [2], sizes = [1], strides = [1]} : vector<16xi32> to vector<1xi32>
      %squeeze3A_101 = vector.extract %slice3A_100[0] : i32 from vector<1xi32>
      %mul3A_102 = arith.constant 16 : i32
      %mul3A_103 = arith.muli %scan3A_50, %mul3A_102 : i32
      %add3A_104 = arith.constant 2 : i32
      %add3A_105 = arith.addi %mul3A_103, %add3A_104 : i32
      %dma_start3A_106 = arith.constant 0 : i32
      %dma_start3A_107 = tpu.memref_slice %arg9[%add3A_105, %dma_start3A_106] : memref<256x64xf32, #tpu.memory_space<vmem>> -> memref<1x64xf32, #tpu.memory_space<vmem>>
      %dma_start3A_108 = tpu.memref_squeeze %dma_start3A_107 : memref<1x64xf32, #tpu.memory_space<vmem>> -> memref<64xf32, #tpu.memory_space<vmem>>
      %dma_start3A_109 = arith.constant 0 : i32
      %dma_start3A_110 = tpu.memref_slice %arg5[%squeeze3A_99, %squeeze3A_101, %dma_start3A_109] : memref<12500x8x64xf32, #tpu.memory_space<hbm>> -> memref<1x1x64xf32, #tpu.memory_space<hbm>>
      %dma_start3A_111 = tpu.memref_squeeze %dma_start3A_110 : memref<1x1x64xf32, #tpu.memory_space<hbm>> -> memref<64xf32, #tpu.memory_space<hbm>>
      %dma_start3A_112 = arith.constant 0 : i32
      %dma_start3A_113 = tpu.memref_slice %arg9[%add3A_105, %dma_start3A_112] : memref<256x64xf32, #tpu.memory_space<vmem>> -> memref<1x64xf32, #tpu.memory_space<vmem>>
      %dma_start3A_114 = tpu.memref_squeeze %dma_start3A_113 : memref<1x64xf32, #tpu.memory_space<vmem>> -> memref<64xf32, #tpu.memory_space<vmem>>
      %dma_start3A_115 = arith.constant 0 : i32
      %dma_start3A_116 = tpu.memref_slice %arg5[%squeeze3A_99, %squeeze3A_101, %dma_start3A_115] : memref<12500x8x64xf32, #tpu.memory_space<hbm>> -> memref<1x1x64xf32, #tpu.memory_space<hbm>>
      %dma_start3A_117 = tpu.memref_squeeze %dma_start3A_116 : memref<1x1x64xf32, #tpu.memory_space<hbm>> -> memref<64xf32, #tpu.memory_space<hbm>>
      tpu.enqueue_dma source(%dma_start3A_117 : memref<64xf32, #tpu.memory_space<hbm>>) target(%dma_start3A_114 : memref<64xf32, #tpu.memory_space<vmem>>) target_semaphore(%arg10 : memref<!tpu.dma_semaphore, #tpu.memory_space<semaphore_mem>>)
      %slice3A_118 = vector.extract_strided_slice %shift_right_logical3A_58 {offsets = [3], sizes = [1], strides = [1]} : vector<16xi32> to vector<1xi32>
      %squeeze3A_119 = vector.extract %slice3A_118[0] : i32 from vector<1xi32>
      %slice3A_120 = vector.extract_strided_slice %and3A_60 {offsets = [3], sizes = [1], strides = [1]} : vector<16xi32> to vector<1xi32>
      %squeeze3A_121 = vector.extract %slice3A_120[0] : i32 from vector<1xi32>
      %mul3A_122 = arith.constant 16 : i32
      %mul3A_123 = arith.muli %scan3A_50, %mul3A_122 : i32
      %add3A_124 = arith.constant 3 : i32
      %add3A_125 = arith.addi %mul3A_123, %add3A_124 : i32
      %dma_start3A_126 = arith.constant 0 : i32
      %dma_start3A_127 = tpu.memref_slice %arg9[%add3A_125, %dma_start3A_126] : memref<256x64xf32, #tpu.memory_space<vmem>> -> memref<1x64xf32, #tpu.memory_space<vmem>>
      %dma_start3A_128 = tpu.memref_squeeze %dma_start3A_127 : memref<1x64xf32, #tpu.memory_space<vmem>> -> memref<64xf32, #tpu.memory_space<vmem>>
      %dma_start3A_129 = arith.constant 0 : i32
      %dma_start3A_130 = tpu.memref_slice %arg5[%squeeze3A_119, %squeeze3A_121, %dma_start3A_129] : memref<12500x8x64xf32, #tpu.memory_space<hbm>> -> memref<1x1x64xf32, #tpu.memory_space<hbm>>
      %dma_start3A_131 = tpu.memref_squeeze %dma_start3A_130 : memref<1x1x64xf32, #tpu.memory_space<hbm>> -> memref<64xf32, #tpu.memory_space<hbm>>
      %dma_start3A_132 = arith.constant 0 : i32
      %dma_start3A_133 = tpu.memref_slice %arg9[%add3A_125, %dma_start3A_132] : memref<256x64xf32, #tpu.memory_space<vmem>> -> memref<1x64xf32, #tpu.memory_space<vmem>>
      %dma_start3A_134 = tpu.memref_squeeze %dma_start3A_133 : memref<1x64xf32, #tpu.memory_space<vmem>> -> memref<64xf32, #tpu.memory_space<vmem>>
      %dma_start3A_135 = arith.constant 0 : i32
      %dma_start3A_136 = tpu.memref_slice %arg5[%squeeze3A_119, %squeeze3A_121, %dma_start3A_135] : memref<12500x8x64xf32, #tpu.memory_space<hbm>> -> memref<1x1x64xf32, #tpu.memory_space<hbm>>
      %dma_start3A_137 = tpu.memref_squeeze %dma_start3A_136 : memref<1x1x64xf32, #tpu.memory_space<hbm>> -> memref<64xf32, #tpu.memory_space<hbm>>
      tpu.enqueue_dma source(%dma_start3A_137 : memref<64xf32, #tpu.memory_space<hbm>>) target(%dma_start3A_134 : memref<64xf32, #tpu.memory_space<vmem>>) target_semaphore(%arg10 : memref<!tpu.dma_semaphore, #tpu.memory_space<semaphore_mem>>)
      %slice3A_138 = vector.extract_strided_slice %shift_right_logical3A_58 {offsets = [4], sizes = [1], strides = [1]} : vector<16xi32> to vector<1xi32>
      %squeeze3A_139 = vector.extract %slice3A_138[0] : i32 from vector<1xi32>
      %slice3A_140 = vector.extract_strided_slice %and3A_60 {offsets = [4], sizes = [1], strides = [1]} : vector<16xi32> to vector<1xi32>
      %squeeze3A_141 = vector.extract %slice3A_140[0] : i32 from vector<1xi32>
      %mul3A_142 = arith.constant 16 : i32
      %mul3A_143 = arith.muli %scan3A_50, %mul3A_142 : i32
      %add3A_144 = arith.constant 4 : i32
      %add3A_145 = arith.addi %mul3A_143, %add3A_144 : i32
      %dma_start3A_146 = arith.constant 0 : i32
      %dma_start3A_147 = tpu.memref_slice %arg9[%add3A_145, %dma_start3A_146] : memref<256x64xf32, #tpu.memory_space<vmem>> -> memref<1x64xf32, #tpu.memory_space<vmem>>
      %dma_start3A_148 = tpu.memref_squeeze %dma_start3A_147 : memref<1x64xf32, #tpu.memory_space<vmem>> -> memref<64xf32, #tpu.memory_space<vmem>>
      %dma_start3A_149 = arith.constant 0 : i32
      %dma_start3A_150 = tpu.memref_slice %arg5[%squeeze3A_139, %squeeze3A_141, %dma_start3A_149] : memref<12500x8x64xf32, #tpu.memory_space<hbm>> -> memref<1x1x64xf32, #tpu.memory_space<hbm>>
      %dma_start3A_151 = tpu.memref_squeeze %dma_start3A_150 : memref<1x1x64xf32, #tpu.memory_space<hbm>> -> memref<64xf32, #tpu.memory_space<hbm>>
      %dma_start3A_152 = arith.constant 0 : i32
      %dma_start3A_153 = tpu.memref_slice %arg9[%add3A_145, %dma_start3A_152] : memref<256x64xf32, #tpu.memory_space<vmem>> -> memref<1x64xf32, #tpu.memory_space<vmem>>
      %dma_start3A_154 = tpu.memref_squeeze %dma_start3A_153 : memref<1x64xf32, #tpu.memory_space<vmem>> -> memref<64xf32, #tpu.memory_space<vmem>>
      %dma_start3A_155 = arith.constant 0 : i32
      %dma_start3A_156 = tpu.memref_slice %arg5[%squeeze3A_139, %squeeze3A_141, %dma_start3A_155] : memref<12500x8x64xf32, #tpu.memory_space<hbm>> -> memref<1x1x64xf32, #tpu.memory_space<hbm>>
      %dma_start3A_157 = tpu.memref_squeeze %dma_start3A_156 : memref<1x1x64xf32, #tpu.memory_space<hbm>> -> memref<64xf32, #tpu.memory_space<hbm>>
      tpu.enqueue_dma source(%dma_start3A_157 : memref<64xf32, #tpu.memory_space<hbm>>) target(%dma_start3A_154 : memref<64xf32, #tpu.memory_space<vmem>>) target_semaphore(%arg10 : memref<!tpu.dma_semaphore, #tpu.memory_space<semaphore_mem>>)
      %slice3A_158 = vector.extract_strided_slice %shift_right_logical3A_58 {offsets = [5], sizes = [1], strides = [1]} : vector<16xi32> to vector<1xi32>
      %squeeze3A_159 = vector.extract %slice3A_158[0] : i32 from vector<1xi32>
      %slice3A_160 = vector.extract_strided_slice %and3A_60 {offsets = [5], sizes = [1], strides = [1]} : vector<16xi32> to vector<1xi32>
      %squeeze3A_161 = vector.extract %slice3A_160[0] : i32 from vector<1xi32>
      %mul3A_162 = arith.constant 16 : i32
      %mul3A_163 = arith.muli %scan3A_50, %mul3A_162 : i32
      %add3A_164 = arith.constant 5 : i32
      %add3A_165 = arith.addi %mul3A_163, %add3A_164 : i32
      %dma_start3A_166 = arith.constant 0 : i32
      %dma_start3A_167 = tpu.memref_slice %arg9[%add3A_165, %dma_start3A_166] : memref<256x64xf32, #tpu.memory_space<vmem>> -> memref<1x64xf32, #tpu.memory_space<vmem>>
      %dma_start3A_168 = tpu.memref_squeeze %dma_start3A_167 : memref<1x64xf32, #tpu.memory_space<vmem>> -> memref<64xf32, #tpu.memory_space<vmem>>
      %dma_start3A_169 = arith.constant 0 : i32
      %dma_start3A_170 = tpu.memref_slice %arg5[%squeeze3A_159, %squeeze3A_161, %dma_start3A_169] : memref<12500x8x64xf32, #tpu.memory_space<hbm>> -> memref<1x1x64xf32, #tpu.memory_space<hbm>>
      %dma_start3A_171 = tpu.memref_squeeze %dma_start3A_170 : memref<1x1x64xf32, #tpu.memory_space<hbm>> -> memref<64xf32, #tpu.memory_space<hbm>>
      %dma_start3A_172 = arith.constant 0 : i32
      %dma_start3A_173 = tpu.memref_slice %arg9[%add3A_165, %dma_start3A_172] : memref<256x64xf32, #tpu.memory_space<vmem>> -> memref<1x64xf32, #tpu.memory_space<vmem>>
      %dma_start3A_174 = tpu.memref_squeeze %dma_start3A_173 : memref<1x64xf32, #tpu.memory_space<vmem>> -> memref<64xf32, #tpu.memory_space<vmem>>
      %dma_start3A_175 = arith.constant 0 : i32
      %dma_start3A_176 = tpu.memref_slice %arg5[%squeeze3A_159, %squeeze3A_161, %dma_start3A_175] : memref<12500x8x64xf32, #tpu.memory_space<hbm>> -> memref<1x1x64xf32, #tpu.memory_space<hbm>>
      %dma_start3A_177 = tpu.memref_squeeze %dma_start3A_176 : memref<1x1x64xf32, #tpu.memory_space<hbm>> -> memref<64xf32, #tpu.memory_space<hbm>>
      tpu.enqueue_dma source(%dma_start3A_177 : memref<64xf32, #tpu.memory_space<hbm>>) target(%dma_start3A_174 : memref<64xf32, #tpu.memory_space<vmem>>) target_semaphore(%arg10 : memref<!tpu.dma_semaphore, #tpu.memory_space<semaphore_mem>>)
      %slice3A_178 = vector.extract_strided_slice %shift_right_logical3A_58 {offsets = [6], sizes = [1], strides = [1]} : vector<16xi32> to vector<1xi32>
      %squeeze3A_179 = vector.extract %slice3A_178[0] : i32 from vector<1xi32>
      %slice3A_180 = vector.extract_strided_slice %and3A_60 {offsets = [6], sizes = [1], strides = [1]} : vector<16xi32> to vector<1xi32>
      %squeeze3A_181 = vector.extract %slice3A_180[0] : i32 from vector<1xi32>
      %mul3A_182 = arith.constant 16 : i32
      %mul3A_183 = arith.muli %scan3A_50, %mul3A_182 : i32
      %add3A_184 = arith.constant 6 : i32
      %add3A_185 = arith.addi %mul3A_183, %add3A_184 : i32
      %dma_start3A_186 = arith.constant 0 : i32
      %dma_start3A_187 = tpu.memref_slice %arg9[%add3A_185, %dma_start3A_186] : memref<256x64xf32, #tpu.memory_space<vmem>> -> memref<1x64xf32, #tpu.memory_space<vmem>>
      %dma_start3A_188 = tpu.memref_squeeze %dma_start3A_187 : memref<1x64xf32, #tpu.memory_space<vmem>> -> memref<64xf32, #tpu.memory_space<vmem>>
      %dma_start3A_189 = arith.constant 0 : i32
      %dma_start3A_190 = tpu.memref_slice %arg5[%squeeze3A_179, %squeeze3A_181, %dma_start3A_189] : memref<12500x8x64xf32, #tpu.memory_space<hbm>> -> memref<1x1x64xf32, #tpu.memory_space<hbm>>
      %dma_start3A_191 = tpu.memref_squeeze %dma_start3A_190 : memref<1x1x64xf32, #tpu.memory_space<hbm>> -> memref<64xf32, #tpu.memory_space<hbm>>
      %dma_start3A_192 = arith.constant 0 : i32
      %dma_start3A_193 = tpu.memref_slice %arg9[%add3A_185, %dma_start3A_192] : memref<256x64xf32, #tpu.memory_space<vmem>> -> memref<1x64xf32, #tpu.memory_space<vmem>>
      %dma_start3A_194 = tpu.memref_squeeze %dma_start3A_193 : memref<1x64xf32, #tpu.memory_space<vmem>> -> memref<64xf32, #tpu.memory_space<vmem>>
      %dma_start3A_195 = arith.constant 0 : i32
      %dma_start3A_196 = tpu.memref_slice %arg5[%squeeze3A_179, %squeeze3A_181, %dma_start3A_195] : memref<12500x8x64xf32, #tpu.memory_space<hbm>> -> memref<1x1x64xf32, #tpu.memory_space<hbm>>
      %dma_start3A_197 = tpu.memref_squeeze %dma_start3A_196 : memref<1x1x64xf32, #tpu.memory_space<hbm>> -> memref<64xf32, #tpu.memory_space<hbm>>
      tpu.enqueue_dma source(%dma_start3A_197 : memref<64xf32, #tpu.memory_space<hbm>>) target(%dma_start3A_194 : memref<64xf32, #tpu.memory_space<vmem>>) target_semaphore(%arg10 : memref<!tpu.dma_semaphore, #tpu.memory_space<semaphore_mem>>)
      %slice3A_198 = vector.extract_strided_slice %shift_right_logical3A_58 {offsets = [7], sizes = [1], strides = [1]} : vector<16xi32> to vector<1xi32>
      %squeeze3A_199 = vector.extract %slice3A_198[0] : i32 from vector<1xi32>
      %slice3A_200 = vector.extract_strided_slice %and3A_60 {offsets = [7], sizes = [1], strides = [1]} : vector<16xi32> to vector<1xi32>
      %squeeze3A_201 = vector.extract %slice3A_200[0] : i32 from vector<1xi32>
      %mul3A_202 = arith.constant 16 : i32
      %mul3A_203 = arith.muli %scan3A_50, %mul3A_202 : i32
      %add3A_204 = arith.constant 7 : i32
      %add3A_205 = arith.addi %mul3A_203, %add3A_204 : i32
      %dma_start3A_206 = arith.constant 0 : i32
      %dma_start3A_207 = tpu.memref_slice %arg9[%add3A_205, %dma_start3A_206] : memref<256x64xf32, #tpu.memory_space<vmem>> -> memref<1x64xf32, #tpu.memory_space<vmem>>
      %dma_start3A_208 = tpu.memref_squeeze %dma_start3A_207 : memref<1x64xf32, #tpu.memory_space<vmem>> -> memref<64xf32, #tpu.memory_space<vmem>>
      %dma_start3A_209 = arith.constant 0 : i32
      %dma_start3A_210 = tpu.memref_slice %arg5[%squeeze3A_199, %squeeze3A_201, %dma_start3A_209] : memref<12500x8x64xf32, #tpu.memory_space<hbm>> -> memref<1x1x64xf32, #tpu.memory_space<hbm>>
      %dma_start3A_211 = tpu.memref_squeeze %dma_start3A_210 : memref<1x1x64xf32, #tpu.memory_space<hbm>> -> memref<64xf32, #tpu.memory_space<hbm>>
      %dma_start3A_212 = arith.constant 0 : i32
      %dma_start3A_213 = tpu.memref_slice %arg9[%add3A_205, %dma_start3A_212] : memref<256x64xf32, #tpu.memory_space<vmem>> -> memref<1x64xf32, #tpu.memory_space<vmem>>
      %dma_start3A_214 = tpu.memref_squeeze %dma_start3A_213 : memref<1x64xf32, #tpu.memory_space<vmem>> -> memref<64xf32, #tpu.memory_space<vmem>>
      %dma_start3A_215 = arith.constant 0 : i32
      %dma_start3A_216 = tpu.memref_slice %arg5[%squeeze3A_199, %squeeze3A_201, %dma_start3A_215] : memref<12500x8x64xf32, #tpu.memory_space<hbm>> -> memref<1x1x64xf32, #tpu.memory_space<hbm>>
      %dma_start3A_217 = tpu.memref_squeeze %dma_start3A_216 : memref<1x1x64xf32, #tpu.memory_space<hbm>> -> memref<64xf32, #tpu.memory_space<hbm>>
      tpu.enqueue_dma source(%dma_start3A_217 : memref<64xf32, #tpu.memory_space<hbm>>) target(%dma_start3A_214 : memref<64xf32, #tpu.memory_space<vmem>>) target_semaphore(%arg10 : memref<!tpu.dma_semaphore, #tpu.memory_space<semaphore_mem>>)
      %slice3A_218 = vector.extract_strided_slice %shift_right_logical3A_58 {offsets = [8], sizes = [1], strides = [1]} : vector<16xi32> to vector<1xi32>
      %squeeze3A_219 = vector.extract %slice3A_218[0] : i32 from vector<1xi32>
      %slice3A_220 = vector.extract_strided_slice %and3A_60 {offsets = [8], sizes = [1], strides = [1]} : vector<16xi32> to vector<1xi32>
      %squeeze3A_221 = vector.extract %slice3A_220[0] : i32 from vector<1xi32>
      %mul3A_222 = arith.constant 16 : i32
      %mul3A_223 = arith.muli %scan3A_50, %mul3A_222 : i32
      %add3A_224 = arith.constant 8 : i32
      %add3A_225 = arith.addi %mul3A_223, %add3A_224 : i32
      %dma_start3A_226 = arith.constant 0 : i32
      %dma_start3A_227 = tpu.memref_slice %arg9[%add3A_225, %dma_start3A_226] : memref<256x64xf32, #tpu.memory_space<vmem>> -> memref<1x64xf32, #tpu.memory_space<vmem>>
      %dma_start3A_228 = tpu.memref_squeeze %dma_start3A_227 : memref<1x64xf32, #tpu.memory_space<vmem>> -> memref<64xf32, #tpu.memory_space<vmem>>
      %dma_start3A_229 = arith.constant 0 : i32
      %dma_start3A_230 = tpu.memref_slice %arg5[%squeeze3A_219, %squeeze3A_221, %dma_start3A_229] : memref<12500x8x64xf32, #tpu.memory_space<hbm>> -> memref<1x1x64xf32, #tpu.memory_space<hbm>>
      %dma_start3A_231 = tpu.memref_squeeze %dma_start3A_230 : memref<1x1x64xf32, #tpu.memory_space<hbm>> -> memref<64xf32, #tpu.memory_space<hbm>>
      %dma_start3A_232 = arith.constant 0 : i32
      %dma_start3A_233 = tpu.memref_slice %arg9[%add3A_225, %dma_start3A_232] : memref<256x64xf32, #tpu.memory_space<vmem>> -> memref<1x64xf32, #tpu.memory_space<vmem>>
      %dma_start3A_234 = tpu.memref_squeeze %dma_start3A_233 : memref<1x64xf32, #tpu.memory_space<vmem>> -> memref<64xf32, #tpu.memory_space<vmem>>
      %dma_start3A_235 = arith.constant 0 : i32
      %dma_start3A_236 = tpu.memref_slice %arg5[%squeeze3A_219, %squeeze3A_221, %dma_start3A_235] : memref<12500x8x64xf32, #tpu.memory_space<hbm>> -> memref<1x1x64xf32, #tpu.memory_space<hbm>>
      %dma_start3A_237 = tpu.memref_squeeze %dma_start3A_236 : memref<1x1x64xf32, #tpu.memory_space<hbm>> -> memref<64xf32, #tpu.memory_space<hbm>>
      tpu.enqueue_dma source(%dma_start3A_237 : memref<64xf32, #tpu.memory_space<hbm>>) target(%dma_start3A_234 : memref<64xf32, #tpu.memory_space<vmem>>) target_semaphore(%arg10 : memref<!tpu.dma_semaphore, #tpu.memory_space<semaphore_mem>>)
      %slice3A_238 = vector.extract_strided_slice %shift_right_logical3A_58 {offsets = [9], sizes = [1], strides = [1]} : vector<16xi32> to vector<1xi32>
      %squeeze3A_239 = vector.extract %slice3A_238[0] : i32 from vector<1xi32>
      %slice3A_240 = vector.extract_strided_slice %and3A_60 {offsets = [9], sizes = [1], strides = [1]} : vector<16xi32> to vector<1xi32>
      %squeeze3A_241 = vector.extract %slice3A_240[0] : i32 from vector<1xi32>
      %mul3A_242 = arith.constant 16 : i32
      %mul3A_243 = arith.muli %scan3A_50, %mul3A_242 : i32
      %add3A_244 = arith.constant 9 : i32
      %add3A_245 = arith.addi %mul3A_243, %add3A_244 : i32
      %dma_start3A_246 = arith.constant 0 : i32
      %dma_start3A_247 = tpu.memref_slice %arg9[%add3A_245, %dma_start3A_246] : memref<256x64xf32, #tpu.memory_space<vmem>> -> memref<1x64xf32, #tpu.memory_space<vmem>>
      %dma_start3A_248 = tpu.memref_squeeze %dma_start3A_247 : memref<1x64xf32, #tpu.memory_space<vmem>> -> memref<64xf32, #tpu.memory_space<vmem>>
      %dma_start3A_249 = arith.constant 0 : i32
      %dma_start3A_250 = tpu.memref_slice %arg5[%squeeze3A_239, %squeeze3A_241, %dma_start3A_249] : memref<12500x8x64xf32, #tpu.memory_space<hbm>> -> memref<1x1x64xf32, #tpu.memory_space<hbm>>
      %dma_start3A_251 = tpu.memref_squeeze %dma_start3A_250 : memref<1x1x64xf32, #tpu.memory_space<hbm>> -> memref<64xf32, #tpu.memory_space<hbm>>
      %dma_start3A_252 = arith.constant 0 : i32
      %dma_start3A_253 = tpu.memref_slice %arg9[%add3A_245, %dma_start3A_252] : memref<256x64xf32, #tpu.memory_space<vmem>> -> memref<1x64xf32, #tpu.memory_space<vmem>>
      %dma_start3A_254 = tpu.memref_squeeze %dma_start3A_253 : memref<1x64xf32, #tpu.memory_space<vmem>> -> memref<64xf32, #tpu.memory_space<vmem>>
      %dma_start3A_255 = arith.constant 0 : i32
      %dma_start3A_256 = tpu.memref_slice %arg5[%squeeze3A_239, %squeeze3A_241, %dma_start3A_255] : memref<12500x8x64xf32, #tpu.memory_space<hbm>> -> memref<1x1x64xf32, #tpu.memory_space<hbm>>
      %dma_start3A_257 = tpu.memref_squeeze %dma_start3A_256 : memref<1x1x64xf32, #tpu.memory_space<hbm>> -> memref<64xf32, #tpu.memory_space<hbm>>
      tpu.enqueue_dma source(%dma_start3A_257 : memref<64xf32, #tpu.memory_space<hbm>>) target(%dma_start3A_254 : memref<64xf32, #tpu.memory_space<vmem>>) target_semaphore(%arg10 : memref<!tpu.dma_semaphore, #tpu.memory_space<semaphore_mem>>)
      %slice3A_258 = vector.extract_strided_slice %shift_right_logical3A_58 {offsets = [10], sizes = [1], strides = [1]} : vector<16xi32> to vector<1xi32>
      %squeeze3A_259 = vector.extract %slice3A_258[0] : i32 from vector<1xi32>
      %slice3A_260 = vector.extract_strided_slice %and3A_60 {offsets = [10], sizes = [1], strides = [1]} : vector<16xi32> to vector<1xi32>
      %squeeze3A_261 = vector.extract %slice3A_260[0] : i32 from vector<1xi32>
      %mul3A_262 = arith.constant 16 : i32
      %mul3A_263 = arith.muli %scan3A_50, %mul3A_262 : i32
      %add3A_264 = arith.constant 10 : i32
      %add3A_265 = arith.addi %mul3A_263, %add3A_264 : i32
      %dma_start3A_266 = arith.constant 0 : i32
      %dma_start3A_267 = tpu.memref_slice %arg9[%add3A_265, %dma_start3A_266] : memref<256x64xf32, #tpu.memory_space<vmem>> -> memref<1x64xf32, #tpu.memory_space<vmem>>
      %dma_start3A_268 = tpu.memref_squeeze %dma_start3A_267 : memref<1x64xf32, #tpu.memory_space<vmem>> -> memref<64xf32, #tpu.memory_space<vmem>>
      %dma_start3A_269 = arith.constant 0 : i32
      %dma_start3A_270 = tpu.memref_slice %arg5[%squeeze3A_259, %squeeze3A_261, %dma_start3A_269] : memref<12500x8x64xf32, #tpu.memory_space<hbm>> -> memref<1x1x64xf32, #tpu.memory_space<hbm>>
      %dma_start3A_271 = tpu.memref_squeeze %dma_start3A_270 : memref<1x1x64xf32, #tpu.memory_space<hbm>> -> memref<64xf32, #tpu.memory_space<hbm>>
      %dma_start3A_272 = arith.constant 0 : i32
      %dma_start3A_273 = tpu.memref_slice %arg9[%add3A_265, %dma_start3A_272] : memref<256x64xf32, #tpu.memory_space<vmem>> -> memref<1x64xf32, #tpu.memory_space<vmem>>
      %dma_start3A_274 = tpu.memref_squeeze %dma_start3A_273 : memref<1x64xf32, #tpu.memory_space<vmem>> -> memref<64xf32, #tpu.memory_space<vmem>>
      %dma_start3A_275 = arith.constant 0 : i32
      %dma_start3A_276 = tpu.memref_slice %arg5[%squeeze3A_259, %squeeze3A_261, %dma_start3A_275] : memref<12500x8x64xf32, #tpu.memory_space<hbm>> -> memref<1x1x64xf32, #tpu.memory_space<hbm>>
      %dma_start3A_277 = tpu.memref_squeeze %dma_start3A_276 : memref<1x1x64xf32, #tpu.memory_space<hbm>> -> memref<64xf32, #tpu.memory_space<hbm>>
      tpu.enqueue_dma source(%dma_start3A_277 : memref<64xf32, #tpu.memory_space<hbm>>) target(%dma_start3A_274 : memref<64xf32, #tpu.memory_space<vmem>>) target_semaphore(%arg10 : memref<!tpu.dma_semaphore, #tpu.memory_space<semaphore_mem>>)
      %slice3A_278 = vector.extract_strided_slice %shift_right_logical3A_58 {offsets = [11], sizes = [1], strides = [1]} : vector<16xi32> to vector<1xi32>
      %squeeze3A_279 = vector.extract %slice3A_278[0] : i32 from vector<1xi32>
      %slice3A_280 = vector.extract_strided_slice %and3A_60 {offsets = [11], sizes = [1], strides = [1]} : vector<16xi32> to vector<1xi32>
      %squeeze3A_281 = vector.extract %slice3A_280[0] : i32 from vector<1xi32>
      %mul3A_282 = arith.constant 16 : i32
      %mul3A_283 = arith.muli %scan3A_50, %mul3A_282 : i32
      %add3A_284 = arith.constant 11 : i32
      %add3A_285 = arith.addi %mul3A_283, %add3A_284 : i32
      %dma_start3A_286 = arith.constant 0 : i32
      %dma_start3A_287 = tpu.memref_slice %arg9[%add3A_285, %dma_start3A_286] : memref<256x64xf32, #tpu.memory_space<vmem>> -> memref<1x64xf32, #tpu.memory_space<vmem>>
      %dma_start3A_288 = tpu.memref_squeeze %dma_start3A_287 : memref<1x64xf32, #tpu.memory_space<vmem>> -> memref<64xf32, #tpu.memory_space<vmem>>
      %dma_start3A_289 = arith.constant 0 : i32
      %dma_start3A_290 = tpu.memref_slice %arg5[%squeeze3A_279, %squeeze3A_281, %dma_start3A_289] : memref<12500x8x64xf32, #tpu.memory_space<hbm>> -> memref<1x1x64xf32, #tpu.memory_space<hbm>>
      %dma_start3A_291 = tpu.memref_squeeze %dma_start3A_290 : memref<1x1x64xf32, #tpu.memory_space<hbm>> -> memref<64xf32, #tpu.memory_space<hbm>>
      %dma_start3A_292 = arith.constant 0 : i32
      %dma_start3A_293 = tpu.memref_slice %arg9[%add3A_285, %dma_start3A_292] : memref<256x64xf32, #tpu.memory_space<vmem>> -> memref<1x64xf32, #tpu.memory_space<vmem>>
      %dma_start3A_294 = tpu.memref_squeeze %dma_start3A_293 : memref<1x64xf32, #tpu.memory_space<vmem>> -> memref<64xf32, #tpu.memory_space<vmem>>
      %dma_start3A_295 = arith.constant 0 : i32
      %dma_start3A_296 = tpu.memref_slice %arg5[%squeeze3A_279, %squeeze3A_281, %dma_start3A_295] : memref<12500x8x64xf32, #tpu.memory_space<hbm>> -> memref<1x1x64xf32, #tpu.memory_space<hbm>>
      %dma_start3A_297 = tpu.memref_squeeze %dma_start3A_296 : memref<1x1x64xf32, #tpu.memory_space<hbm>> -> memref<64xf32, #tpu.memory_space<hbm>>
      tpu.enqueue_dma source(%dma_start3A_297 : memref<64xf32, #tpu.memory_space<hbm>>) target(%dma_start3A_294 : memref<64xf32, #tpu.memory_space<vmem>>) target_semaphore(%arg10 : memref<!tpu.dma_semaphore, #tpu.memory_space<semaphore_mem>>)
      %slice3A_298 = vector.extract_strided_slice %shift_right_logical3A_58 {offsets = [12], sizes = [1], strides = [1]} : vector<16xi32> to vector<1xi32>
      %squeeze3A_299 = vector.extract %slice3A_298[0] : i32 from vector<1xi32>
      %slice3A_300 = vector.extract_strided_slice %and3A_60 {offsets = [12], sizes = [1], strides = [1]} : vector<16xi32> to vector<1xi32>
      %squeeze3A_301 = vector.extract %slice3A_300[0] : i32 from vector<1xi32>
      %mul3A_302 = arith.constant 16 : i32
      %mul3A_303 = arith.muli %scan3A_50, %mul3A_302 : i32
      %add3A_304 = arith.constant 12 : i32
      %add3A_305 = arith.addi %mul3A_303, %add3A_304 : i32
      %dma_start3A_306 = arith.constant 0 : i32
      %dma_start3A_307 = tpu.memref_slice %arg9[%add3A_305, %dma_start3A_306] : memref<256x64xf32, #tpu.memory_space<vmem>> -> memref<1x64xf32, #tpu.memory_space<vmem>>
      %dma_start3A_308 = tpu.memref_squeeze %dma_start3A_307 : memref<1x64xf32, #tpu.memory_space<vmem>> -> memref<64xf32, #tpu.memory_space<vmem>>
      %dma_start3A_309 = arith.constant 0 : i32
      %dma_start3A_310 = tpu.memref_slice %arg5[%squeeze3A_299, %squeeze3A_301, %dma_start3A_309] : memref<12500x8x64xf32, #tpu.memory_space<hbm>> -> memref<1x1x64xf32, #tpu.memory_space<hbm>>
      %dma_start3A_311 = tpu.memref_squeeze %dma_start3A_310 : memref<1x1x64xf32, #tpu.memory_space<hbm>> -> memref<64xf32, #tpu.memory_space<hbm>>
      %dma_start3A_312 = arith.constant 0 : i32
      %dma_start3A_313 = tpu.memref_slice %arg9[%add3A_305, %dma_start3A_312] : memref<256x64xf32, #tpu.memory_space<vmem>> -> memref<1x64xf32, #tpu.memory_space<vmem>>
      %dma_start3A_314 = tpu.memref_squeeze %dma_start3A_313 : memref<1x64xf32, #tpu.memory_space<vmem>> -> memref<64xf32, #tpu.memory_space<vmem>>
      %dma_start3A_315 = arith.constant 0 : i32
      %dma_start3A_316 = tpu.memref_slice %arg5[%squeeze3A_299, %squeeze3A_301, %dma_start3A_315] : memref<12500x8x64xf32, #tpu.memory_space<hbm>> -> memref<1x1x64xf32, #tpu.memory_space<hbm>>
      %dma_start3A_317 = tpu.memref_squeeze %dma_start3A_316 : memref<1x1x64xf32, #tpu.memory_space<hbm>> -> memref<64xf32, #tpu.memory_space<hbm>>
      tpu.enqueue_dma source(%dma_start3A_317 : memref<64xf32, #tpu.memory_space<hbm>>) target(%dma_start3A_314 : memref<64xf32, #tpu.memory_space<vmem>>) target_semaphore(%arg10 : memref<!tpu.dma_semaphore, #tpu.memory_space<semaphore_mem>>)
      %slice3A_318 = vector.extract_strided_slice %shift_right_logical3A_58 {offsets = [13], sizes = [1], strides = [1]} : vector<16xi32> to vector<1xi32>
      %squeeze3A_319 = vector.extract %slice3A_318[0] : i32 from vector<1xi32>
      %slice3A_320 = vector.extract_strided_slice %and3A_60 {offsets = [13], sizes = [1], strides = [1]} : vector<16xi32> to vector<1xi32>
      %squeeze3A_321 = vector.extract %slice3A_320[0] : i32 from vector<1xi32>
      %mul3A_322 = arith.constant 16 : i32
      %mul3A_323 = arith.muli %scan3A_50, %mul3A_322 : i32
      %add3A_324 = arith.constant 13 : i32
      %add3A_325 = arith.addi %mul3A_323, %add3A_324 : i32
      %dma_start3A_326 = arith.constant 0 : i32
      %dma_start3A_327 = tpu.memref_slice %arg9[%add3A_325, %dma_start3A_326] : memref<256x64xf32, #tpu.memory_space<vmem>> -> memref<1x64xf32, #tpu.memory_space<vmem>>
      %dma_start3A_328 = tpu.memref_squeeze %dma_start3A_327 : memref<1x64xf32, #tpu.memory_space<vmem>> -> memref<64xf32, #tpu.memory_space<vmem>>
      %dma_start3A_329 = arith.constant 0 : i32
      %dma_start3A_330 = tpu.memref_slice %arg5[%squeeze3A_319, %squeeze3A_321, %dma_start3A_329] : memref<12500x8x64xf32, #tpu.memory_space<hbm>> -> memref<1x1x64xf32, #tpu.memory_space<hbm>>
      %dma_start3A_331 = tpu.memref_squeeze %dma_start3A_330 : memref<1x1x64xf32, #tpu.memory_space<hbm>> -> memref<64xf32, #tpu.memory_space<hbm>>
      %dma_start3A_332 = arith.constant 0 : i32
      %dma_start3A_333 = tpu.memref_slice %arg9[%add3A_325, %dma_start3A_332] : memref<256x64xf32, #tpu.memory_space<vmem>> -> memref<1x64xf32, #tpu.memory_space<vmem>>
      %dma_start3A_334 = tpu.memref_squeeze %dma_start3A_333 : memref<1x64xf32, #tpu.memory_space<vmem>> -> memref<64xf32, #tpu.memory_space<vmem>>
      %dma_start3A_335 = arith.constant 0 : i32
      %dma_start3A_336 = tpu.memref_slice %arg5[%squeeze3A_319, %squeeze3A_321, %dma_start3A_335] : memref<12500x8x64xf32, #tpu.memory_space<hbm>> -> memref<1x1x64xf32, #tpu.memory_space<hbm>>
      %dma_start3A_337 = tpu.memref_squeeze %dma_start3A_336 : memref<1x1x64xf32, #tpu.memory_space<hbm>> -> memref<64xf32, #tpu.memory_space<hbm>>
      tpu.enqueue_dma source(%dma_start3A_337 : memref<64xf32, #tpu.memory_space<hbm>>) target(%dma_start3A_334 : memref<64xf32, #tpu.memory_space<vmem>>) target_semaphore(%arg10 : memref<!tpu.dma_semaphore, #tpu.memory_space<semaphore_mem>>)
      %slice3A_338 = vector.extract_strided_slice %shift_right_logical3A_58 {offsets = [14], sizes = [1], strides = [1]} : vector<16xi32> to vector<1xi32>
      %squeeze3A_339 = vector.extract %slice3A_338[0] : i32 from vector<1xi32>
      %slice3A_340 = vector.extract_strided_slice %and3A_60 {offsets = [14], sizes = [1], strides = [1]} : vector<16xi32> to vector<1xi32>
      %squeeze3A_341 = vector.extract %slice3A_340[0] : i32 from vector<1xi32>
      %mul3A_342 = arith.constant 16 : i32
      %mul3A_343 = arith.muli %scan3A_50, %mul3A_342 : i32
      %add3A_344 = arith.constant 14 : i32
      %add3A_345 = arith.addi %mul3A_343, %add3A_344 : i32
      %dma_start3A_346 = arith.constant 0 : i32
      %dma_start3A_347 = tpu.memref_slice %arg9[%add3A_345, %dma_start3A_346] : memref<256x64xf32, #tpu.memory_space<vmem>> -> memref<1x64xf32, #tpu.memory_space<vmem>>
      %dma_start3A_348 = tpu.memref_squeeze %dma_start3A_347 : memref<1x64xf32, #tpu.memory_space<vmem>> -> memref<64xf32, #tpu.memory_space<vmem>>
      %dma_start3A_349 = arith.constant 0 : i32
      %dma_start3A_350 = tpu.memref_slice %arg5[%squeeze3A_339, %squeeze3A_341, %dma_start3A_349] : memref<12500x8x64xf32, #tpu.memory_space<hbm>> -> memref<1x1x64xf32, #tpu.memory_space<hbm>>
      %dma_start3A_351 = tpu.memref_squeeze %dma_start3A_350 : memref<1x1x64xf32, #tpu.memory_space<hbm>> -> memref<64xf32, #tpu.memory_space<hbm>>
      %dma_start3A_352 = arith.constant 0 : i32
      %dma_start3A_353 = tpu.memref_slice %arg9[%add3A_345, %dma_start3A_352] : memref<256x64xf32, #tpu.memory_space<vmem>> -> memref<1x64xf32, #tpu.memory_space<vmem>>
      %dma_start3A_354 = tpu.memref_squeeze %dma_start3A_353 : memref<1x64xf32, #tpu.memory_space<vmem>> -> memref<64xf32, #tpu.memory_space<vmem>>
      %dma_start3A_355 = arith.constant 0 : i32
      %dma_start3A_356 = tpu.memref_slice %arg5[%squeeze3A_339, %squeeze3A_341, %dma_start3A_355] : memref<12500x8x64xf32, #tpu.memory_space<hbm>> -> memref<1x1x64xf32, #tpu.memory_space<hbm>>
      %dma_start3A_357 = tpu.memref_squeeze %dma_start3A_356 : memref<1x1x64xf32, #tpu.memory_space<hbm>> -> memref<64xf32, #tpu.memory_space<hbm>>
      tpu.enqueue_dma source(%dma_start3A_357 : memref<64xf32, #tpu.memory_space<hbm>>) target(%dma_start3A_354 : memref<64xf32, #tpu.memory_space<vmem>>) target_semaphore(%arg10 : memref<!tpu.dma_semaphore, #tpu.memory_space<semaphore_mem>>)
      %slice3A_358 = vector.extract_strided_slice %shift_right_logical3A_58 {offsets = [15], sizes = [1], strides = [1]} : vector<16xi32> to vector<1xi32>
      %squeeze3A_359 = vector.extract %slice3A_358[0] : i32 from vector<1xi32>
      %slice3A_360 = vector.extract_strided_slice %and3A_60 {offsets = [15], sizes = [1], strides = [1]} : vector<16xi32> to vector<1xi32>
      %squeeze3A_361 = vector.extract %slice3A_360[0] : i32 from vector<1xi32>
      %mul3A_362 = arith.constant 16 : i32
      %mul3A_363 = arith.muli %scan3A_50, %mul3A_362 : i32
      %add3A_364 = arith.constant 15 : i32
      %add3A_365 = arith.addi %mul3A_363, %add3A_364 : i32
      %dma_start3A_366 = arith.constant 0 : i32
      %dma_start3A_367 = tpu.memref_slice %arg9[%add3A_365, %dma_start3A_366] : memref<256x64xf32, #tpu.memory_space<vmem>> -> memref<1x64xf32, #tpu.memory_space<vmem>>
      %dma_start3A_368 = tpu.memref_squeeze %dma_start3A_367 : memref<1x64xf32, #tpu.memory_space<vmem>> -> memref<64xf32, #tpu.memory_space<vmem>>
      %dma_start3A_369 = arith.constant 0 : i32
      %dma_start3A_370 = tpu.memref_slice %arg5[%squeeze3A_359, %squeeze3A_361, %dma_start3A_369] : memref<12500x8x64xf32, #tpu.memory_space<hbm>> -> memref<1x1x64xf32, #tpu.memory_space<hbm>>
      %dma_start3A_371 = tpu.memref_squeeze %dma_start3A_370 : memref<1x1x64xf32, #tpu.memory_space<hbm>> -> memref<64xf32, #tpu.memory_space<hbm>>
      %dma_start3A_372 = arith.constant 0 : i32
      %dma_start3A_373 = tpu.memref_slice %arg9[%add3A_365, %dma_start3A_372] : memref<256x64xf32, #tpu.memory_space<vmem>> -> memref<1x64xf32, #tpu.memory_space<vmem>>
      %dma_start3A_374 = tpu.memref_squeeze %dma_start3A_373 : memref<1x64xf32, #tpu.memory_space<vmem>> -> memref<64xf32, #tpu.memory_space<vmem>>
      %dma_start3A_375 = arith.constant 0 : i32
      %dma_start3A_376 = tpu.memref_slice %arg5[%squeeze3A_359, %squeeze3A_361, %dma_start3A_375] : memref<12500x8x64xf32, #tpu.memory_space<hbm>> -> memref<1x1x64xf32, #tpu.memory_space<hbm>>
      %dma_start3A_377 = tpu.memref_squeeze %dma_start3A_376 : memref<1x1x64xf32, #tpu.memory_space<hbm>> -> memref<64xf32, #tpu.memory_space<hbm>>
      tpu.enqueue_dma source(%dma_start3A_377 : memref<64xf32, #tpu.memory_space<hbm>>) target(%dma_start3A_374 : memref<64xf32, #tpu.memory_space<vmem>>) target_semaphore(%arg10 : memref<!tpu.dma_semaphore, #tpu.memory_space<semaphore_mem>>)
    }
    %scan3A_30 = arith.constant 16 : i32
    %scan3A_31 = arith.constant 0 : i32
    %scan3A_32 = arith.constant 256 : i32
    %scan3A_33 = arith.addi %scan3A_31, %scan3A_32 : i32
    %scan3A_34 = arith.constant 1 : i32
    scf.for %scan3A_50 = %scan3A_31 to %scan3A_33 step %scan3A_34  : i32 {
      %dma_wait3A = arith.constant 0 : i32
      %dma_wait3A_51 = arith.constant 0 : i32
      %dma_wait3A_52 = arith.constant 0 : i32
      %dma_wait3A_53 = tpu.memref_slice %arg9[%scan3A_50, %dma_wait3A_52] : memref<256x64xf32, #tpu.memory_space<vmem>> -> memref<1x64xf32, #tpu.memory_space<vmem>>
      %dma_wait3A_54 = tpu.memref_squeeze %dma_wait3A_53 : memref<1x64xf32, #tpu.memory_space<vmem>> -> memref<64xf32, #tpu.memory_space<vmem>>
      %dma_wait3A_55 = arith.constant 0 : i32
      %dma_wait3A_56 = tpu.memref_slice %arg5[%dma_wait3A, %dma_wait3A_51, %dma_wait3A_55] : memref<12500x8x64xf32, #tpu.memory_space<hbm>> -> memref<1x1x64xf32, #tpu.memory_space<hbm>>
      %dma_wait3A_57 = tpu.memref_squeeze %dma_wait3A_56 : memref<1x1x64xf32, #tpu.memory_space<hbm>> -> memref<64xf32, #tpu.memory_space<hbm>>
      %dma_wait3A_58 = arith.constant 0 : i32
      %dma_wait3A_59 = tpu.memref_slice %arg9[%scan3A_50, %dma_wait3A_58] : memref<256x64xf32, #tpu.memory_space<vmem>> -> memref<1x64xf32, #tpu.memory_space<vmem>>
      %dma_wait3A_60 = tpu.memref_squeeze %dma_wait3A_59 : memref<1x64xf32, #tpu.memory_space<vmem>> -> memref<64xf32, #tpu.memory_space<vmem>>
      %dma_wait3A_61 = arith.constant 0 : i32
      %dma_wait3A_62 = tpu.memref_slice %arg5[%dma_wait3A, %dma_wait3A_51, %dma_wait3A_61] : memref<12500x8x64xf32, #tpu.memory_space<hbm>> -> memref<1x1x64xf32, #tpu.memory_space<hbm>>
      %dma_wait3A_63 = tpu.memref_squeeze %dma_wait3A_62 : memref<1x1x64xf32, #tpu.memory_space<hbm>> -> memref<64xf32, #tpu.memory_space<hbm>>
      tpu.wait_dma2 semaphore(%arg10 : memref<!tpu.dma_semaphore, #tpu.memory_space<semaphore_mem>>) src(%dma_wait3A_63 : memref<64xf32, #tpu.memory_space<hbm>>) dst(%dma_wait3A_60 : memref<64xf32, #tpu.memory_space<vmem>>)
    }
    %scan3A_35 = arith.constant 256 : i32
    %add3A_36 = arith.constant 0 : i32
    %add3A_37 = arith.addi %mul3A_2, %add3A_36 : i32
    "tpu.region"() ({
      %run_scoped3A = tpu.sem_alloc : memref<!tpu.dma_semaphore, #tpu.memory_space<semaphore_mem>>
      %dma_start3A = arith.constant 0 : i32
      %dma_start3A_50 = tpu.memref_slice %arg7[%add3A_37, %dma_start3A] : memref<16384x64xf32, #tpu.memory_space<hbm>> -> memref<256x64xf32, #tpu.memory_space<hbm>>
      %dma_start3A_51 = arith.constant 0 : i32
      %dma_start3A_52 = tpu.memref_slice %arg7[%add3A_37, %dma_start3A_51] : memref<16384x64xf32, #tpu.memory_space<hbm>> -> memref<256x64xf32, #tpu.memory_space<hbm>>
      tpu.enqueue_dma source(%arg9 : memref<256x64xf32, #tpu.memory_space<vmem>>) target(%dma_start3A_52 : memref<256x64xf32, #tpu.memory_space<hbm>>) target_semaphore(%run_scoped3A : memref<!tpu.dma_semaphore, #tpu.memory_space<semaphore_mem>>)
      %dma_wait3A = arith.constant 0 : i32
      %dma_wait3A_53 = tpu.memref_slice %arg7[%add3A_37, %dma_wait3A] : memref<16384x64xf32, #tpu.memory_space<hbm>> -> memref<256x64xf32, #tpu.memory_space<hbm>>
      %dma_wait3A_54 = arith.constant 0 : i32
      %dma_wait3A_55 = tpu.memref_slice %arg7[%add3A_37, %dma_wait3A_54] : memref<16384x64xf32, #tpu.memory_space<hbm>> -> memref<256x64xf32, #tpu.memory_space<hbm>>
      tpu.wait_dma2 semaphore(%run_scoped3A : memref<!tpu.dma_semaphore, #tpu.memory_space<semaphore_mem>>) src(%arg9 : memref<256x64xf32, #tpu.memory_space<vmem>>) dst(%dma_wait3A_55 : memref<256x64xf32, #tpu.memory_space<hbm>>)
      tpu.yield
    }) : () -> ()
    %scan3A_38 = arith.constant 0 : i32
    %scan3A_39 = arith.constant 16 : i32
    %scan3A_40 = arith.addi %scan3A_38, %scan3A_39 : i32
    %scan3A_41 = arith.constant 1 : i32
    scf.for %scan3A_50 = %scan3A_38 to %scan3A_40 step %scan3A_41  : i32 {
      %mul3A_51 = arith.constant 16 : i32
      %mul3A_52 = arith.muli %scan3A_50, %mul3A_51 : i32
      %add3A_53 = arith.constant 256 : i32
      %add3A_54 = arith.addi %add3A_53, %mul3A_52 : i32
      %get3A = arith.index_cast %add3A_54 : i32 to index
      %get3A_55 = tpu.vector_load %arg8[%get3A] {strides = array<i32>} : memref<512xi32, #tpu.memory_space<vmem>>, vector<16xi32>,
      %get3A_56 = vector.shape_cast %get3A_55 : vector<16xi32> to vector<16xi32>
      %shift_right_logical3A = arith.constant 3 : i32
      %shift_right_logical3A_57 = vector.broadcast %shift_right_logical3A : i32 to vector<16xi32>
      %shift_right_logical3A_58 = arith.shrui %get3A_56, %shift_right_logical3A_57 : vector<16xi32>
      %and3A = arith.constant 7 : i32
      %and3A_59 = vector.broadcast %and3A : i32 to vector<16xi32>
      %and3A_60 = arith.andi %get3A_56, %and3A_59 : vector<16xi32>
      %slice3A = vector.extract_strided_slice %shift_right_logical3A_58 {offsets = [0], sizes = [1], strides = [1]} : vector<16xi32> to vector<1xi32>
      %squeeze3A = vector.extract %slice3A[0] : i32 from vector<1xi32>
      %slice3A_61 = vector.extract_strided_slice %and3A_60 {offsets = [0], sizes = [1], strides = [1]} : vector<16xi32> to vector<1xi32>
      %squeeze3A_62 = vector.extract %slice3A_61[0] : i32 from vector<1xi32>
      %mul3A_63 = arith.constant 16 : i32
      %mul3A_64 = arith.muli %scan3A_50, %mul3A_63 : i32
      %add3A_65 = arith.constant 0 : i32
      %add3A_66 = arith.addi %mul3A_64, %add3A_65 : i32
      %dma_start3A = arith.constant 0 : i32
      %dma_start3A_67 = tpu.memref_slice %arg9[%add3A_66, %dma_start3A] : memref<256x64xf32, #tpu.memory_space<vmem>> -> memref<1x64xf32, #tpu.memory_space<vmem>>
      %dma_start3A_68 = tpu.memref_squeeze %dma_start3A_67 : memref<1x64xf32, #tpu.memory_space<vmem>> -> memref<64xf32, #tpu.memory_space<vmem>>
      %dma_start3A_69 = arith.constant 0 : i32
      %dma_start3A_70 = tpu.memref_slice %arg5[%squeeze3A, %squeeze3A_62, %dma_start3A_69] : memref<12500x8x64xf32, #tpu.memory_space<hbm>> -> memref<1x1x64xf32, #tpu.memory_space<hbm>>
      %dma_start3A_71 = tpu.memref_squeeze %dma_start3A_70 : memref<1x1x64xf32, #tpu.memory_space<hbm>> -> memref<64xf32, #tpu.memory_space<hbm>>
      %dma_start3A_72 = arith.constant 0 : i32
      %dma_start3A_73 = tpu.memref_slice %arg9[%add3A_66, %dma_start3A_72] : memref<256x64xf32, #tpu.memory_space<vmem>> -> memref<1x64xf32, #tpu.memory_space<vmem>>
      %dma_start3A_74 = tpu.memref_squeeze %dma_start3A_73 : memref<1x64xf32, #tpu.memory_space<vmem>> -> memref<64xf32, #tpu.memory_space<vmem>>
      %dma_start3A_75 = arith.constant 0 : i32
      %dma_start3A_76 = tpu.memref_slice %arg5[%squeeze3A, %squeeze3A_62, %dma_start3A_75] : memref<12500x8x64xf32, #tpu.memory_space<hbm>> -> memref<1x1x64xf32, #tpu.memory_space<hbm>>
      %dma_start3A_77 = tpu.memref_squeeze %dma_start3A_76 : memref<1x1x64xf32, #tpu.memory_space<hbm>> -> memref<64xf32, #tpu.memory_space<hbm>>
      tpu.enqueue_dma source(%dma_start3A_77 : memref<64xf32, #tpu.memory_space<hbm>>) target(%dma_start3A_74 : memref<64xf32, #tpu.memory_space<vmem>>) target_semaphore(%arg10 : memref<!tpu.dma_semaphore, #tpu.memory_space<semaphore_mem>>)
      %slice3A_78 = vector.extract_strided_slice %shift_right_logical3A_58 {offsets = [1], sizes = [1], strides = [1]} : vector<16xi32> to vector<1xi32>
      %squeeze3A_79 = vector.extract %slice3A_78[0] : i32 from vector<1xi32>
      %slice3A_80 = vector.extract_strided_slice %and3A_60 {offsets = [1], sizes = [1], strides = [1]} : vector<16xi32> to vector<1xi32>
      %squeeze3A_81 = vector.extract %slice3A_80[0] : i32 from vector<1xi32>
      %mul3A_82 = arith.constant 16 : i32
      %mul3A_83 = arith.muli %scan3A_50, %mul3A_82 : i32
      %add3A_84 = arith.constant 1 : i32
      %add3A_85 = arith.addi %mul3A_83, %add3A_84 : i32
      %dma_start3A_86 = arith.constant 0 : i32
      %dma_start3A_87 = tpu.memref_slice %arg9[%add3A_85, %dma_start3A_86] : memref<256x64xf32, #tpu.memory_space<vmem>> -> memref<1x64xf32, #tpu.memory_space<vmem>>
      %dma_start3A_88 = tpu.memref_squeeze %dma_start3A_87 : memref<1x64xf32, #tpu.memory_space<vmem>> -> memref<64xf32, #tpu.memory_space<vmem>>
      %dma_start3A_89 = arith.constant 0 : i32
      %dma_start3A_90 = tpu.memref_slice %arg5[%squeeze3A_79, %squeeze3A_81, %dma_start3A_89] : memref<12500x8x64xf32, #tpu.memory_space<hbm>> -> memref<1x1x64xf32, #tpu.memory_space<hbm>>
      %dma_start3A_91 = tpu.memref_squeeze %dma_start3A_90 : memref<1x1x64xf32, #tpu.memory_space<hbm>> -> memref<64xf32, #tpu.memory_space<hbm>>
      %dma_start3A_92 = arith.constant 0 : i32
      %dma_start3A_93 = tpu.memref_slice %arg9[%add3A_85, %dma_start3A_92] : memref<256x64xf32, #tpu.memory_space<vmem>> -> memref<1x64xf32, #tpu.memory_space<vmem>>
      %dma_start3A_94 = tpu.memref_squeeze %dma_start3A_93 : memref<1x64xf32, #tpu.memory_space<vmem>> -> memref<64xf32, #tpu.memory_space<vmem>>
      %dma_start3A_95 = arith.constant 0 : i32
      %dma_start3A_96 = tpu.memref_slice %arg5[%squeeze3A_79, %squeeze3A_81, %dma_start3A_95] : memref<12500x8x64xf32, #tpu.memory_space<hbm>> -> memref<1x1x64xf32, #tpu.memory_space<hbm>>
      %dma_start3A_97 = tpu.memref_squeeze %dma_start3A_96 : memref<1x1x64xf32, #tpu.memory_space<hbm>> -> memref<64xf32, #tpu.memory_space<hbm>>
      tpu.enqueue_dma source(%dma_start3A_97 : memref<64xf32, #tpu.memory_space<hbm>>) target(%dma_start3A_94 : memref<64xf32, #tpu.memory_space<vmem>>) target_semaphore(%arg10 : memref<!tpu.dma_semaphore, #tpu.memory_space<semaphore_mem>>)
      %slice3A_98 = vector.extract_strided_slice %shift_right_logical3A_58 {offsets = [2], sizes = [1], strides = [1]} : vector<16xi32> to vector<1xi32>
      %squeeze3A_99 = vector.extract %slice3A_98[0] : i32 from vector<1xi32>
      %slice3A_100 = vector.extract_strided_slice %and3A_60 {offsets = [2], sizes = [1], strides = [1]} : vector<16xi32> to vector<1xi32>
      %squeeze3A_101 = vector.extract %slice3A_100[0] : i32 from vector<1xi32>
      %mul3A_102 = arith.constant 16 : i32
      %mul3A_103 = arith.muli %scan3A_50, %mul3A_102 : i32
      %add3A_104 = arith.constant 2 : i32
      %add3A_105 = arith.addi %mul3A_103, %add3A_104 : i32
      %dma_start3A_106 = arith.constant 0 : i32
      %dma_start3A_107 = tpu.memref_slice %arg9[%add3A_105, %dma_start3A_106] : memref<256x64xf32, #tpu.memory_space<vmem>> -> memref<1x64xf32, #tpu.memory_space<vmem>>
      %dma_start3A_108 = tpu.memref_squeeze %dma_start3A_107 : memref<1x64xf32, #tpu.memory_space<vmem>> -> memref<64xf32, #tpu.memory_space<vmem>>
      %dma_start3A_109 = arith.constant 0 : i32
      %dma_start3A_110 = tpu.memref_slice %arg5[%squeeze3A_99, %squeeze3A_101, %dma_start3A_109] : memref<12500x8x64xf32, #tpu.memory_space<hbm>> -> memref<1x1x64xf32, #tpu.memory_space<hbm>>
      %dma_start3A_111 = tpu.memref_squeeze %dma_start3A_110 : memref<1x1x64xf32, #tpu.memory_space<hbm>> -> memref<64xf32, #tpu.memory_space<hbm>>
      %dma_start3A_112 = arith.constant 0 : i32
      %dma_start3A_113 = tpu.memref_slice %arg9[%add3A_105, %dma_start3A_112] : memref<256x64xf32, #tpu.memory_space<vmem>> -> memref<1x64xf32, #tpu.memory_space<vmem>>
      %dma_start3A_114 = tpu.memref_squeeze %dma_start3A_113 : memref<1x64xf32, #tpu.memory_space<vmem>> -> memref<64xf32, #tpu.memory_space<vmem>>
      %dma_start3A_115 = arith.constant 0 : i32
      %dma_start3A_116 = tpu.memref_slice %arg5[%squeeze3A_99, %squeeze3A_101, %dma_start3A_115] : memref<12500x8x64xf32, #tpu.memory_space<hbm>> -> memref<1x1x64xf32, #tpu.memory_space<hbm>>
      %dma_start3A_117 = tpu.memref_squeeze %dma_start3A_116 : memref<1x1x64xf32, #tpu.memory_space<hbm>> -> memref<64xf32, #tpu.memory_space<hbm>>
      tpu.enqueue_dma source(%dma_start3A_117 : memref<64xf32, #tpu.memory_space<hbm>>) target(%dma_start3A_114 : memref<64xf32, #tpu.memory_space<vmem>>) target_semaphore(%arg10 : memref<!tpu.dma_semaphore, #tpu.memory_space<semaphore_mem>>)
      %slice3A_118 = vector.extract_strided_slice %shift_right_logical3A_58 {offsets = [3], sizes = [1], strides = [1]} : vector<16xi32> to vector<1xi32>
      %squeeze3A_119 = vector.extract %slice3A_118[0] : i32 from vector<1xi32>
      %slice3A_120 = vector.extract_strided_slice %and3A_60 {offsets = [3], sizes = [1], strides = [1]} : vector<16xi32> to vector<1xi32>
      %squeeze3A_121 = vector.extract %slice3A_120[0] : i32 from vector<1xi32>
      %mul3A_122 = arith.constant 16 : i32
      %mul3A_123 = arith.muli %scan3A_50, %mul3A_122 : i32
      %add3A_124 = arith.constant 3 : i32
      %add3A_125 = arith.addi %mul3A_123, %add3A_124 : i32
      %dma_start3A_126 = arith.constant 0 : i32
      %dma_start3A_127 = tpu.memref_slice %arg9[%add3A_125, %dma_start3A_126] : memref<256x64xf32, #tpu.memory_space<vmem>> -> memref<1x64xf32, #tpu.memory_space<vmem>>
      %dma_start3A_128 = tpu.memref_squeeze %dma_start3A_127 : memref<1x64xf32, #tpu.memory_space<vmem>> -> memref<64xf32, #tpu.memory_space<vmem>>
      %dma_start3A_129 = arith.constant 0 : i32
      %dma_start3A_130 = tpu.memref_slice %arg5[%squeeze3A_119, %squeeze3A_121, %dma_start3A_129] : memref<12500x8x64xf32, #tpu.memory_space<hbm>> -> memref<1x1x64xf32, #tpu.memory_space<hbm>>
      %dma_start3A_131 = tpu.memref_squeeze %dma_start3A_130 : memref<1x1x64xf32, #tpu.memory_space<hbm>> -> memref<64xf32, #tpu.memory_space<hbm>>
      %dma_start3A_132 = arith.constant 0 : i32
      %dma_start3A_133 = tpu.memref_slice %arg9[%add3A_125, %dma_start3A_132] : memref<256x64xf32, #tpu.memory_space<vmem>> -> memref<1x64xf32, #tpu.memory_space<vmem>>
      %dma_start3A_134 = tpu.memref_squeeze %dma_start3A_133 : memref<1x64xf32, #tpu.memory_space<vmem>> -> memref<64xf32, #tpu.memory_space<vmem>>
      %dma_start3A_135 = arith.constant 0 : i32
      %dma_start3A_136 = tpu.memref_slice %arg5[%squeeze3A_119, %squeeze3A_121, %dma_start3A_135] : memref<12500x8x64xf32, #tpu.memory_space<hbm>> -> memref<1x1x64xf32, #tpu.memory_space<hbm>>
      %dma_start3A_137 = tpu.memref_squeeze %dma_start3A_136 : memref<1x1x64xf32, #tpu.memory_space<hbm>> -> memref<64xf32, #tpu.memory_space<hbm>>
      tpu.enqueue_dma source(%dma_start3A_137 : memref<64xf32, #tpu.memory_space<hbm>>) target(%dma_start3A_134 : memref<64xf32, #tpu.memory_space<vmem>>) target_semaphore(%arg10 : memref<!tpu.dma_semaphore, #tpu.memory_space<semaphore_mem>>)
      %slice3A_138 = vector.extract_strided_slice %shift_right_logical3A_58 {offsets = [4], sizes = [1], strides = [1]} : vector<16xi32> to vector<1xi32>
      %squeeze3A_139 = vector.extract %slice3A_138[0] : i32 from vector<1xi32>
      %slice3A_140 = vector.extract_strided_slice %and3A_60 {offsets = [4], sizes = [1], strides = [1]} : vector<16xi32> to vector<1xi32>
      %squeeze3A_141 = vector.extract %slice3A_140[0] : i32 from vector<1xi32>
      %mul3A_142 = arith.constant 16 : i32
      %mul3A_143 = arith.muli %scan3A_50, %mul3A_142 : i32
      %add3A_144 = arith.constant 4 : i32
      %add3A_145 = arith.addi %mul3A_143, %add3A_144 : i32
      %dma_start3A_146 = arith.constant 0 : i32
      %dma_start3A_147 = tpu.memref_slice %arg9[%add3A_145, %dma_start3A_146] : memref<256x64xf32, #tpu.memory_space<vmem>> -> memref<1x64xf32, #tpu.memory_space<vmem>>
      %dma_start3A_148 = tpu.memref_squeeze %dma_start3A_147 : memref<1x64xf32, #tpu.memory_space<vmem>> -> memref<64xf32, #tpu.memory_space<vmem>>
      %dma_start3A_149 = arith.constant 0 : i32
      %dma_start3A_150 = tpu.memref_slice %arg5[%squeeze3A_139, %squeeze3A_141, %dma_start3A_149] : memref<12500x8x64xf32, #tpu.memory_space<hbm>> -> memref<1x1x64xf32, #tpu.memory_space<hbm>>
      %dma_start3A_151 = tpu.memref_squeeze %dma_start3A_150 : memref<1x1x64xf32, #tpu.memory_space<hbm>> -> memref<64xf32, #tpu.memory_space<hbm>>
      %dma_start3A_152 = arith.constant 0 : i32
      %dma_start3A_153 = tpu.memref_slice %arg9[%add3A_145, %dma_start3A_152] : memref<256x64xf32, #tpu.memory_space<vmem>> -> memref<1x64xf32, #tpu.memory_space<vmem>>
      %dma_start3A_154 = tpu.memref_squeeze %dma_start3A_153 : memref<1x64xf32, #tpu.memory_space<vmem>> -> memref<64xf32, #tpu.memory_space<vmem>>
      %dma_start3A_155 = arith.constant 0 : i32
      %dma_start3A_156 = tpu.memref_slice %arg5[%squeeze3A_139, %squeeze3A_141, %dma_start3A_155] : memref<12500x8x64xf32, #tpu.memory_space<hbm>> -> memref<1x1x64xf32, #tpu.memory_space<hbm>>
      %dma_start3A_157 = tpu.memref_squeeze %dma_start3A_156 : memref<1x1x64xf32, #tpu.memory_space<hbm>> -> memref<64xf32, #tpu.memory_space<hbm>>
      tpu.enqueue_dma source(%dma_start3A_157 : memref<64xf32, #tpu.memory_space<hbm>>) target(%dma_start3A_154 : memref<64xf32, #tpu.memory_space<vmem>>) target_semaphore(%arg10 : memref<!tpu.dma_semaphore, #tpu.memory_space<semaphore_mem>>)
      %slice3A_158 = vector.extract_strided_slice %shift_right_logical3A_58 {offsets = [5], sizes = [1], strides = [1]} : vector<16xi32> to vector<1xi32>
      %squeeze3A_159 = vector.extract %slice3A_158[0] : i32 from vector<1xi32>
      %slice3A_160 = vector.extract_strided_slice %and3A_60 {offsets = [5], sizes = [1], strides = [1]} : vector<16xi32> to vector<1xi32>
      %squeeze3A_161 = vector.extract %slice3A_160[0] : i32 from vector<1xi32>
      %mul3A_162 = arith.constant 16 : i32
      %mul3A_163 = arith.muli %scan3A_50, %mul3A_162 : i32
      %add3A_164 = arith.constant 5 : i32
      %add3A_165 = arith.addi %mul3A_163, %add3A_164 : i32
      %dma_start3A_166 = arith.constant 0 : i32
      %dma_start3A_167 = tpu.memref_slice %arg9[%add3A_165, %dma_start3A_166] : memref<256x64xf32, #tpu.memory_space<vmem>> -> memref<1x64xf32, #tpu.memory_space<vmem>>
      %dma_start3A_168 = tpu.memref_squeeze %dma_start3A_167 : memref<1x64xf32, #tpu.memory_space<vmem>> -> memref<64xf32, #tpu.memory_space<vmem>>
      %dma_start3A_169 = arith.constant 0 : i32
      %dma_start3A_170 = tpu.memref_slice %arg5[%squeeze3A_159, %squeeze3A_161, %dma_start3A_169] : memref<12500x8x64xf32, #tpu.memory_space<hbm>> -> memref<1x1x64xf32, #tpu.memory_space<hbm>>
      %dma_start3A_171 = tpu.memref_squeeze %dma_start3A_170 : memref<1x1x64xf32, #tpu.memory_space<hbm>> -> memref<64xf32, #tpu.memory_space<hbm>>
      %dma_start3A_172 = arith.constant 0 : i32
      %dma_start3A_173 = tpu.memref_slice %arg9[%add3A_165, %dma_start3A_172] : memref<256x64xf32, #tpu.memory_space<vmem>> -> memref<1x64xf32, #tpu.memory_space<vmem>>
      %dma_start3A_174 = tpu.memref_squeeze %dma_start3A_173 : memref<1x64xf32, #tpu.memory_space<vmem>> -> memref<64xf32, #tpu.memory_space<vmem>>
      %dma_start3A_175 = arith.constant 0 : i32
      %dma_start3A_176 = tpu.memref_slice %arg5[%squeeze3A_159, %squeeze3A_161, %dma_start3A_175] : memref<12500x8x64xf32, #tpu.memory_space<hbm>> -> memref<1x1x64xf32, #tpu.memory_space<hbm>>
      %dma_start3A_177 = tpu.memref_squeeze %dma_start3A_176 : memref<1x1x64xf32, #tpu.memory_space<hbm>> -> memref<64xf32, #tpu.memory_space<hbm>>
      tpu.enqueue_dma source(%dma_start3A_177 : memref<64xf32, #tpu.memory_space<hbm>>) target(%dma_start3A_174 : memref<64xf32, #tpu.memory_space<vmem>>) target_semaphore(%arg10 : memref<!tpu.dma_semaphore, #tpu.memory_space<semaphore_mem>>)
      %slice3A_178 = vector.extract_strided_slice %shift_right_logical3A_58 {offsets = [6], sizes = [1], strides = [1]} : vector<16xi32> to vector<1xi32>
      %squeeze3A_179 = vector.extract %slice3A_178[0] : i32 from vector<1xi32>
      %slice3A_180 = vector.extract_strided_slice %and3A_60 {offsets = [6], sizes = [1], strides = [1]} : vector<16xi32> to vector<1xi32>
      %squeeze3A_181 = vector.extract %slice3A_180[0] : i32 from vector<1xi32>
      %mul3A_182 = arith.constant 16 : i32
      %mul3A_183 = arith.muli %scan3A_50, %mul3A_182 : i32
      %add3A_184 = arith.constant 6 : i32
      %add3A_185 = arith.addi %mul3A_183, %add3A_184 : i32
      %dma_start3A_186 = arith.constant 0 : i32
      %dma_start3A_187 = tpu.memref_slice %arg9[%add3A_185, %dma_start3A_186] : memref<256x64xf32, #tpu.memory_space<vmem>> -> memref<1x64xf32, #tpu.memory_space<vmem>>
      %dma_start3A_188 = tpu.memref_squeeze %dma_start3A_187 : memref<1x64xf32, #tpu.memory_space<vmem>> -> memref<64xf32, #tpu.memory_space<vmem>>
      %dma_start3A_189 = arith.constant 0 : i32
      %dma_start3A_190 = tpu.memref_slice %arg5[%squeeze3A_179, %squeeze3A_181, %dma_start3A_189] : memref<12500x8x64xf32, #tpu.memory_space<hbm>> -> memref<1x1x64xf32, #tpu.memory_space<hbm>>
      %dma_start3A_191 = tpu.memref_squeeze %dma_start3A_190 : memref<1x1x64xf32, #tpu.memory_space<hbm>> -> memref<64xf32, #tpu.memory_space<hbm>>
      %dma_start3A_192 = arith.constant 0 : i32
      %dma_start3A_193 = tpu.memref_slice %arg9[%add3A_185, %dma_start3A_192] : memref<256x64xf32, #tpu.memory_space<vmem>> -> memref<1x64xf32, #tpu.memory_space<vmem>>
      %dma_start3A_194 = tpu.memref_squeeze %dma_start3A_193 : memref<1x64xf32, #tpu.memory_space<vmem>> -> memref<64xf32, #tpu.memory_space<vmem>>
      %dma_start3A_195 = arith.constant 0 : i32
      %dma_start3A_196 = tpu.memref_slice %arg5[%squeeze3A_179, %squeeze3A_181, %dma_start3A_195] : memref<12500x8x64xf32, #tpu.memory_space<hbm>> -> memref<1x1x64xf32, #tpu.memory_space<hbm>>
      %dma_start3A_197 = tpu.memref_squeeze %dma_start3A_196 : memref<1x1x64xf32, #tpu.memory_space<hbm>> -> memref<64xf32, #tpu.memory_space<hbm>>
      tpu.enqueue_dma source(%dma_start3A_197 : memref<64xf32, #tpu.memory_space<hbm>>) target(%dma_start3A_194 : memref<64xf32, #tpu.memory_space<vmem>>) target_semaphore(%arg10 : memref<!tpu.dma_semaphore, #tpu.memory_space<semaphore_mem>>)
      %slice3A_198 = vector.extract_strided_slice %shift_right_logical3A_58 {offsets = [7], sizes = [1], strides = [1]} : vector<16xi32> to vector<1xi32>
      %squeeze3A_199 = vector.extract %slice3A_198[0] : i32 from vector<1xi32>
      %slice3A_200 = vector.extract_strided_slice %and3A_60 {offsets = [7], sizes = [1], strides = [1]} : vector<16xi32> to vector<1xi32>
      %squeeze3A_201 = vector.extract %slice3A_200[0] : i32 from vector<1xi32>
      %mul3A_202 = arith.constant 16 : i32
      %mul3A_203 = arith.muli %scan3A_50, %mul3A_202 : i32
      %add3A_204 = arith.constant 7 : i32
      %add3A_205 = arith.addi %mul3A_203, %add3A_204 : i32
      %dma_start3A_206 = arith.constant 0 : i32
      %dma_start3A_207 = tpu.memref_slice %arg9[%add3A_205, %dma_start3A_206] : memref<256x64xf32, #tpu.memory_space<vmem>> -> memref<1x64xf32, #tpu.memory_space<vmem>>
      %dma_start3A_208 = tpu.memref_squeeze %dma_start3A_207 : memref<1x64xf32, #tpu.memory_space<vmem>> -> memref<64xf32, #tpu.memory_space<vmem>>
      %dma_start3A_209 = arith.constant 0 : i32
      %dma_start3A_210 = tpu.memref_slice %arg5[%squeeze3A_199, %squeeze3A_201, %dma_start3A_209] : memref<12500x8x64xf32, #tpu.memory_space<hbm>> -> memref<1x1x64xf32, #tpu.memory_space<hbm>>
      %dma_start3A_211 = tpu.memref_squeeze %dma_start3A_210 : memref<1x1x64xf32, #tpu.memory_space<hbm>> -> memref<64xf32, #tpu.memory_space<hbm>>
      %dma_start3A_212 = arith.constant 0 : i32
      %dma_start3A_213 = tpu.memref_slice %arg9[%add3A_205, %dma_start3A_212] : memref<256x64xf32, #tpu.memory_space<vmem>> -> memref<1x64xf32, #tpu.memory_space<vmem>>
      %dma_start3A_214 = tpu.memref_squeeze %dma_start3A_213 : memref<1x64xf32, #tpu.memory_space<vmem>> -> memref<64xf32, #tpu.memory_space<vmem>>
      %dma_start3A_215 = arith.constant 0 : i32
      %dma_start3A_216 = tpu.memref_slice %arg5[%squeeze3A_199, %squeeze3A_201, %dma_start3A_215] : memref<12500x8x64xf32, #tpu.memory_space<hbm>> -> memref<1x1x64xf32, #tpu.memory_space<hbm>>
      %dma_start3A_217 = tpu.memref_squeeze %dma_start3A_216 : memref<1x1x64xf32, #tpu.memory_space<hbm>> -> memref<64xf32, #tpu.memory_space<hbm>>
      tpu.enqueue_dma source(%dma_start3A_217 : memref<64xf32, #tpu.memory_space<hbm>>) target(%dma_start3A_214 : memref<64xf32, #tpu.memory_space<vmem>>) target_semaphore(%arg10 : memref<!tpu.dma_semaphore, #tpu.memory_space<semaphore_mem>>)
      %slice3A_218 = vector.extract_strided_slice %shift_right_logical3A_58 {offsets = [8], sizes = [1], strides = [1]} : vector<16xi32> to vector<1xi32>
      %squeeze3A_219 = vector.extract %slice3A_218[0] : i32 from vector<1xi32>
      %slice3A_220 = vector.extract_strided_slice %and3A_60 {offsets = [8], sizes = [1], strides = [1]} : vector<16xi32> to vector<1xi32>
      %squeeze3A_221 = vector.extract %slice3A_220[0] : i32 from vector<1xi32>
      %mul3A_222 = arith.constant 16 : i32
      %mul3A_223 = arith.muli %scan3A_50, %mul3A_222 : i32
      %add3A_224 = arith.constant 8 : i32
      %add3A_225 = arith.addi %mul3A_223, %add3A_224 : i32
      %dma_start3A_226 = arith.constant 0 : i32
      %dma_start3A_227 = tpu.memref_slice %arg9[%add3A_225, %dma_start3A_226] : memref<256x64xf32, #tpu.memory_space<vmem>> -> memref<1x64xf32, #tpu.memory_space<vmem>>
      %dma_start3A_228 = tpu.memref_squeeze %dma_start3A_227 : memref<1x64xf32, #tpu.memory_space<vmem>> -> memref<64xf32, #tpu.memory_space<vmem>>
      %dma_start3A_229 = arith.constant 0 : i32
      %dma_start3A_230 = tpu.memref_slice %arg5[%squeeze3A_219, %squeeze3A_221, %dma_start3A_229] : memref<12500x8x64xf32, #tpu.memory_space<hbm>> -> memref<1x1x64xf32, #tpu.memory_space<hbm>>
      %dma_start3A_231 = tpu.memref_squeeze %dma_start3A_230 : memref<1x1x64xf32, #tpu.memory_space<hbm>> -> memref<64xf32, #tpu.memory_space<hbm>>
      %dma_start3A_232 = arith.constant 0 : i32
      %dma_start3A_233 = tpu.memref_slice %arg9[%add3A_225, %dma_start3A_232] : memref<256x64xf32, #tpu.memory_space<vmem>> -> memref<1x64xf32, #tpu.memory_space<vmem>>
      %dma_start3A_234 = tpu.memref_squeeze %dma_start3A_233 : memref<1x64xf32, #tpu.memory_space<vmem>> -> memref<64xf32, #tpu.memory_space<vmem>>
      %dma_start3A_235 = arith.constant 0 : i32
      %dma_start3A_236 = tpu.memref_slice %arg5[%squeeze3A_219, %squeeze3A_221, %dma_start3A_235] : memref<12500x8x64xf32, #tpu.memory_space<hbm>> -> memref<1x1x64xf32, #tpu.memory_space<hbm>>
      %dma_start3A_237 = tpu.memref_squeeze %dma_start3A_236 : memref<1x1x64xf32, #tpu.memory_space<hbm>> -> memref<64xf32, #tpu.memory_space<hbm>>
      tpu.enqueue_dma source(%dma_start3A_237 : memref<64xf32, #tpu.memory_space<hbm>>) target(%dma_start3A_234 : memref<64xf32, #tpu.memory_space<vmem>>) target_semaphore(%arg10 : memref<!tpu.dma_semaphore, #tpu.memory_space<semaphore_mem>>)
      %slice3A_238 = vector.extract_strided_slice %shift_right_logical3A_58 {offsets = [9], sizes = [1], strides = [1]} : vector<16xi32> to vector<1xi32>
      %squeeze3A_239 = vector.extract %slice3A_238[0] : i32 from vector<1xi32>
      %slice3A_240 = vector.extract_strided_slice %and3A_60 {offsets = [9], sizes = [1], strides = [1]} : vector<16xi32> to vector<1xi32>
      %squeeze3A_241 = vector.extract %slice3A_240[0] : i32 from vector<1xi32>
      %mul3A_242 = arith.constant 16 : i32
      %mul3A_243 = arith.muli %scan3A_50, %mul3A_242 : i32
      %add3A_244 = arith.constant 9 : i32
      %add3A_245 = arith.addi %mul3A_243, %add3A_244 : i32
      %dma_start3A_246 = arith.constant 0 : i32
      %dma_start3A_247 = tpu.memref_slice %arg9[%add3A_245, %dma_start3A_246] : memref<256x64xf32, #tpu.memory_space<vmem>> -> memref<1x64xf32, #tpu.memory_space<vmem>>
      %dma_start3A_248 = tpu.memref_squeeze %dma_start3A_247 : memref<1x64xf32, #tpu.memory_space<vmem>> -> memref<64xf32, #tpu.memory_space<vmem>>
      %dma_start3A_249 = arith.constant 0 : i32
      %dma_start3A_250 = tpu.memref_slice %arg5[%squeeze3A_239, %squeeze3A_241, %dma_start3A_249] : memref<12500x8x64xf32, #tpu.memory_space<hbm>> -> memref<1x1x64xf32, #tpu.memory_space<hbm>>
      %dma_start3A_251 = tpu.memref_squeeze %dma_start3A_250 : memref<1x1x64xf32, #tpu.memory_space<hbm>> -> memref<64xf32, #tpu.memory_space<hbm>>
      %dma_start3A_252 = arith.constant 0 : i32
      %dma_start3A_253 = tpu.memref_slice %arg9[%add3A_245, %dma_start3A_252] : memref<256x64xf32, #tpu.memory_space<vmem>> -> memref<1x64xf32, #tpu.memory_space<vmem>>
      %dma_start3A_254 = tpu.memref_squeeze %dma_start3A_253 : memref<1x64xf32, #tpu.memory_space<vmem>> -> memref<64xf32, #tpu.memory_space<vmem>>
      %dma_start3A_255 = arith.constant 0 : i32
      %dma_start3A_256 = tpu.memref_slice %arg5[%squeeze3A_239, %squeeze3A_241, %dma_start3A_255] : memref<12500x8x64xf32, #tpu.memory_space<hbm>> -> memref<1x1x64xf32, #tpu.memory_space<hbm>>
      %dma_start3A_257 = tpu.memref_squeeze %dma_start3A_256 : memref<1x1x64xf32, #tpu.memory_space<hbm>> -> memref<64xf32, #tpu.memory_space<hbm>>
      tpu.enqueue_dma source(%dma_start3A_257 : memref<64xf32, #tpu.memory_space<hbm>>) target(%dma_start3A_254 : memref<64xf32, #tpu.memory_space<vmem>>) target_semaphore(%arg10 : memref<!tpu.dma_semaphore, #tpu.memory_space<semaphore_mem>>)
      %slice3A_258 = vector.extract_strided_slice %shift_right_logical3A_58 {offsets = [10], sizes = [1], strides = [1]} : vector<16xi32> to vector<1xi32>
      %squeeze3A_259 = vector.extract %slice3A_258[0] : i32 from vector<1xi32>
      %slice3A_260 = vector.extract_strided_slice %and3A_60 {offsets = [10], sizes = [1], strides = [1]} : vector<16xi32> to vector<1xi32>
      %squeeze3A_261 = vector.extract %slice3A_260[0] : i32 from vector<1xi32>
      %mul3A_262 = arith.constant 16 : i32
      %mul3A_263 = arith.muli %scan3A_50, %mul3A_262 : i32
      %add3A_264 = arith.constant 10 : i32
      %add3A_265 = arith.addi %mul3A_263, %add3A_264 : i32
      %dma_start3A_266 = arith.constant 0 : i32
      %dma_start3A_267 = tpu.memref_slice %arg9[%add3A_265, %dma_start3A_266] : memref<256x64xf32, #tpu.memory_space<vmem>> -> memref<1x64xf32, #tpu.memory_space<vmem>>
      %dma_start3A_268 = tpu.memref_squeeze %dma_start3A_267 : memref<1x64xf32, #tpu.memory_space<vmem>> -> memref<64xf32, #tpu.memory_space<vmem>>
      %dma_start3A_269 = arith.constant 0 : i32
      %dma_start3A_270 = tpu.memref_slice %arg5[%squeeze3A_259, %squeeze3A_261, %dma_start3A_269] : memref<12500x8x64xf32, #tpu.memory_space<hbm>> -> memref<1x1x64xf32, #tpu.memory_space<hbm>>
      %dma_start3A_271 = tpu.memref_squeeze %dma_start3A_270 : memref<1x1x64xf32, #tpu.memory_space<hbm>> -> memref<64xf32, #tpu.memory_space<hbm>>
      %dma_start3A_272 = arith.constant 0 : i32
      %dma_start3A_273 = tpu.memref_slice %arg9[%add3A_265, %dma_start3A_272] : memref<256x64xf32, #tpu.memory_space<vmem>> -> memref<1x64xf32, #tpu.memory_space<vmem>>
      %dma_start3A_274 = tpu.memref_squeeze %dma_start3A_273 : memref<1x64xf32, #tpu.memory_space<vmem>> -> memref<64xf32, #tpu.memory_space<vmem>>
      %dma_start3A_275 = arith.constant 0 : i32
      %dma_start3A_276 = tpu.memref_slice %arg5[%squeeze3A_259, %squeeze3A_261, %dma_start3A_275] : memref<12500x8x64xf32, #tpu.memory_space<hbm>> -> memref<1x1x64xf32, #tpu.memory_space<hbm>>
      %dma_start3A_277 = tpu.memref_squeeze %dma_start3A_276 : memref<1x1x64xf32, #tpu.memory_space<hbm>> -> memref<64xf32, #tpu.memory_space<hbm>>
      tpu.enqueue_dma source(%dma_start3A_277 : memref<64xf32, #tpu.memory_space<hbm>>) target(%dma_start3A_274 : memref<64xf32, #tpu.memory_space<vmem>>) target_semaphore(%arg10 : memref<!tpu.dma_semaphore, #tpu.memory_space<semaphore_mem>>)
      %slice3A_278 = vector.extract_strided_slice %shift_right_logical3A_58 {offsets = [11], sizes = [1], strides = [1]} : vector<16xi32> to vector<1xi32>
      %squeeze3A_279 = vector.extract %slice3A_278[0] : i32 from vector<1xi32>
      %slice3A_280 = vector.extract_strided_slice %and3A_60 {offsets = [11], sizes = [1], strides = [1]} : vector<16xi32> to vector<1xi32>
      %squeeze3A_281 = vector.extract %slice3A_280[0] : i32 from vector<1xi32>
      %mul3A_282 = arith.constant 16 : i32
      %mul3A_283 = arith.muli %scan3A_50, %mul3A_282 : i32
      %add3A_284 = arith.constant 11 : i32
      %add3A_285 = arith.addi %mul3A_283, %add3A_284 : i32
      %dma_start3A_286 = arith.constant 0 : i32
      %dma_start3A_287 = tpu.memref_slice %arg9[%add3A_285, %dma_start3A_286] : memref<256x64xf32, #tpu.memory_space<vmem>> -> memref<1x64xf32, #tpu.memory_space<vmem>>
      %dma_start3A_288 = tpu.memref_squeeze %dma_start3A_287 : memref<1x64xf32, #tpu.memory_space<vmem>> -> memref<64xf32, #tpu.memory_space<vmem>>
      %dma_start3A_289 = arith.constant 0 : i32
      %dma_start3A_290 = tpu.memref_slice %arg5[%squeeze3A_279, %squeeze3A_281, %dma_start3A_289] : memref<12500x8x64xf32, #tpu.memory_space<hbm>> -> memref<1x1x64xf32, #tpu.memory_space<hbm>>
      %dma_start3A_291 = tpu.memref_squeeze %dma_start3A_290 : memref<1x1x64xf32, #tpu.memory_space<hbm>> -> memref<64xf32, #tpu.memory_space<hbm>>
      %dma_start3A_292 = arith.constant 0 : i32
      %dma_start3A_293 = tpu.memref_slice %arg9[%add3A_285, %dma_start3A_292] : memref<256x64xf32, #tpu.memory_space<vmem>> -> memref<1x64xf32, #tpu.memory_space<vmem>>
      %dma_start3A_294 = tpu.memref_squeeze %dma_start3A_293 : memref<1x64xf32, #tpu.memory_space<vmem>> -> memref<64xf32, #tpu.memory_space<vmem>>
      %dma_start3A_295 = arith.constant 0 : i32
      %dma_start3A_296 = tpu.memref_slice %arg5[%squeeze3A_279, %squeeze3A_281, %dma_start3A_295] : memref<12500x8x64xf32, #tpu.memory_space<hbm>> -> memref<1x1x64xf32, #tpu.memory_space<hbm>>
      %dma_start3A_297 = tpu.memref_squeeze %dma_start3A_296 : memref<1x1x64xf32, #tpu.memory_space<hbm>> -> memref<64xf32, #tpu.memory_space<hbm>>
      tpu.enqueue_dma source(%dma_start3A_297 : memref<64xf32, #tpu.memory_space<hbm>>) target(%dma_start3A_294 : memref<64xf32, #tpu.memory_space<vmem>>) target_semaphore(%arg10 : memref<!tpu.dma_semaphore, #tpu.memory_space<semaphore_mem>>)
      %slice3A_298 = vector.extract_strided_slice %shift_right_logical3A_58 {offsets = [12], sizes = [1], strides = [1]} : vector<16xi32> to vector<1xi32>
      %squeeze3A_299 = vector.extract %slice3A_298[0] : i32 from vector<1xi32>
      %slice3A_300 = vector.extract_strided_slice %and3A_60 {offsets = [12], sizes = [1], strides = [1]} : vector<16xi32> to vector<1xi32>
      %squeeze3A_301 = vector.extract %slice3A_300[0] : i32 from vector<1xi32>
      %mul3A_302 = arith.constant 16 : i32
      %mul3A_303 = arith.muli %scan3A_50, %mul3A_302 : i32
      %add3A_304 = arith.constant 12 : i32
      %add3A_305 = arith.addi %mul3A_303, %add3A_304 : i32
      %dma_start3A_306 = arith.constant 0 : i32
      %dma_start3A_307 = tpu.memref_slice %arg9[%add3A_305, %dma_start3A_306] : memref<256x64xf32, #tpu.memory_space<vmem>> -> memref<1x64xf32, #tpu.memory_space<vmem>>
      %dma_start3A_308 = tpu.memref_squeeze %dma_start3A_307 : memref<1x64xf32, #tpu.memory_space<vmem>> -> memref<64xf32, #tpu.memory_space<vmem>>
      %dma_start3A_309 = arith.constant 0 : i32
      %dma_start3A_310 = tpu.memref_slice %arg5[%squeeze3A_299, %squeeze3A_301, %dma_start3A_309] : memref<12500x8x64xf32, #tpu.memory_space<hbm>> -> memref<1x1x64xf32, #tpu.memory_space<hbm>>
      %dma_start3A_311 = tpu.memref_squeeze %dma_start3A_310 : memref<1x1x64xf32, #tpu.memory_space<hbm>> -> memref<64xf32, #tpu.memory_space<hbm>>
      %dma_start3A_312 = arith.constant 0 : i32
      %dma_start3A_313 = tpu.memref_slice %arg9[%add3A_305, %dma_start3A_312] : memref<256x64xf32, #tpu.memory_space<vmem>> -> memref<1x64xf32, #tpu.memory_space<vmem>>
      %dma_start3A_314 = tpu.memref_squeeze %dma_start3A_313 : memref<1x64xf32, #tpu.memory_space<vmem>> -> memref<64xf32, #tpu.memory_space<vmem>>
      %dma_start3A_315 = arith.constant 0 : i32
      %dma_start3A_316 = tpu.memref_slice %arg5[%squeeze3A_299, %squeeze3A_301, %dma_start3A_315] : memref<12500x8x64xf32, #tpu.memory_space<hbm>> -> memref<1x1x64xf32, #tpu.memory_space<hbm>>
      %dma_start3A_317 = tpu.memref_squeeze %dma_start3A_316 : memref<1x1x64xf32, #tpu.memory_space<hbm>> -> memref<64xf32, #tpu.memory_space<hbm>>
      tpu.enqueue_dma source(%dma_start3A_317 : memref<64xf32, #tpu.memory_space<hbm>>) target(%dma_start3A_314 : memref<64xf32, #tpu.memory_space<vmem>>) target_semaphore(%arg10 : memref<!tpu.dma_semaphore, #tpu.memory_space<semaphore_mem>>)
      %slice3A_318 = vector.extract_strided_slice %shift_right_logical3A_58 {offsets = [13], sizes = [1], strides = [1]} : vector<16xi32> to vector<1xi32>
      %squeeze3A_319 = vector.extract %slice3A_318[0] : i32 from vector<1xi32>
      %slice3A_320 = vector.extract_strided_slice %and3A_60 {offsets = [13], sizes = [1], strides = [1]} : vector<16xi32> to vector<1xi32>
      %squeeze3A_321 = vector.extract %slice3A_320[0] : i32 from vector<1xi32>
      %mul3A_322 = arith.constant 16 : i32
      %mul3A_323 = arith.muli %scan3A_50, %mul3A_322 : i32
      %add3A_324 = arith.constant 13 : i32
      %add3A_325 = arith.addi %mul3A_323, %add3A_324 : i32
      %dma_start3A_326 = arith.constant 0 : i32
      %dma_start3A_327 = tpu.memref_slice %arg9[%add3A_325, %dma_start3A_326] : memref<256x64xf32, #tpu.memory_space<vmem>> -> memref<1x64xf32, #tpu.memory_space<vmem>>
      %dma_start3A_328 = tpu.memref_squeeze %dma_start3A_327 : memref<1x64xf32, #tpu.memory_space<vmem>> -> memref<64xf32, #tpu.memory_space<vmem>>
      %dma_start3A_329 = arith.constant 0 : i32
      %dma_start3A_330 = tpu.memref_slice %arg5[%squeeze3A_319, %squeeze3A_321, %dma_start3A_329] : memref<12500x8x64xf32, #tpu.memory_space<hbm>> -> memref<1x1x64xf32, #tpu.memory_space<hbm>>
      %dma_start3A_331 = tpu.memref_squeeze %dma_start3A_330 : memref<1x1x64xf32, #tpu.memory_space<hbm>> -> memref<64xf32, #tpu.memory_space<hbm>>
      %dma_start3A_332 = arith.constant 0 : i32
      %dma_start3A_333 = tpu.memref_slice %arg9[%add3A_325, %dma_start3A_332] : memref<256x64xf32, #tpu.memory_space<vmem>> -> memref<1x64xf32, #tpu.memory_space<vmem>>
      %dma_start3A_334 = tpu.memref_squeeze %dma_start3A_333 : memref<1x64xf32, #tpu.memory_space<vmem>> -> memref<64xf32, #tpu.memory_space<vmem>>
      %dma_start3A_335 = arith.constant 0 : i32
      %dma_start3A_336 = tpu.memref_slice %arg5[%squeeze3A_319, %squeeze3A_321, %dma_start3A_335] : memref<12500x8x64xf32, #tpu.memory_space<hbm>> -> memref<1x1x64xf32, #tpu.memory_space<hbm>>
      %dma_start3A_337 = tpu.memref_squeeze %dma_start3A_336 : memref<1x1x64xf32, #tpu.memory_space<hbm>> -> memref<64xf32, #tpu.memory_space<hbm>>
      tpu.enqueue_dma source(%dma_start3A_337 : memref<64xf32, #tpu.memory_space<hbm>>) target(%dma_start3A_334 : memref<64xf32, #tpu.memory_space<vmem>>) target_semaphore(%arg10 : memref<!tpu.dma_semaphore, #tpu.memory_space<semaphore_mem>>)
      %slice3A_338 = vector.extract_strided_slice %shift_right_logical3A_58 {offsets = [14], sizes = [1], strides = [1]} : vector<16xi32> to vector<1xi32>
      %squeeze3A_339 = vector.extract %slice3A_338[0] : i32 from vector<1xi32>
      %slice3A_340 = vector.extract_strided_slice %and3A_60 {offsets = [14], sizes = [1], strides = [1]} : vector<16xi32> to vector<1xi32>
      %squeeze3A_341 = vector.extract %slice3A_340[0] : i32 from vector<1xi32>
      %mul3A_342 = arith.constant 16 : i32
      %mul3A_343 = arith.muli %scan3A_50, %mul3A_342 : i32
      %add3A_344 = arith.constant 14 : i32
      %add3A_345 = arith.addi %mul3A_343, %add3A_344 : i32
      %dma_start3A_346 = arith.constant 0 : i32
      %dma_start3A_347 = tpu.memref_slice %arg9[%add3A_345, %dma_start3A_346] : memref<256x64xf32, #tpu.memory_space<vmem>> -> memref<1x64xf32, #tpu.memory_space<vmem>>
      %dma_start3A_348 = tpu.memref_squeeze %dma_start3A_347 : memref<1x64xf32, #tpu.memory_space<vmem>> -> memref<64xf32, #tpu.memory_space<vmem>>
      %dma_start3A_349 = arith.constant 0 : i32
      %dma_start3A_350 = tpu.memref_slice %arg5[%squeeze3A_339, %squeeze3A_341, %dma_start3A_349] : memref<12500x8x64xf32, #tpu.memory_space<hbm>> -> memref<1x1x64xf32, #tpu.memory_space<hbm>>
      %dma_start3A_351 = tpu.memref_squeeze %dma_start3A_350 : memref<1x1x64xf32, #tpu.memory_space<hbm>> -> memref<64xf32, #tpu.memory_space<hbm>>
      %dma_start3A_352 = arith.constant 0 : i32
      %dma_start3A_353 = tpu.memref_slice %arg9[%add3A_345, %dma_start3A_352] : memref<256x64xf32, #tpu.memory_space<vmem>> -> memref<1x64xf32, #tpu.memory_space<vmem>>
      %dma_start3A_354 = tpu.memref_squeeze %dma_start3A_353 : memref<1x64xf32, #tpu.memory_space<vmem>> -> memref<64xf32, #tpu.memory_space<vmem>>
      %dma_start3A_355 = arith.constant 0 : i32
      %dma_start3A_356 = tpu.memref_slice %arg5[%squeeze3A_339, %squeeze3A_341, %dma_start3A_355] : memref<12500x8x64xf32, #tpu.memory_space<hbm>> -> memref<1x1x64xf32, #tpu.memory_space<hbm>>
      %dma_start3A_357 = tpu.memref_squeeze %dma_start3A_356 : memref<1x1x64xf32, #tpu.memory_space<hbm>> -> memref<64xf32, #tpu.memory_space<hbm>>
      tpu.enqueue_dma source(%dma_start3A_357 : memref<64xf32, #tpu.memory_space<hbm>>) target(%dma_start3A_354 : memref<64xf32, #tpu.memory_space<vmem>>) target_semaphore(%arg10 : memref<!tpu.dma_semaphore, #tpu.memory_space<semaphore_mem>>)
      %slice3A_358 = vector.extract_strided_slice %shift_right_logical3A_58 {offsets = [15], sizes = [1], strides = [1]} : vector<16xi32> to vector<1xi32>
      %squeeze3A_359 = vector.extract %slice3A_358[0] : i32 from vector<1xi32>
      %slice3A_360 = vector.extract_strided_slice %and3A_60 {offsets = [15], sizes = [1], strides = [1]} : vector<16xi32> to vector<1xi32>
      %squeeze3A_361 = vector.extract %slice3A_360[0] : i32 from vector<1xi32>
      %mul3A_362 = arith.constant 16 : i32
      %mul3A_363 = arith.muli %scan3A_50, %mul3A_362 : i32
      %add3A_364 = arith.constant 15 : i32
      %add3A_365 = arith.addi %mul3A_363, %add3A_364 : i32
      %dma_start3A_366 = arith.constant 0 : i32
      %dma_start3A_367 = tpu.memref_slice %arg9[%add3A_365, %dma_start3A_366] : memref<256x64xf32, #tpu.memory_space<vmem>> -> memref<1x64xf32, #tpu.memory_space<vmem>>
      %dma_start3A_368 = tpu.memref_squeeze %dma_start3A_367 : memref<1x64xf32, #tpu.memory_space<vmem>> -> memref<64xf32, #tpu.memory_space<vmem>>
      %dma_start3A_369 = arith.constant 0 : i32
      %dma_start3A_370 = tpu.memref_slice %arg5[%squeeze3A_359, %squeeze3A_361, %dma_start3A_369] : memref<12500x8x64xf32, #tpu.memory_space<hbm>> -> memref<1x1x64xf32, #tpu.memory_space<hbm>>
      %dma_start3A_371 = tpu.memref_squeeze %dma_start3A_370 : memref<1x1x64xf32, #tpu.memory_space<hbm>> -> memref<64xf32, #tpu.memory_space<hbm>>
      %dma_start3A_372 = arith.constant 0 : i32
      %dma_start3A_373 = tpu.memref_slice %arg9[%add3A_365, %dma_start3A_372] : memref<256x64xf32, #tpu.memory_space<vmem>> -> memref<1x64xf32, #tpu.memory_space<vmem>>
      %dma_start3A_374 = tpu.memref_squeeze %dma_start3A_373 : memref<1x64xf32, #tpu.memory_space<vmem>> -> memref<64xf32, #tpu.memory_space<vmem>>
      %dma_start3A_375 = arith.constant 0 : i32
      %dma_start3A_376 = tpu.memref_slice %arg5[%squeeze3A_359, %squeeze3A_361, %dma_start3A_375] : memref<12500x8x64xf32, #tpu.memory_space<hbm>> -> memref<1x1x64xf32, #tpu.memory_space<hbm>>
      %dma_start3A_377 = tpu.memref_squeeze %dma_start3A_376 : memref<1x1x64xf32, #tpu.memory_space<hbm>> -> memref<64xf32, #tpu.memory_space<hbm>>
      tpu.enqueue_dma source(%dma_start3A_377 : memref<64xf32, #tpu.memory_space<hbm>>) target(%dma_start3A_374 : memref<64xf32, #tpu.memory_space<vmem>>) target_semaphore(%arg10 : memref<!tpu.dma_semaphore, #tpu.memory_space<semaphore_mem>>)
    }
    %scan3A_42 = arith.constant 16 : i32
    %scan3A_43 = arith.constant 0 : i32
    %scan3A_44 = arith.constant 256 : i32
    %scan3A_45 = arith.addi %scan3A_43, %scan3A_44 : i32
    %scan3A_46 = arith.constant 1 : i32
    scf.for %scan3A_50 = %scan3A_43 to %scan3A_45 step %scan3A_46  : i32 {
      %dma_wait3A = arith.constant 0 : i32
      %dma_wait3A_51 = arith.constant 0 : i32
      %dma_wait3A_52 = arith.constant 0 : i32
      %dma_wait3A_53 = tpu.memref_slice %arg9[%scan3A_50, %dma_wait3A_52] : memref<256x64xf32, #tpu.memory_space<vmem>> -> memref<1x64xf32, #tpu.memory_space<vmem>>
      %dma_wait3A_54 = tpu.memref_squeeze %dma_wait3A_53 : memref<1x64xf32, #tpu.memory_space<vmem>> -> memref<64xf32, #tpu.memory_space<vmem>>
      %dma_wait3A_55 = arith.constant 0 : i32
      %dma_wait3A_56 = tpu.memref_slice %arg5[%dma_wait3A, %dma_wait3A_51, %dma_wait3A_55] : memref<12500x8x64xf32, #tpu.memory_space<hbm>> -> memref<1x1x64xf32, #tpu.memory_space<hbm>>
      %dma_wait3A_57 = tpu.memref_squeeze %dma_wait3A_56 : memref<1x1x64xf32, #tpu.memory_space<hbm>> -> memref<64xf32, #tpu.memory_space<hbm>>
      %dma_wait3A_58 = arith.constant 0 : i32
      %dma_wait3A_59 = tpu.memref_slice %arg9[%scan3A_50, %dma_wait3A_58] : memref<256x64xf32, #tpu.memory_space<vmem>> -> memref<1x64xf32, #tpu.memory_space<vmem>>
      %dma_wait3A_60 = tpu.memref_squeeze %dma_wait3A_59 : memref<1x64xf32, #tpu.memory_space<vmem>> -> memref<64xf32, #tpu.memory_space<vmem>>
      %dma_wait3A_61 = arith.constant 0 : i32
      %dma_wait3A_62 = tpu.memref_slice %arg5[%dma_wait3A, %dma_wait3A_51, %dma_wait3A_61] : memref<12500x8x64xf32, #tpu.memory_space<hbm>> -> memref<1x1x64xf32, #tpu.memory_space<hbm>>
      %dma_wait3A_63 = tpu.memref_squeeze %dma_wait3A_62 : memref<1x1x64xf32, #tpu.memory_space<hbm>> -> memref<64xf32, #tpu.memory_space<hbm>>
      tpu.wait_dma2 semaphore(%arg10 : memref<!tpu.dma_semaphore, #tpu.memory_space<semaphore_mem>>) src(%dma_wait3A_63 : memref<64xf32, #tpu.memory_space<hbm>>) dst(%dma_wait3A_60 : memref<64xf32, #tpu.memory_space<vmem>>)
    }
    %scan3A_47 = arith.constant 256 : i32
    %add3A_48 = arith.constant 256 : i32
    %add3A_49 = arith.addi %mul3A_2, %add3A_48 : i32
    "tpu.region"() ({
      %run_scoped3A = tpu.sem_alloc : memref<!tpu.dma_semaphore, #tpu.memory_space<semaphore_mem>>
      %dma_start3A = arith.constant 0 : i32
      %dma_start3A_50 = tpu.memref_slice %arg7[%add3A_49, %dma_start3A] : memref<16384x64xf32, #tpu.memory_space<hbm>> -> memref<256x64xf32, #tpu.memory_space<hbm>>
      %dma_start3A_51 = arith.constant 0 : i32
      %dma_start3A_52 = tpu.memref_slice %arg7[%add3A_49, %dma_start3A_51] : memref<16384x64xf32, #tpu.memory_space<hbm>> -> memref<256x64xf32, #tpu.memory_space<hbm>>
      tpu.enqueue_dma source(%arg9 : memref<256x64xf32, #tpu.memory_space<vmem>>) target(%dma_start3A_52 : memref<256x64xf32, #tpu.memory_space<hbm>>) target_semaphore(%run_scoped3A : memref<!tpu.dma_semaphore, #tpu.memory_space<semaphore_mem>>)
      %dma_wait3A = arith.constant 0 : i32
      %dma_wait3A_53 = tpu.memref_slice %arg7[%add3A_49, %dma_wait3A] : memref<16384x64xf32, #tpu.memory_space<hbm>> -> memref<256x64xf32, #tpu.memory_space<hbm>>
      %dma_wait3A_54 = arith.constant 0 : i32
      %dma_wait3A_55 = tpu.memref_slice %arg7[%add3A_49, %dma_wait3A_54] : memref<16384x64xf32, #tpu.memory_space<hbm>> -> memref<256x64xf32, #tpu.memory_space<hbm>>
      tpu.wait_dma2 semaphore(%run_scoped3A : memref<!tpu.dma_semaphore, #tpu.memory_space<semaphore_mem>>) src(%arg9 : memref<256x64xf32, #tpu.memory_space<vmem>>) dst(%dma_wait3A_55 : memref<256x64xf32, #tpu.memory_space<hbm>>)
      tpu.yield
    }) : () -> ()
    return
  }
}

module attributes {stable_mosaic.version = 14 : i64} {
  func.func @_mlp_body(%arg0: i32, %arg1: memref<2048x64xf32, #tpu.memory_space<vmem>>, %arg2: memref<2048x64xf32, #tpu.memory_space<vmem>>, %arg3: memref<2048x64xf32, #tpu.memory_space<vmem>>, %arg4: memref<2048x64xf32, #tpu.memory_space<vmem>>, %arg5: memref<64x128xf32, #tpu.memory_space<vmem>>, %arg6: memref<1x128xf32, #tpu.memory_space<vmem>>, %arg7: memref<384x256xf32, #tpu.memory_space<vmem>>, %arg8: memref<1x256xf32, #tpu.memory_space<vmem>>, %arg9: memref<256x128xf32, #tpu.memory_space<vmem>>, %arg10: memref<1x128xf32, #tpu.memory_space<vmem>>, %arg11: memref<128x1xf32, #tpu.memory_space<vmem>>, %arg12: memref<1x1xf32, #tpu.memory_space<vmem>>, %arg13: memref<2048x1xf32, #tpu.memory_space<vmem>>) attributes {dimension_semantics = [#tpu.dimension_semantics<arbitrary>], iteration_bounds = array<i64: 8>, scalar_prefetch = 0 : i64, scratch_operands = 0 : i64, tpu.core_type = #tpu.core_type<tc>, window_params = [{transform_indices = @transform_0, window_bounds = array<i64: 2048, 64>}, {transform_indices = @transform_1, window_bounds = array<i64: 2048, 64>}, {transform_indices = @transform_2, window_bounds = array<i64: 2048, 64>}, {transform_indices = @transform_3, window_bounds = array<i64: 2048, 64>}, {pipeline_mode = #tpu.pipeline_mode<synchronous>, transform_indices = @transform_4, window_bounds = array<i64: 64, 128>}, {pipeline_mode = #tpu.pipeline_mode<synchronous>, transform_indices = @transform_5, window_bounds = array<i64: 1, 128>}, {pipeline_mode = #tpu.pipeline_mode<synchronous>, transform_indices = @transform_6, window_bounds = array<i64: 384, 256>}, {pipeline_mode = #tpu.pipeline_mode<synchronous>, transform_indices = @transform_7, window_bounds = array<i64: 1, 256>}, {pipeline_mode = #tpu.pipeline_mode<synchronous>, transform_indices = @transform_8, window_bounds = array<i64: 256, 128>}, {pipeline_mode = #tpu.pipeline_mode<synchronous>, transform_indices = @transform_9, window_bounds = array<i64: 1, 128>}, {pipeline_mode = #tpu.pipeline_mode<synchronous>, transform_indices = @transform_10, window_bounds = array<i64: 128, 1>}, {pipeline_mode = #tpu.pipeline_mode<synchronous>, transform_indices = @transform_11, window_bounds = array<i64: 1, 1>}, {transform_indices = @transform_12, window_bounds = array<i64: 2048, 1>}]} {
    %get3A = arith.constant 0 : index
    %get3A_0 = arith.constant 0 : index
    %get3A_1 = vector.load %arg3[%get3A, %get3A_0] : memref<2048x64xf32, #tpu.memory_space<vmem>>, vector<2048x64xf32>
    %get3A_2 = arith.constant 0 : index
    %get3A_3 = arith.constant 0 : index
    %get3A_4 = vector.load %arg5[%get3A_2, %get3A_3] : memref<64x128xf32, #tpu.memory_space<vmem>>, vector<64x128xf32>
    %dot_general3A = arith.constant dense<0.000000e+00> : vector<2048x128xf32>
    %dot_general3A_5 = tpu.matmul %get3A_1, %get3A_4, %dot_general3A {dimension_numbers = #tpu.dot_dimension_numbers<[1], [0], [0], [1], [0, 0, 1, 1], [], []>, transpose_lhs_hint = false} : vector<2048x64xf32>, vector<64x128xf32>, vector<2048x128xf32> -> vector<2048x128xf32>
    %get3A_6 = arith.constant 0 : index
    %get3A_7 = arith.constant 0 : index
    %get3A_8 = vector.load %arg6[%get3A_6, %get3A_7] : memref<1x128xf32, #tpu.memory_space<vmem>>, vector<1x128xf32>
    %add3A = vector.broadcast %get3A_8 : vector<1x128xf32> to vector<2048x128xf32>
    %add3A_9 = arith.addf %dot_general3A_5, %add3A : vector<2048x128xf32>
    %max3A = arith.constant 0.000000e+00 : f32
    %max3A_10 = vector.broadcast %max3A : f32 to vector<2048x128xf32>
    %max3A_11 = arith.maximumf %add3A_9, %max3A_10 : vector<2048x128xf32>
    %get3A_12 = arith.constant 0 : index
    %get3A_13 = arith.constant 0 : index
    %get3A_14 = vector.load %arg4[%get3A_12, %get3A_13] : memref<2048x64xf32, #tpu.memory_space<vmem>>, vector<2048x64xf32>
    %get3A_15 = arith.constant 0 : index
    %get3A_16 = arith.constant 0 : index
    %get3A_17 = vector.load %arg5[%get3A_15, %get3A_16] : memref<64x128xf32, #tpu.memory_space<vmem>>, vector<64x128xf32>
    %dot_general3A_18 = arith.constant dense<0.000000e+00> : vector<2048x128xf32>
    %dot_general3A_19 = tpu.matmul %get3A_14, %get3A_17, %dot_general3A_18 {dimension_numbers = #tpu.dot_dimension_numbers<[1], [0], [0], [1], [0, 0, 1, 1], [], []>, transpose_lhs_hint = false} : vector<2048x64xf32>, vector<64x128xf32>, vector<2048x128xf32> -> vector<2048x128xf32>
    %get3A_20 = arith.constant 0 : index
    %get3A_21 = arith.constant 0 : index
    %get3A_22 = vector.load %arg6[%get3A_20, %get3A_21] : memref<1x128xf32, #tpu.memory_space<vmem>>, vector<1x128xf32>
    %add3A_23 = vector.broadcast %get3A_22 : vector<1x128xf32> to vector<2048x128xf32>
    %add3A_24 = arith.addf %dot_general3A_19, %add3A_23 : vector<2048x128xf32>
    %max3A_25 = arith.constant 0.000000e+00 : f32
    %max3A_26 = vector.broadcast %max3A_25 : f32 to vector<2048x128xf32>
    %max3A_27 = arith.maximumf %add3A_24, %max3A_26 : vector<2048x128xf32>
    %get3A_28 = arith.constant 0 : index
    %get3A_29 = arith.constant 0 : index
    %get3A_30 = vector.load %arg1[%get3A_28, %get3A_29] : memref<2048x64xf32, #tpu.memory_space<vmem>>, vector<2048x64xf32>
    %get3A_31 = arith.constant 0 : index
    %get3A_32 = arith.constant 0 : index
    %get3A_33 = vector.load %arg2[%get3A_31, %get3A_32] : memref<2048x64xf32, #tpu.memory_space<vmem>>, vector<2048x64xf32>
    %concatenate3A = tpu.concatenate %get3A_30, %get3A_33, %max3A_11, %max3A_27 in 1 : vector<2048x64xf32>, vector<2048x64xf32>, vector<2048x128xf32>, vector<2048x128xf32> -> vector<2048x384xf32>
    %get3A_34 = arith.constant 0 : index
    %get3A_35 = arith.constant 0 : index
    %get3A_36 = vector.load %arg7[%get3A_34, %get3A_35] : memref<384x256xf32, #tpu.memory_space<vmem>>, vector<384x256xf32>
    %dot_general3A_37 = arith.constant dense<0.000000e+00> : vector<2048x256xf32>
    %dot_general3A_38 = tpu.matmul %concatenate3A, %get3A_36, %dot_general3A_37 {dimension_numbers = #tpu.dot_dimension_numbers<[1], [0], [0], [1], [0, 0, 1, 1], [], []>, transpose_lhs_hint = false} : vector<2048x384xf32>, vector<384x256xf32>, vector<2048x256xf32> -> vector<2048x256xf32>
    %get3A_39 = arith.constant 0 : index
    %get3A_40 = arith.constant 0 : index
    %get3A_41 = vector.load %arg8[%get3A_39, %get3A_40] : memref<1x256xf32, #tpu.memory_space<vmem>>, vector<1x256xf32>
    %add3A_42 = vector.broadcast %get3A_41 : vector<1x256xf32> to vector<2048x256xf32>
    %add3A_43 = arith.addf %dot_general3A_38, %add3A_42 : vector<2048x256xf32>
    %max3A_44 = arith.constant 0.000000e+00 : f32
    %max3A_45 = vector.broadcast %max3A_44 : f32 to vector<2048x256xf32>
    %max3A_46 = arith.maximumf %add3A_43, %max3A_45 : vector<2048x256xf32>
    %get3A_47 = arith.constant 0 : index
    %get3A_48 = arith.constant 0 : index
    %get3A_49 = vector.load %arg9[%get3A_47, %get3A_48] : memref<256x128xf32, #tpu.memory_space<vmem>>, vector<256x128xf32>
    %dot_general3A_50 = arith.constant dense<0.000000e+00> : vector<2048x128xf32>
    %dot_general3A_51 = tpu.matmul %max3A_46, %get3A_49, %dot_general3A_50 {dimension_numbers = #tpu.dot_dimension_numbers<[1], [0], [0], [1], [0, 0, 1, 1], [], []>, transpose_lhs_hint = false} : vector<2048x256xf32>, vector<256x128xf32>, vector<2048x128xf32> -> vector<2048x128xf32>
    %get3A_52 = arith.constant 0 : index
    %get3A_53 = arith.constant 0 : index
    %get3A_54 = vector.load %arg10[%get3A_52, %get3A_53] : memref<1x128xf32, #tpu.memory_space<vmem>>, vector<1x128xf32>
    %add3A_55 = vector.broadcast %get3A_54 : vector<1x128xf32> to vector<2048x128xf32>
    %add3A_56 = arith.addf %dot_general3A_51, %add3A_55 : vector<2048x128xf32>
    %max3A_57 = arith.constant 0.000000e+00 : f32
    %max3A_58 = vector.broadcast %max3A_57 : f32 to vector<2048x128xf32>
    %max3A_59 = arith.maximumf %add3A_56, %max3A_58 : vector<2048x128xf32>
    %get3A_60 = arith.constant 0 : index
    %get3A_61 = arith.constant 0 : index
    %get3A_62 = vector.load %arg11[%get3A_60, %get3A_61] : memref<128x1xf32, #tpu.memory_space<vmem>>, vector<128x1xf32>
    %dot_general3A_63 = arith.constant dense<0.000000e+00> : vector<2048x1xf32>
    %dot_general3A_64 = tpu.matmul %max3A_59, %get3A_62, %dot_general3A_63 {dimension_numbers = #tpu.dot_dimension_numbers<[1], [0], [0], [1], [0, 0, 1, 1], [], []>, transpose_lhs_hint = false} : vector<2048x128xf32>, vector<128x1xf32>, vector<2048x1xf32> -> vector<2048x1xf32>
    %get3A_65 = arith.constant 0 : index
    %get3A_66 = arith.constant 0 : index
    %get3A_67 = vector.load %arg12[%get3A_65, %get3A_66] : memref<1x1xf32, #tpu.memory_space<vmem>>, vector<1x1xf32>
    %add3A_68 = vector.broadcast %get3A_67 : vector<1x1xf32> to vector<2048x1xf32>
    %add3A_69 = arith.addf %dot_general3A_64, %add3A_68 : vector<2048x1xf32>
    %logistic3A = arith.negf %add3A_69 : vector<2048x1xf32>
    %logistic3A_70 = math.exp %logistic3A : vector<2048x1xf32>
    %logistic3A_71 = arith.constant 1.000000e+00 : f32
    %logistic3A_72 = vector.broadcast %logistic3A_71 : f32 to vector<2048x1xf32>
    %logistic3A_73 = arith.addf %logistic3A_72, %logistic3A_70 : vector<2048x1xf32>
    %logistic3A_74 = arith.divf %logistic3A_72, %logistic3A_73 : vector<2048x1xf32>
    %swap3A = arith.constant 0 : index
    %swap3A_75 = arith.constant 0 : index
    %swap3A_76 = vector.load %arg13[%swap3A, %swap3A_75] : memref<2048x1xf32, #tpu.memory_space<vmem>>, vector<2048x1xf32>
    tpu.vector_store %arg13[%swap3A, %swap3A_75], %logistic3A_74 {strides = array<i32>} : memref<2048x1xf32, #tpu.memory_space<vmem>>, vector<2048x1xf32>,
    return
  }
  func.func @transform_0(%arg0: i32) -> (i32, i32) {
    %c0_i32 = arith.constant 0 : i32
    %c0_i32_0 = arith.constant 0 : i32
    return %arg0, %c0_i32 : i32, i32
  }
  func.func @transform_1(%arg0: i32) -> (i32, i32) {
    %c0_i32 = arith.constant 0 : i32
    %c0_i32_0 = arith.constant 0 : i32
    return %arg0, %c0_i32 : i32, i32
  }
  func.func @transform_2(%arg0: i32) -> (i32, i32) {
    %c0_i32 = arith.constant 0 : i32
    %c0_i32_0 = arith.constant 0 : i32
    return %arg0, %c0_i32 : i32, i32
  }
  func.func @transform_3(%arg0: i32) -> (i32, i32) {
    %c0_i32 = arith.constant 0 : i32
    %c0_i32_0 = arith.constant 0 : i32
    return %arg0, %c0_i32 : i32, i32
  }
  func.func @transform_4(%arg0: i32) -> (i32, i32) {
    %c0_i32 = arith.constant 0 : i32
    %c0_i32_0 = arith.constant 0 : i32
    %c0_i32_1 = arith.constant 0 : i32
    return %c0_i32, %c0_i32_0 : i32, i32
  }
  func.func @transform_5(%arg0: i32) -> (i32, i32) {
    %c0_i32 = arith.constant 0 : i32
    %c0_i32_0 = arith.constant 0 : i32
    %c0_i32_1 = arith.constant 0 : i32
    return %c0_i32, %c0_i32_0 : i32, i32
  }
  func.func @transform_6(%arg0: i32) -> (i32, i32) {
    %c0_i32 = arith.constant 0 : i32
    %c0_i32_0 = arith.constant 0 : i32
    %c0_i32_1 = arith.constant 0 : i32
    return %c0_i32, %c0_i32_0 : i32, i32
  }
  func.func @transform_7(%arg0: i32) -> (i32, i32) {
    %c0_i32 = arith.constant 0 : i32
    %c0_i32_0 = arith.constant 0 : i32
    %c0_i32_1 = arith.constant 0 : i32
    return %c0_i32, %c0_i32_0 : i32, i32
  }
  func.func @transform_8(%arg0: i32) -> (i32, i32) {
    %c0_i32 = arith.constant 0 : i32
    %c0_i32_0 = arith.constant 0 : i32
    %c0_i32_1 = arith.constant 0 : i32
    return %c0_i32, %c0_i32_0 : i32, i32
  }
  func.func @transform_9(%arg0: i32) -> (i32, i32) {
    %c0_i32 = arith.constant 0 : i32
    %c0_i32_0 = arith.constant 0 : i32
    %c0_i32_1 = arith.constant 0 : i32
    return %c0_i32, %c0_i32_0 : i32, i32
  }
  func.func @transform_10(%arg0: i32) -> (i32, i32) {
    %c0_i32 = arith.constant 0 : i32
    %c0_i32_0 = arith.constant 0 : i32
    %c0_i32_1 = arith.constant 0 : i32
    return %c0_i32, %c0_i32_0 : i32, i32
  }
  func.func @transform_11(%arg0: i32) -> (i32, i32) {
    %c0_i32 = arith.constant 0 : i32
    %c0_i32_0 = arith.constant 0 : i32
    %c0_i32_1 = arith.constant 0 : i32
    return %c0_i32, %c0_i32_0 : i32, i32
  }
  func.func @transform_12(%arg0: i32) -> (i32, i32) {
    %c0_i32 = arith.constant 0 : i32
    %c0_i32_0 = arith.constant 0 : i32
    return %arg0, %c0_i32 : i32, i32
  }
}

</mosaic_0001>

<sc_bundles>
// kernel: kernel.4.cloned.1.call-start
scs
__scs_entry_jumppad:
0x0: {  	(pc) =	sbr.rel $0x88, $3  }
0x1: {  	(tag) =	ssettag $0x0;
	lr =	simm.s32 $0x1  }
0x2: {  	[smem:$0x3F93] =	sst lr;
	_ =	strace $0xD0000000  }
0x3: {  	_ = 	snop  }
0x4: {  	_ = 	snop  }
0x5: {  	_ = 	snop  }
0x6: {  	_ = 	snop  }
0x7: {  	_ = 	snop  }
__scs_overlays_trampoline_lowered:
0x8: {  	[smem:$0x3FA2] =	sst s0  }
0x9: {  	[smem:$0x3FA3] =	sst s1  }
0xa: {  	[smem:$0x3FA4] =	sst s2  }
0xb: {  	[smem:$0x3FA5] =	sst s3  }
0xc: {  	[smem:$0x3FA6] =	sst s4  }
0xd: {  	[smem:$0x3FA7] =	sst s5  }
0xe: {  	[smem:$0x3FA8] =	sst s6  }
0xf: {  	[smem:$0x3FA9] =	sst s7  }
0x10: {  	[smem:$0x3FAA] =	sst s8  }
0x11: {  	[smem:$0x3FAB] =	sst s9;
	s0 =	simm.s32 @!p0 $0x0  }
0x12: {  	s1 =	sld [smem:$0x3F91];
	s0 =	simm.s32 @p0 $0x1  }
0x13: {  	[smem:$0x3FAC] =	sst s0;
	s0 =	simm.s32 @!p1 $0x0  }
0x14: {  	s2 =	sld [smem:$0x3F90];
	s0 =	simm.s32 @p1 $0x1  }
0x15: {  	[smem:$0x3FAD] =	sst s0;
	s0 =	simm.s32 @!p2 $0x0  }
0x16: {  	s3 =	sld [smem:$0x3FDB];
	s0 =	simm.s32 @p2 $0x1  }
0x17: {  	s4 =	simm.s32 $0x1BF5;
	[smem:$0x3FAF] =	sst s0  }
0x18: {  	s0 =	sld [smem:$0x3F92];
	_ =	swait.ge [sflag:s4], $0x0  }
0x19: {  	s7 =	sld [smem:$0x3F93]  }
0x1a: {  	s8 =	sadd.s32 $0xFFFFE003, lr  }
0x1b: {  	s9 =	sadd.s32 $0xFFFFFEF7, lr;
	s5 =	simm.s32 $0xFFFFFFFF;
	p2 =	slt.u32 s8, $0xFFFFF086  }
0x1c: {  	p1 =	slt.u32 s9, $0xF7A;
	s5 =	simm.s32 @!p2 $0x0  }
0x1d: {  	s5 =	simm.s32 @p1 $0x1;
	p0 =	seq.s32 s7, s2  }
0x1e: {  	s7 =	smul.u32 @!p0 $0xF7A, s2;
	p2 =	seq.s32 @!p0 s5, $0x0  }
0x1f: {  	s9 =	smul.u32 $0xF7A, s1;
	s8 =	simm.s32 @!p0 $0x1BF5;
	p2 =	por !p2, p0  }
0x20: {  	[sflag:s8] =	ssyncset.s32 @!p0 $0xFFFFF086;
	s6 =	sadd.s32 @!p0 s3, s7;
	s7 =	simm.s32 @!p0 $0x108  }
0x21: {  	s3 =	sadd.s32 s3, s9;
	s6 =	sadd.s32 @!p0 $0x88, s6;
	s7 =	simm.s32 @p2 $0x1082  }
0x22: {  	[simem:s7], [sflag:s8] =	dma.local @!p0 [hbm:s6], $0xF7A  }
0x23: {  	s9 =	sor.u32 $0xD0000000, s2;
	s6 =	simm.s32 $0x108;
	_ =	swait.ge @!p0 [sflag:s8], $0x0  }
0x24: {  	s3 =	sadd.s32 $0x88, s3;
	s6 =	simm.s32 @!p1 $0x1082;
	[sflag:s4] =	ssyncset.s32 $0xFFFFF086  }
0x25: {  	[simem:s6], [sflag:s4] =	dma.local [hbm:s3], $0xF7A  }
0x26: {  	[smem:$0x3F93] =	sst s1;
	(tag) =	ssettag s2;
	_ =	strace s9  }
0x27: {  	s1 =	sld [smem:$0x3FA3]  }
0x28: {  	s2 =	sld [smem:$0x3FA4]  }
0x29: {  	s4 =	sld [smem:$0x3FA6]  }
0x2a: {  	p0 =	seq.s32 s5, $0x0;
	s5 =	sld [smem:$0x3FA7]  }
0x2b: {  	s6 =	sld [smem:$0x3FA8]  }
0x2c: {  	s7 =	sld [smem:$0x3FA9]  }
0x2d: {  	s3 =	simm.s32 $0x108;
	s8 =	sld [smem:$0x3FAA]  }
0x2e: {  	s3 =	simm.s32 @!p0 $0x1082;
	s9 =	sld [smem:$0x3FAB]  }
0x2f: {  	lr =	sadd.s32 s0, s3;
	s0 =	sld [smem:$0x3FA2]  }
0x30: {  	s3 =	sld [smem:$0x3FA5]  }
0x31: {  	[smem:$0x3FAE] =	sst s10  }
0x32: {  	s10 =	sld [smem:$0x3FAC];
	_ =	sdelay $0x3  }
0x33: {  	p0 =	seq.s32 s10, $0x1;
	s10 =	sld [smem:$0x3FAE];
	_ =	sdelay $0x3  }
0x34: {  	[smem:$0x3FAE] =	sst s10  }
0x35: {  	s10 =	sld [smem:$0x3FAD];
	_ =	sdelay $0x3  }
0x36: {  	p1 =	seq.s32 s10, $0x1;
	s10 =	sld [smem:$0x3FAE];
	_ =	sdelay $0x3  }
0x37: {  	[smem:$0x3FAE] =	sst s10  }
0x38: {  	s10 =	sld [smem:$0x3FAF]  }
0x39: {  	_ = 	snop;
	(pc) =	sbr.ind lr, $3  }
0x3a: {  	_ = 	snop  }
0x3b: {  	_ = 	snop  }
0x3c: {  	p2 =	seq.s32 s10, $0x1;
	s10 =	sld [smem:$0x3FAE]  }
0x3d: {  	_ =	shalt  }
0x3e: {  	_ =	shalt  }
0x3f: {  	_ =	shalt  }
0x40: {  	_ =	shalt  }
0x41: {  	_ =	shalt  }
0x42: {  	_ =	shalt  }
0x43: {  	_ =	shalt  }
0x44: {  	_ =	shalt  }
0x45: {  	_ =	shalt  }
0x46: {  	_ =	shalt  }
0x47: {  	_ =	shalt  }
0x48: {  	_ =	shalt  }
0x49: {  	_ =	shalt  }
0x4a: {  	_ =	shalt  }
0x4b: {  	_ =	shalt  }
0x4c: {  	_ =	shalt  }
0x4d: {  	_ =	shalt  }
0x4e: {  	_ =	shalt  }
0x4f: {  	_ =	shalt  }
0x50: {  	_ =	shalt  }
0x51: {  	_ =	shalt  }
0x52: {  	_ =	shalt  }
0x53: {  	_ =	shalt  }
0x54: {  	_ =	shalt  }
0x55: {  	_ =	shalt  }
0x56: {  	_ =	shalt  }
0x57: {  	_ =	shalt  }
0x58: {  	_ =	shalt  }
0x59: {  	_ =	shalt  }
0x5a: {  	_ =	shalt  }
0x5b: {  	_ =	shalt  }
0x5c: {  	_ =	shalt  }
0x5d: {  	_ =	shalt  }
0x5e: {  	_ =	shalt  }
0x5f: {  	_ =	shalt  }
0x60: {  	_ =	shalt  }
0x61: {  	_ =	shalt  }
0x62: {  	_ =	shalt  }
0x63: {  	_ =	shalt  }
0x64: {  	_ =	shalt  }
0x65: {  	_ =	shalt  }
0x66: {  	_ =	shalt  }
0x67: {  	_ =	shalt  }
0x68: {  	_ =	shalt  }
0x69: {  	_ =	shalt  }
0x6a: {  	_ =	shalt  }
0x6b: {  	_ =	shalt  }
0x6c: {  	_ =	shalt  }
0x6d: {  	_ =	shalt  }
0x6e: {  	_ =	shalt  }
0x6f: {  	_ =	shalt  }
0x70: {  	_ =	shalt  }
0x71: {  	_ =	shalt  }
0x72: {  	_ =	shalt  }
0x73: {  	_ =	shalt  }
0x74: {  	_ =	shalt  }
0x75: {  	_ =	shalt  }
0x76: {  	_ =	shalt  }
0x77: {  	_ =	shalt  }
0x78: {  	_ =	shalt  }
0x79: {  	_ =	shalt  }
0x7a: {  	_ =	shalt  }
0x7b: {  	_ =	shalt  }
0x7c: {  	_ =	shalt  }
0x7d: {  	_ =	shalt  }
0x7e: {  	_ =	shalt  }
0x7f: {  	_ =	shalt  }
0x80: {  	_ =	shalt  }
0x81: {  	_ =	shalt  }
0x82: {  	_ =	shalt  }
0x83: {  	_ =	shalt  }
0x84: {  	_ =	shalt  }
0x85: {  	_ =	shalt  }
0x86: {  	_ =	shalt  }
0x87: {  	_ =	shalt  }
.Lfunc_end0:
.L_simem_size_0:
called_computation_lowered:
.L_overlay_start_0:
0x88: {  	s2 =	sld [smem:$0x3FD9]  }
0x89: {  	s3 =	sld [smem:$0x3FFE];
	_ =	sdelay $0x1  }
0x8a: {  	s1 =	srdreg.scid  }
0x8b: {  	s0 =	sand.u32 $0x1, s1  }
0x8c: {  	s17 =	sshll.u32 s0, $0xA;
	s2 =	sadd.s32 s3, s2  }
0x8d: {  	s2 =	sadd.s32 s2, s17  }
0x8e: {  	[smem:$0x3FBA] =	sst s2  }
0x8f: {  	_ = 	snop  }
0x90: {  	s2 =	sld [smem:$0x3FC9]  }
0x91: {  	s18 =	sld [smem:$0x3FC8];
	(tm) =	ssettm $0x1  }
0x92: {  	s4 =	sld [smem:$0x3FFB];
	_ =	sdelay $0x3  }
0x93: {  	_ =	strace s4  }
0x94: {  	s4 =	sld [smem:$0x3FFC];
	_ =	sdelay $0x3  }
0x95: {  	_ =	strace s4  }
0x96: {  	s4 =	sld [smem:$0x3FFD];
	_ =	sdelay $0x3  }
0x97: {  	_ =	strace s4  }
0x98: {  	_ =	strace $0x8FFFFFFF  }
0x99: {  	s19 =	sld [smem:$0x3FDB];
	_ =	sdelay $0x1  }
0x9a: {  	s5 =	simm.s32 $_scs_section_size  }
0x9b: {  	s6 =	simm.s32 $_size__tile_overlayer_lowered;
	s7 =	simm.s32 $_tile_overlayer_lowered  }
0x9c: {  	s22 =	simm.s32 $0x1BFF;
	s21 =	sshll.u32 s7, $0x1;
	s4 =	sadd.s32 s5, s19  }
0x9d: {  	s8 =	simm.s32 $0x0;
	s20 =	sshll.u32 s6, $0x1;
	s6 =	sadd.s32 s21, s4  }
0x9e: {  	[timem:s8], [sflag:s22] =	dma.local [hbm:s6], s20  }
0x9f: {  	_ =	swait.ge [sflag:s22], s20  }
0xa0: {  	s5 =	ssub.s32 $0x0, s20;
	[sflag:s22] =	ssyncset.done $0x0  }
0xa1: {  	[sflag:s22] =	ssyncadd.s32 s5;
	_ =	sdelay $0x1  }
0xa2: {  	s23 =	simm.s32 $0x1B8B  }
0xa3: {  	_ =	swait.ge [sflag:s23], $0x1  }
0xa4: {  	[sflag:s23] =	ssyncset.done $0x0  }
0xa5: {  	s25 =	simm.s32 $0x1B8E;
	s24 =	sld [smem:$0x3FFE];
	[sflag:s23] =	ssyncadd.s32 $0xFFFFFFFF  }
0xa6: {  	s26 =	simm.s32 $execute0_lowered;
	[smem:$0x3FD2] =	sst s25  }
0xa7: {  	s6 =	sshll.u32 s26, $0x1;
	_ =	strace $0x80000046;
	[dreg:$0x1] =	wrdreg $0xFFFFFFFF  }
0xa8: {  	s28 =	simm.s32 $_size_execute0_lowered;
	s4 =	sadd.s32 s4, s6;
	[dreg:$0x0] =	wrdreg $0x0  }
0xa9: {  	s6 =	sshll.u32 s28, $0x1;
	[dreg:$0x2] =	wrdreg s4  }
0xaa: {  	[dreg:$0x3] =	wrdreg s6  }
0xab: {  	[dreg:$0x4] =	wrdreg $0xC0  }
0xac: {  	_ =	task [dreg:s8], $0x5FFFF  }
0xad: {  	[dreg:$0x1] =	wrdreg $0xFFFFFFFF  }
0xae: {  	[dreg:$0x0] =	wrdreg $0x60  }
0xaf: {  	[dreg:$0x2] =	wrdreg s2  }
0xb0: {  	[dreg:$0x3] =	wrdreg s18  }
0xb1: {  	[dreg:$0x4] =	wrdreg s24  }
0xb2: {  	[dreg:$0x5] =	wrdreg $0x9  }
0xb3: {  	_ =	task.clear_ibuf [dreg:s8], $0x6FFFF;
	_ =	strace $0x90000046  }
0xb4: {  	s29 =	simm.s32 $0x9;
	_ =	strace $0x80000048  }
0xb5: {  	_ =	swait.ge [sflag:s29], $0x1  }
0xb6: {  	[sflag:s29] =	ssyncadd.s32 $0xFFFFFFFF  }
0xb7: {  	_ =	strace $0x90000048  }
0xb8: {  	_ =	sfence  }
0xb9: {  	s30 =	sld [smem:$0x0];
	_ =	sdelay $0x2  }
0xba: {  	s31 =	sshll.u32 s1, $0xD;
	s1 =	sshrl.u32 s1, $0x2  }
0xbb: {  	s3 =	sand.u32 $0x4000, s31;
	s1 =	sadd.s32 s1, s30  }
0xbc: {  	s0 =	sor.u32 s3, s0;
	s1 =	sshll.u32 s1, $0x11  }
0xbd: {  	s0 =	sor.u32 s1, s0  }
0xbe: {  	s0 =	sadd.s32 $0x8F2B, s0  }
0xbf: {  	[sflag:s0] =	ssyncadd.remote.s32 $0x1  }
0xc0: {  	_ =	sfence.sel $0xFFFF  }
0xc1: {  	[dreg:$0x0] =	wrdreg $0xFFFFFFFF;
	(pc) =	sbr.abs _section_cstart, $3  }
0xc2: {  	[dreg:$0x1] =	wrdreg $0xFFFFFFFF  }
0xc3: {  	_ =	task.clear_ibuf [dreg:s8], $0x2FFFF;
	_ =	strace $0x9FFFFFFF  }
0xc4: {  	(tm) =	ssettm $0x7FFFFFFF  }
0xc5: {  	_ =	shalt  }
tec
execute0_lowered:
.L_overlay_start_1:
0x0: {  	(tag) =	ssettag $0x1  }
0x1: {  	s5 =	rddreg [dreg:$0x0]  }
0x2: {  	s8 =	rddreg [dreg:$0x1]  }
0x3: {  	s6 =	rddreg [dreg:$0x2]  }
0x4: {  	s0 =	rddreg [dreg:$0x3]  }
0x5: {  	s2 =	simm.s32 $0x0;
	s1 =	stileid.u32;
	s7 =	srdreg.scid  }
0x6: {  	s15 =	simm.s32 $0x0;
	[smem:$0x7FF] =	sst s2;
	s9 =	smul.u32 $0x186A0, s1  }
0x7: {  	s3 =	sadd.s32 $0x1C00, s6;
	s4 =	sadd.s32 $0xF44000, s6;
	s7 =	sand.u32 $0x1, s7  }
0x8: {  	s10 =	sadd.s32 $0x10CAA00, s6;
	s12 =	sadd.s32 $0x110AA00, s6;
	s11 =	ssub.s32 $0x2, s7  }
0x9: {  	_ =	strace $0x80000047;
	s7 =	sor.u32 s7, s9;
	s31 =	sshrl.u32 s11, $0x1  }
0xa: {  	s9 =	sshll.u32 s7, $0xD;
	s11 =	ssub.s32 s11, s31;
	s13 =	sshll.u32 s7, $0x6  }
0xb: {  	s9 =	sand.u32 $0x1FFC2000, s9;
	s5 =	sadd.s32 s5, s13;
	s8 =	sadd.s32 s8, s13  }
0xc: {  	s11 =	smax.u32 s11, $0x1;
	s13 =	simm.s32 $0x1;
	s14 =	sor.u32 $0x1000, s9  }
0xd: {  	s6 =	sadd.s32 s10, s9;
	s9 =	sadd.s32 s12, s9;
	s7 =	sadd.s32 s10, s14  }
0xe: {  	s10 =	sadd.s32 s12, s14;
	s12 =	simm.s32 $0x2;
	s14 =	simm.s32 $0x200  }
.LBB2_1:
0xf: {  	[tilespmem:s2], [sflag:$0x2] =	stream.linear.gather [hbm4b:s5+s2], $0x200, $0x38;
	[tilespmem:$0x8200] =	vst v63  }
0x10: {  	_ =	swait.ge [sflag:s12], $0x200  }
0x11: {  	[sflag:s12] =	ssyncset.done $0x0  }
0x12: {  	s16 =	simm.s32 $0x0;
	s17 =	simm.s32 $0x0;
	[sflag:s12] =	ssyncadd.s32 $0xFFFFFE00  }
.LBB2_2:
0x13: {  	v0 =	vld [tilespmem:s16+$0x0];
	_ =	sdelay $0x4  }
0x14: {  	v1 =	vshrl.u32 v0, $0x3  }
0x15: {  	v0 =	vand.u32 $0x7, v0;
	v1 =	vshll.u32 v1, $0xA  }
0x16: {  	v0 =	vshll.u32 v0, $0x7;
	(v2sf) =	vpush v1, $0x0  }
0x17: {  	(v2sf) =	vpush v0, $0x0;
	_ =	sdelay $0x2  }
0x18: {  	(v2sf) =	vpush v1, $0x1  }
0x19: {  	(v2sf) =	vpush v0, $0x1;
	_ =	sdelay $0x1  }
0x1a: {  	(v2sf) =	vpush v1, $0x2;
	_ =	sdelay $0x1  }
0x1b: {  	(v2sf) =	vpush v0, $0x2;
	_ =	sdelay $0x5  }
0x1c: {  	s18 =	spop (v2sf);
	(v2sf) =	vpush v1, $0x3  }
0x1d: {  	s19 =	spop (v2sf);
	(v2sf) =	vpush v0, $0x3;
	_ =	sdelay $0x2  }
0x1e: {  	s30 =	spop (v2sf);
	(v2sf) =	vpush v1, $0x4  }
0x1f: {  	s31 =	spop (v2sf);
	(v2sf) =	vpush v0, $0x4;
	_ =	sdelay $0x1  }
0x20: {  	s22 =	spop (v2sf);
	(v2sf) =	vpush v1, $0x5;
	_ =	sdelay $0x1  }
0x21: {  	s23 =	spop (v2sf);
	(v2sf) =	vpush v0, $0x5;
	_ =	sdelay $0x1  }
0x22: {  	s19 =	sor.u32 s19, s18  }
0x23: {  	s18 =	sshra.s32 s17, $0x2;
	s19 =	sshrl.u32 s19, $0x3  }
0x24: {  	s20 =	sadd.s32 $0x200, s18;
	s19 =	sadd.s32 s3, s19  }
0x25: {  	[tilespmem:s20], [sflag:$0x1] =	stream.linear.gather [hbm4b:s19+s2], $0x80, $0x38;
	[tilespmem:$0x8200] =	vst v63  }
0x26: {  	s19 =	sor.u32 s31, s30;
	s25 =	spop (v2sf);
	(v2sf) =	vpush v1, $0x6  }
0x27: {  	s19 =	sshrl.u32 s19, $0x3;
	s26 =	spop (v2sf);
	(v2sf) =	vpush v0, $0x6  }
0x28: {  	s21 =	sadd.s32 $0x280, s18;
	s19 =	sadd.s32 s3, s19  }
0x29: {  	[tilespmem:s21], [sflag:$0x1] =	stream.linear.gather [hbm4b:s19+s2], $0x80, $0x38;
	[tilespmem:$0x8200] =	vst v63  }
0x2a: {  	s29 =	spop (v2sf);
	(v2sf) =	vpush v1, $0x7  }
0x2b: {  	s19 =	sor.u32 s23, s22;
	s30 =	spop (v2sf);
	(v2sf) =	vpush v0, $0x7  }
0x2c: {  	s19 =	sshrl.u32 s19, $0x3  }
0x2d: {  	s24 =	sadd.s32 $0x300, s18;
	s19 =	sadd.s32 s3, s19;
	s20 =	spop (v2sf);
	(v2sf) =	vpush v1, $0x8  }
0x2e: {  	[tilespmem:s24], [sflag:$0x1] =	stream.linear.gather [hbm4b:s19+s2], $0x80, $0x38;
	[tilespmem:$0x8200] =	vst v63  }
0x2f: {  	s21 =	spop (v2sf);
	(v2sf) =	vpush v0, $0x8  }
0x30: {  	s19 =	sor.u32 s26, s25  }
0x31: {  	s19 =	sshrl.u32 s19, $0x3  }
0x32: {  	s28 =	sadd.s32 $0x380, s18;
	s19 =	sadd.s32 s3, s19  }
0x33: {  	[tilespmem:s28], [sflag:$0x1] =	stream.linear.gather [hbm4b:s19+s2], $0x80, $0x38;
	[tilespmem:$0x8200] =	vst v63  }
0x34: {  	s19 =	sor.u32 s30, s29  }
0x35: {  	s19 =	sshrl.u32 s19, $0x3;
	s23 =	spop (v2sf);
	(v2sf) =	vpush v1, $0x9  }
0x36: {  	s31 =	sadd.s32 $0x400, s18;
	s19 =	sadd.s32 s3, s19;
	s24 =	spop (v2sf);
	(v2sf) =	vpush v0, $0x9  }
0x37: {  	[tilespmem:s31], [sflag:$0x1] =	stream.linear.gather [hbm4b:s19+s2], $0x80, $0x38;
	[tilespmem:$0x8200] =	vst v63  }
0x38: {  	s19 =	sor.u32 s21, s20  }
0x39: {  	s19 =	sshrl.u32 s19, $0x3;
	s26 =	spop (v2sf);
	(v2sf) =	vpush v1, $0xA  }
0x3a: {  	s22 =	sadd.s32 $0x480, s18;
	s19 =	sadd.s32 s3, s19;
	s28 =	spop (v2sf);
	(v2sf) =	vpush v0, $0xA  }
0x3b: {  	[tilespmem:s22], [sflag:$0x1] =	stream.linear.gather [hbm4b:s19+s2], $0x80, $0x38;
	[tilespmem:$0x8200] =	vst v63  }
0x3c: {  	s19 =	sor.u32 s24, s23;
	s30 =	spop (v2sf);
	(v2sf) =	vpush v1, $0xB  }
0x3d: {  	s19 =	sshrl.u32 s19, $0x3  }
0x3e: {  	s25 =	sadd.s32 $0x500, s18;
	s19 =	sadd.s32 s3, s19;
	s31 =	spop (v2sf);
	(v2sf) =	vpush v0, $0xB  }
0x3f: {  	[tilespmem:s25], [sflag:$0x1] =	stream.linear.gather [hbm4b:s19+s2], $0x80, $0x38;
	[tilespmem:$0x8200] =	vst v63  }
0x40: {  	s19 =	sor.u32 s28, s26  }
0x41: {  	s19 =	sshrl.u32 s19, $0x3  }
0x42: {  	s29 =	sadd.s32 $0x580, s18;
	s19 =	sadd.s32 s3, s19  }
0x43: {  	[tilespmem:s29], [sflag:$0x1] =	stream.linear.gather [hbm4b:s19+s2], $0x80, $0x38;
	[tilespmem:$0x8200] =	vst v63  }
0x44: {  	s19 =	sor.u32 s31, s30;
	s22 =	spop (v2sf);
	(v2sf) =	vpush v1, $0xC  }
0x45: {  	s19 =	sshrl.u32 s19, $0x3;
	s23 =	spop (v2sf);
	(v2sf) =	vpush v0, $0xC  }
0x46: {  	s21 =	sadd.s32 $0x600, s18;
	s19 =	sadd.s32 s3, s19  }
0x47: {  	[tilespmem:s21], [sflag:$0x1] =	stream.linear.gather [hbm4b:s19+s2], $0x80, $0x38;
	[tilespmem:$0x8200] =	vst v63  }
0x48: {  	s25 =	spop (v2sf);
	(v2sf) =	vpush v1, $0xD  }
0x49: {  	s19 =	sor.u32 s23, s22;
	s26 =	spop (v2sf);
	(v2sf) =	vpush v0, $0xD  }
0x4a: {  	s19 =	sshrl.u32 s19, $0x3  }
0x4b: {  	s24 =	sadd.s32 $0x680, s18;
	s19 =	sadd.s32 s3, s19;
	s29 =	spop (v2sf)  }
0x4c: {  	(v2sf) =	vpush v1, $0xE;
	[tilespmem:s24], [sflag:$0x1] =	stream.linear.gather [hbm4b:s19+s2], $0x80, $0x38;
	[tilespmem:$0x8200] =	vst v63  }
0x4d: {  	s30 =	spop (v2sf);
	(v2sf) =	vpush v0, $0xE  }
0x4e: {  	s19 =	sor.u32 s26, s25  }
0x4f: {  	s19 =	sshrl.u32 s19, $0x3  }
0x50: {  	s28 =	sadd.s32 $0x700, s18;
	s19 =	sadd.s32 s3, s19  }
0x51: {  	[tilespmem:s28], [sflag:$0x1] =	stream.linear.gather [hbm4b:s19+s2], $0x80, $0x38;
	[tilespmem:$0x8200] =	vst v63  }
0x52: {  	s19 =	sor.u32 s30, s29  }
0x53: {  	s19 =	sshrl.u32 s19, $0x3;
	s20 =	spop (v2sf);
	(v2sf) =	vpush v1, $0xF  }
0x54: {  	s31 =	sadd.s32 $0x780, s18;
	s19 =	sadd.s32 s3, s19;
	s21 =	spop (v2sf);
	(v2sf) =	vpush v0, $0xF  }
0x55: {  	[tilespmem:s31], [sflag:$0x1] =	stream.linear.gather [hbm4b:s19+s2], $0x80, $0x38;
	[tilespmem:$0x8200] =	vst v63  }
0x56: {  	s19 =	sor.u32 s21, s20  }
0x57: {  	s23 =	spop (v2sf);
	s19 =	sshrl.u32 s19, $0x3  }
0x58: {  	s22 =	sadd.s32 $0x800, s18;
	s24 =	spop (v2sf);
	s19 =	sadd.s32 s3, s19  }
0x59: {  	[tilespmem:s22], [sflag:$0x1] =	stream.linear.gather [hbm4b:s19+s2], $0x80, $0x38;
	[tilespmem:$0x8200] =	vst v63  }
0x5a: {  	s19 =	sor.u32 s24, s23  }
0x5b: {  	s26 =	spop (v2sf);
	s19 =	sshrl.u32 s19, $0x3  }
0x5c: {  	s25 =	sadd.s32 $0x880, s18;
	s28 =	spop (v2sf);
	s19 =	sadd.s32 s3, s19  }
0x5d: {  	[tilespmem:s25], [sflag:$0x1] =	stream.linear.gather [hbm4b:s19+s2], $0x80, $0x38;
	[tilespmem:$0x8200] =	vst v63  }
0x5e: {  	s19 =	sor.u32 s28, s26  }
0x5f: {  	s19 =	sshrl.u32 s19, $0x3  }
0x60: {  	s29 =	sadd.s32 $0x900, s18;
	s19 =	sadd.s32 s3, s19  }
0x61: {  	[tilespmem:s29], [sflag:$0x1] =	stream.linear.gather [hbm4b:s19+s2], $0x80, $0x38;
	[tilespmem:$0x8200] =	vst v63  }
0x62: {  	p0 =	sne.s32 s17, $0x1E000;
	s30 =	spop (v2sf)  }
.Ltmp0:
0x63: {  	s31 =	spop (v2sf);
	(pc) =	sbr.rel @p0 .LBB2_2-.Ltmp0, $4  }
0x64: {  	s19 =	sor.u32 s31, s30  }
0x65: {  	s16 =	sadd.s32 $0x10, s16;
	s19 =	sshrl.u32 s19, $0x3  }
0x66: {  	s17 =	sadd.s32 $0x2000, s17;
	s18 =	sadd.s32 $0x980, s18;
	s19 =	sadd.s32 s3, s19  }
0x67: {  	[tilespmem:s18], [sflag:$0x1] =	stream.linear.gather [hbm4b:s19+s2], $0x80, $0x38;
	[tilespmem:$0x8200] =	vst v63  }
0x68: {  	_ =	swait.ge [sflag:s13], $0x80  }
0x69: {  	s16 =	simm.s32 $0xFF;
	[sflag:s13] =	ssyncset.done $0x0  }
.LBB2_4:
0x6a: {  	p0 =	sne.s32 s16, $0x1;
	s16 =	sadd.s32 $0xFFFFFFFF, s16;
	[sflag:s13] =	ssyncadd.s32 $0xFFFFFF80  }
.Ltmp1:
0x6b: {  	(pc) =	sbr.rel @p0 .LBB2_4-.Ltmp1, $3  }
0x6c: {  	_ =	sdelay $0x1  }
0x6d: {  	_ =	swait.ge [sflag:s13], $0x80  }
0x6e: {  	[sflag:s13] =	ssyncset.done $0x0  }
0x6f: {  	[sflag:s13] =	ssyncadd.s32 $0xFFFFFF80;
	s16 =	simm.s32 $0x0  }
0x70: {  	[hbm4b:s6+s16] =	stream.linear.scatter [tilespmem:s14], [sflag:$0x2], $0x8000, $0x38;
	[tilespmem:$0x8200] =	vst v63  }
0x71: {  	_ =	swait.ge [sflag:s12], $0x8000  }
0x72: {  	[sflag:s12] =	ssyncset.done $0x0  }
0x73: {  	s17 =	simm.s32 $0x0;
	[sflag:s12] =	ssyncadd.s32 $0xFFFF8000  }
.LBB2_6:
0x74: {  	s18 =	sand.u32 $0xF0, s16  }
0x75: {  	v0 =	vld [tilespmem:s18+$0x100];
	_ =	sdelay $0x4  }
0x76: {  	v1 =	vshrl.u32 v0, $0x3  }
0x77: {  	v0 =	vand.u32 $0x7, v0;
	v1 =	vshll.u32 v1, $0xA  }
0x78: {  	v0 =	vshll.u32 v0, $0x7;
	(v2sf) =	vpush v1, $0x0  }
0x79: {  	(v2sf) =	vpush v0, $0x0;
	_ =	sdelay $0x2  }
0x7a: {  	(v2sf) =	vpush v1, $0x1  }
0x7b: {  	(v2sf) =	vpush v0, $0x1;
	_ =	sdelay $0x1  }
0x7c: {  	(v2sf) =	vpush v1, $0x2;
	_ =	sdelay $0x1  }
0x7d: {  	(v2sf) =	vpush v0, $0x2;
	_ =	sdelay $0x5  }
0x7e: {  	s29 =	spop (v2sf);
	(v2sf) =	vpush v1, $0x3  }
0x7f: {  	s19 =	spop (v2sf);
	(v2sf) =	vpush v0, $0x3;
	_ =	sdelay $0x2  }
0x80: {  	s30 =	spop (v2sf);
	(v2sf) =	vpush v1, $0x4  }
0x81: {  	s31 =	spop (v2sf);
	(v2sf) =	vpush v0, $0x4;
	_ =	sdelay $0x1  }
0x82: {  	s22 =	spop (v2sf);
	(v2sf) =	vpush v1, $0x5;
	_ =	sdelay $0x1  }
0x83: {  	s23 =	spop (v2sf);
	(v2sf) =	vpush v0, $0x5;
	_ =	sdelay $0x1  }
0x84: {  	s19 =	sor.u32 s19, s29  }
0x85: {  	s18 =	sshra.s32 s17, $0x2;
	s19 =	sshrl.u32 s19, $0x3  }
0x86: {  	s20 =	sadd.s32 $0x200, s18;
	s19 =	sadd.s32 s3, s19  }
0x87: {  	[tilespmem:s20], [sflag:$0x1] =	stream.linear.gather [hbm4b:s19+s2], $0x80, $0x38;
	[tilespmem:$0x8200] =	vst v63  }
0x88: {  	s19 =	sor.u32 s31, s30;
	s25 =	spop (v2sf);
	(v2sf) =	vpush v1, $0x6  }
0x89: {  	s19 =	sshrl.u32 s19, $0x3;
	s26 =	spop (v2sf);
	(v2sf) =	vpush v0, $0x6  }
0x8a: {  	s21 =	sadd.s32 $0x280, s18;
	s19 =	sadd.s32 s3, s19  }
0x8b: {  	[tilespmem:s21], [sflag:$0x1] =	stream.linear.gather [hbm4b:s19+s2], $0x80, $0x38;
	[tilespmem:$0x8200] =	vst v63  }
0x8c: {  	s29 =	spop (v2sf);
	(v2sf) =	vpush v1, $0x7  }
0x8d: {  	s19 =	sor.u32 s23, s22;
	s30 =	spop (v2sf);
	(v2sf) =	vpush v0, $0x7  }
0x8e: {  	s19 =	sshrl.u32 s19, $0x3  }
0x8f: {  	s24 =	sadd.s32 $0x300, s18;
	s19 =	sadd.s32 s3, s19;
	s20 =	spop (v2sf);
	(v2sf) =	vpush v1, $0x8  }
0x90: {  	[tilespmem:s24], [sflag:$0x1] =	stream.linear.gather [hbm4b:s19+s2], $0x80, $0x38;
	[tilespmem:$0x8200] =	vst v63  }
0x91: {  	s21 =	spop (v2sf);
	(v2sf) =	vpush v0, $0x8  }
0x92: {  	s19 =	sor.u32 s26, s25  }
0x93: {  	s19 =	sshrl.u32 s19, $0x3  }
0x94: {  	s28 =	sadd.s32 $0x380, s18;
	s19 =	sadd.s32 s3, s19  }
0x95: {  	[tilespmem:s28], [sflag:$0x1] =	stream.linear.gather [hbm4b:s19+s2], $0x80, $0x38;
	[tilespmem:$0x8200] =	vst v63  }
0x96: {  	s19 =	sor.u32 s30, s29  }
0x97: {  	s19 =	sshrl.u32 s19, $0x3;
	s23 =	spop (v2sf);
	(v2sf) =	vpush v1, $0x9  }
0x98: {  	s31 =	sadd.s32 $0x400, s18;
	s19 =	sadd.s32 s3, s19;
	s24 =	spop (v2sf);
	(v2sf) =	vpush v0, $0x9  }
0x99: {  	[tilespmem:s31], [sflag:$0x1] =	stream.linear.gather [hbm4b:s19+s2], $0x80, $0x38;
	[tilespmem:$0x8200] =	vst v63  }
0x9a: {  	s19 =	sor.u32 s21, s20  }
0x9b: {  	s19 =	sshrl.u32 s19, $0x3;
	s26 =	spop (v2sf);
	(v2sf) =	vpush v1, $0xA  }
0x9c: {  	s22 =	sadd.s32 $0x480, s18;
	s19 =	sadd.s32 s3, s19;
	s28 =	spop (v2sf);
	(v2sf) =	vpush v0, $0xA  }
0x9d: {  	[tilespmem:s22], [sflag:$0x1] =	stream.linear.gather [hbm4b:s19+s2], $0x80, $0x38;
	[tilespmem:$0x8200] =	vst v63  }
0x9e: {  	s19 =	sor.u32 s24, s23;
	s30 =	spop (v2sf);
	(v2sf) =	vpush v1, $0xB  }
0x9f: {  	s19 =	sshrl.u32 s19, $0x3  }
0xa0: {  	s25 =	sadd.s32 $0x500, s18;
	s19 =	sadd.s32 s3, s19;
	s31 =	spop (v2sf);
	(v2sf) =	vpush v0, $0xB  }
0xa1: {  	[tilespmem:s25], [sflag:$0x1] =	stream.linear.gather [hbm4b:s19+s2], $0x80, $0x38;
	[tilespmem:$0x8200] =	vst v63  }
0xa2: {  	s19 =	sor.u32 s28, s26  }
0xa3: {  	s19 =	sshrl.u32 s19, $0x3  }
0xa4: {  	s29 =	sadd.s32 $0x580, s18;
	s19 =	sadd.s32 s3, s19  }
0xa5: {  	[tilespmem:s29], [sflag:$0x1] =	stream.linear.gather [hbm4b:s19+s2], $0x80, $0x38;
	[tilespmem:$0x8200] =	vst v63  }
0xa6: {  	s19 =	sor.u32 s31, s30;
	s22 =	spop (v2sf);
	(v2sf) =	vpush v1, $0xC  }
0xa7: {  	s19 =	sshrl.u32 s19, $0x3;
	s23 =	spop (v2sf);
	(v2sf) =	vpush v0, $0xC  }
0xa8: {  	s21 =	sadd.s32 $0x600, s18;
	s19 =	sadd.s32 s3, s19  }
0xa9: {  	[tilespmem:s21], [sflag:$0x1] =	stream.linear.gather [hbm4b:s19+s2], $0x80, $0x38;
	[tilespmem:$0x8200] =	vst v63  }
0xaa: {  	s25 =	spop (v2sf);
	(v2sf) =	vpush v1, $0xD  }
0xab: {  	s19 =	sor.u32 s23, s22;
	s26 =	spop (v2sf);
	(v2sf) =	vpush v0, $0xD  }
0xac: {  	s19 =	sshrl.u32 s19, $0x3  }
0xad: {  	s24 =	sadd.s32 $0x680, s18;
	s19 =	sadd.s32 s3, s19;
	s29 =	spop (v2sf)  }
0xae: {  	(v2sf) =	vpush v1, $0xE;
	[tilespmem:s24], [sflag:$0x1] =	stream.linear.gather [hbm4b:s19+s2], $0x80, $0x38;
	[tilespmem:$0x8200] =	vst v63  }
0xaf: {  	s30 =	spop (v2sf);
	(v2sf) =	vpush v0, $0xE  }
0xb0: {  	s19 =	sor.u32 s26, s25  }
0xb1: {  	s19 =	sshrl.u32 s19, $0x3  }
0xb2: {  	s28 =	sadd.s32 $0x700, s18;
	s19 =	sadd.s32 s3, s19  }
0xb3: {  	[tilespmem:s28], [sflag:$0x1] =	stream.linear.gather [hbm4b:s19+s2], $0x80, $0x38;
	[tilespmem:$0x8200] =	vst v63  }
0xb4: {  	s19 =	sor.u32 s30, s29  }
0xb5: {  	s19 =	sshrl.u32 s19, $0x3;
	s20 =	spop (v2sf);
	(v2sf) =	vpush v1, $0xF  }
0xb6: {  	s31 =	sadd.s32 $0x780, s18;
	s19 =	sadd.s32 s3, s19;
	s21 =	spop (v2sf);
	(v2sf) =	vpush v0, $0xF  }
0xb7: {  	[tilespmem:s31], [sflag:$0x1] =	stream.linear.gather [hbm4b:s19+s2], $0x80, $0x38;
	[tilespmem:$0x8200] =	vst v63  }
0xb8: {  	s19 =	sor.u32 s21, s20  }
0xb9: {  	s23 =	spop (v2sf);
	s19 =	sshrl.u32 s19, $0x3  }
0xba: {  	s22 =	sadd.s32 $0x800, s18;
	s24 =	spop (v2sf);
	s19 =	sadd.s32 s3, s19  }
0xbb: {  	[tilespmem:s22], [sflag:$0x1] =	stream.linear.gather [hbm4b:s19+s2], $0x80, $0x38;
	[tilespmem:$0x8200] =	vst v63  }
0xbc: {  	s19 =	sor.u32 s24, s23  }
0xbd: {  	s26 =	spop (v2sf);
	s19 =	sshrl.u32 s19, $0x3  }
0xbe: {  	s25 =	sadd.s32 $0x880, s18;
	s28 =	spop (v2sf);
	s19 =	sadd.s32 s3, s19  }
0xbf: {  	[tilespmem:s25], [sflag:$0x1] =	stream.linear.gather [hbm4b:s19+s2], $0x80, $0x38;
	[tilespmem:$0x8200] =	vst v63  }
0xc0: {  	s19 =	sor.u32 s28, s26  }
0xc1: {  	s19 =	sshrl.u32 s19, $0x3  }
0xc2: {  	s29 =	sadd.s32 $0x900, s18;
	s19 =	sadd.s32 s3, s19  }
0xc3: {  	[tilespmem:s29], [sflag:$0x1] =	stream.linear.gather [hbm4b:s19+s2], $0x80, $0x38;
	[tilespmem:$0x8200] =	vst v63  }
0xc4: {  	p0 =	sne.s32 s17, $0x1E000;
	s30 =	spop (v2sf)  }
.Ltmp2:
0xc5: {  	s31 =	spop (v2sf);
	(pc) =	sbr.rel @p0 .LBB2_6-.Ltmp2, $4  }
0xc6: {  	s19 =	sor.u32 s31, s30  }
0xc7: {  	s16 =	sadd.s32 $0x10, s16;
	s19 =	sshrl.u32 s19, $0x3  }
0xc8: {  	s17 =	sadd.s32 $0x2000, s17;
	s18 =	sadd.s32 $0x980, s18;
	s19 =	sadd.s32 s3, s19  }
0xc9: {  	[tilespmem:s18], [sflag:$0x1] =	stream.linear.gather [hbm4b:s19+s2], $0x80, $0x38;
	[tilespmem:$0x8200] =	vst v63  }
0xca: {  	_ =	swait.ge [sflag:s13], $0x80  }
0xcb: {  	s16 =	simm.s32 $0xFF;
	[sflag:s13] =	ssyncset.done $0x0  }
.LBB2_8:
0xcc: {  	p0 =	sne.s32 s16, $0x1;
	s16 =	sadd.s32 $0xFFFFFFFF, s16;
	[sflag:s13] =	ssyncadd.s32 $0xFFFFFF80  }
.Ltmp3:
0xcd: {  	(pc) =	sbr.rel @p0 .LBB2_8-.Ltmp3, $3  }
0xce: {  	_ =	sdelay $0x1  }
0xcf: {  	_ =	swait.ge [sflag:s13], $0x80  }
0xd0: {  	[sflag:s13] =	ssyncset.done $0x0  }
0xd1: {  	[sflag:s13] =	ssyncadd.s32 $0xFFFFFF80;
	s16 =	simm.s32 $0x0  }
0xd2: {  	[hbm4b:s7+s16] =	stream.linear.scatter [tilespmem:s14], [sflag:$0x2], $0x8000, $0x38;
	[tilespmem:$0x8200] =	vst v63  }
0xd3: {  	_ =	swait.ge [sflag:s12], $0x8000  }
0xd4: {  	[sflag:s12] =	ssyncset.done $0x0  }
0xd5: {  	[sflag:s12] =	ssyncadd.s32 $0xFFFF8000  }
0xd6: {  	[tilespmem:s16], [sflag:$0x2] =	stream.linear.gather [hbm4b:s8+s16], $0x200, $0x38;
	[tilespmem:$0x8200] =	vst v63  }
0xd7: {  	_ =	swait.ge [sflag:s12], $0x200  }
0xd8: {  	[sflag:s12] =	ssyncset.done $0x0  }
0xd9: {  	s17 =	simm.s32 $0x0;
	[sflag:s12] =	ssyncadd.s32 $0xFFFFFE00  }
.LBB2_10:
0xda: {  	v0 =	vld [tilespmem:s16+$0x0];
	_ =	sdelay $0x4  }
0xdb: {  	v1 =	vshrl.u32 v0, $0x3  }
0xdc: {  	v0 =	vand.u32 $0x7, v0;
	v1 =	vshll.u32 v1, $0xA  }
0xdd: {  	v0 =	vshll.u32 v0, $0x7;
	(v2sf) =	vpush v1, $0x0  }
0xde: {  	(v2sf) =	vpush v0, $0x0;
	_ =	sdelay $0x2  }
0xdf: {  	(v2sf) =	vpush v1, $0x1  }
0xe0: {  	(v2sf) =	vpush v0, $0x1;
	_ =	sdelay $0x1  }
0xe1: {  	(v2sf) =	vpush v1, $0x2;
	_ =	sdelay $0x1  }
0xe2: {  	(v2sf) =	vpush v0, $0x2;
	_ =	sdelay $0x5  }
0xe3: {  	s18 =	spop (v2sf);
	(v2sf) =	vpush v1, $0x3  }
0xe4: {  	s19 =	spop (v2sf);
	(v2sf) =	vpush v0, $0x3;
	_ =	sdelay $0x2  }
0xe5: {  	s30 =	spop (v2sf);
	(v2sf) =	vpush v1, $0x4  }
0xe6: {  	s31 =	spop (v2sf);
	(v2sf) =	vpush v0, $0x4;
	_ =	sdelay $0x1  }
0xe7: {  	s22 =	spop (v2sf);
	(v2sf) =	vpush v1, $0x5;
	_ =	sdelay $0x1  }
0xe8: {  	s23 =	spop (v2sf);
	(v2sf) =	vpush v0, $0x5;
	_ =	sdelay $0x1  }
0xe9: {  	s19 =	sor.u32 s19, s18  }
0xea: {  	s18 =	sshra.s32 s17, $0x2;
	s19 =	sshrl.u32 s19, $0x3  }
0xeb: {  	s20 =	sadd.s32 $0x200, s18;
	s19 =	sadd.s32 s4, s19  }
0xec: {  	[tilespmem:s20], [sflag:$0x1] =	stream.linear.gather [hbm4b:s19+s2], $0x80, $0x38;
	[tilespmem:$0x8200] =	vst v63  }
0xed: {  	s19 =	sor.u32 s31, s30;
	s25 =	spop (v2sf);
	(v2sf) =	vpush v1, $0x6  }
0xee: {  	s19 =	sshrl.u32 s19, $0x3;
	s26 =	spop (v2sf);
	(v2sf) =	vpush v0, $0x6  }
0xef: {  	s21 =	sadd.s32 $0x280, s18;
	s19 =	sadd.s32 s4, s19  }
0xf0: {  	[tilespmem:s21], [sflag:$0x1] =	stream.linear.gather [hbm4b:s19+s2], $0x80, $0x38;
	[tilespmem:$0x8200] =	vst v63  }
0xf1: {  	s29 =	spop (v2sf);
	(v2sf) =	vpush v1, $0x7  }
0xf2: {  	s19 =	sor.u32 s23, s22;
	s30 =	spop (v2sf);
	(v2sf) =	vpush v0, $0x7  }
0xf3: {  	s19 =	sshrl.u32 s19, $0x3  }
0xf4: {  	s24 =	sadd.s32 $0x300, s18;
	s19 =	sadd.s32 s4, s19;
	s20 =	spop (v2sf);
	(v2sf) =	vpush v1, $0x8  }
0xf5: {  	[tilespmem:s24], [sflag:$0x1] =	stream.linear.gather [hbm4b:s19+s2], $0x80, $0x38;
	[tilespmem:$0x8200] =	vst v63  }
0xf6: {  	s21 =	spop (v2sf);
	(v2sf) =	vpush v0, $0x8  }
0xf7: {  	s19 =	sor.u32 s26, s25  }
0xf8: {  	s19 =	sshrl.u32 s19, $0x3  }
0xf9: {  	s28 =	sadd.s32 $0x380, s18;
	s19 =	sadd.s32 s4, s19  }
0xfa: {  	[tilespmem:s28], [sflag:$0x1] =	stream.linear.gather [hbm4b:s19+s2], $0x80, $0x38;
	[tilespmem:$0x8200] =	vst v63  }
0xfb: {  	s19 =	sor.u32 s30, s29  }
0xfc: {  	s19 =	sshrl.u32 s19, $0x3;
	s23 =	spop (v2sf);
	(v2sf) =	vpush v1, $0x9  }
0xfd: {  	s31 =	sadd.s32 $0x400, s18;
	s19 =	sadd.s32 s4, s19;
	s24 =	spop (v2sf);
	(v2sf) =	vpush v0, $0x9  }
0xfe: {  	[tilespmem:s31], [sflag:$0x1] =	stream.linear.gather [hbm4b:s19+s2], $0x80, $0x38;
	[tilespmem:$0x8200] =	vst v63  }
0xff: {  	s19 =	sor.u32 s21, s20  }
0x100: {  	s19 =	sshrl.u32 s19, $0x3;
	s26 =	spop (v2sf);
	(v2sf) =	vpush v1, $0xA  }
0x101: {  	s22 =	sadd.s32 $0x480, s18;
	s19 =	sadd.s32 s4, s19;
	s28 =	spop (v2sf);
	(v2sf) =	vpush v0, $0xA  }
0x102: {  	[tilespmem:s22], [sflag:$0x1] =	stream.linear.gather [hbm4b:s19+s2], $0x80, $0x38;
	[tilespmem:$0x8200] =	vst v63  }
0x103: {  	s19 =	sor.u32 s24, s23;
	s30 =	spop (v2sf);
	(v2sf) =	vpush v1, $0xB  }
0x104: {  	s19 =	sshrl.u32 s19, $0x3  }
0x105: {  	s25 =	sadd.s32 $0x500, s18;
	s19 =	sadd.s32 s4, s19;
	s31 =	spop (v2sf);
	(v2sf) =	vpush v0, $0xB  }
0x106: {  	[tilespmem:s25], [sflag:$0x1] =	stream.linear.gather [hbm4b:s19+s2], $0x80, $0x38;
	[tilespmem:$0x8200] =	vst v63  }
0x107: {  	s19 =	sor.u32 s28, s26  }
0x108: {  	s19 =	sshrl.u32 s19, $0x3  }
0x109: {  	s29 =	sadd.s32 $0x580, s18;
	s19 =	sadd.s32 s4, s19  }
0x10a: {  	[tilespmem:s29], [sflag:$0x1] =	stream.linear.gather [hbm4b:s19+s2], $0x80, $0x38;
	[tilespmem:$0x8200] =	vst v63  }
0x10b: {  	s19 =	sor.u32 s31, s30;
	s22 =	spop (v2sf);
	(v2sf) =	vpush v1, $0xC  }
0x10c: {  	s19 =	sshrl.u32 s19, $0x3;
	s23 =	spop (v2sf);
	(v2sf) =	vpush v0, $0xC  }
0x10d: {  	s21 =	sadd.s32 $0x600, s18;
	s19 =	sadd.s32 s4, s19  }
0x10e: {  	[tilespmem:s21], [sflag:$0x1] =	stream.linear.gather [hbm4b:s19+s2], $0x80, $0x38;
	[tilespmem:$0x8200] =	vst v63  }
0x10f: {  	s25 =	spop (v2sf);
	(v2sf) =	vpush v1, $0xD  }
0x110: {  	s19 =	sor.u32 s23, s22;
	s26 =	spop (v2sf);
	(v2sf) =	vpush v0, $0xD  }
0x111: {  	s19 =	sshrl.u32 s19, $0x3  }
0x112: {  	s24 =	sadd.s32 $0x680, s18;
	s19 =	sadd.s32 s4, s19;
	s29 =	spop (v2sf)  }
0x113: {  	(v2sf) =	vpush v1, $0xE;
	[tilespmem:s24], [sflag:$0x1] =	stream.linear.gather [hbm4b:s19+s2], $0x80, $0x38;
	[tilespmem:$0x8200] =	vst v63  }
0x114: {  	s30 =	spop (v2sf);
	(v2sf) =	vpush v0, $0xE  }
0x115: {  	s19 =	sor.u32 s26, s25  }
0x116: {  	s19 =	sshrl.u32 s19, $0x3  }
0x117: {  	s28 =	sadd.s32 $0x700, s18;
	s19 =	sadd.s32 s4, s19  }
0x118: {  	[tilespmem:s28], [sflag:$0x1] =	stream.linear.gather [hbm4b:s19+s2], $0x80, $0x38;
	[tilespmem:$0x8200] =	vst v63  }
0x119: {  	s19 =	sor.u32 s30, s29  }
0x11a: {  	s19 =	sshrl.u32 s19, $0x3;
	s20 =	spop (v2sf);
	(v2sf) =	vpush v1, $0xF  }
0x11b: {  	s31 =	sadd.s32 $0x780, s18;
	s19 =	sadd.s32 s4, s19;
	s21 =	spop (v2sf);
	(v2sf) =	vpush v0, $0xF  }
0x11c: {  	[tilespmem:s31], [sflag:$0x1] =	stream.linear.gather [hbm4b:s19+s2], $0x80, $0x38;
	[tilespmem:$0x8200] =	vst v63  }
0x11d: {  	s19 =	sor.u32 s21, s20  }
0x11e: {  	s23 =	spop (v2sf);
	s19 =	sshrl.u32 s19, $0x3  }
0x11f: {  	s22 =	sadd.s32 $0x800, s18;
	s24 =	spop (v2sf);
	s19 =	sadd.s32 s4, s19  }
0x120: {  	[tilespmem:s22], [sflag:$0x1] =	stream.linear.gather [hbm4b:s19+s2], $0x80, $0x38;
	[tilespmem:$0x8200] =	vst v63  }
0x121: {  	s19 =	sor.u32 s24, s23  }
0x122: {  	s26 =	spop (v2sf);
	s19 =	sshrl.u32 s19, $0x3  }
0x123: {  	s25 =	sadd.s32 $0x880, s18;
	s28 =	spop (v2sf);
	s19 =	sadd.s32 s4, s19  }
0x124: {  	[tilespmem:s25], [sflag:$0x1] =	stream.linear.gather [hbm4b:s19+s2], $0x80, $0x38;
	[tilespmem:$0x8200] =	vst v63  }
0x125: {  	s19 =	sor.u32 s28, s26  }
0x126: {  	s19 =	sshrl.u32 s19, $0x3  }
0x127: {  	s29 =	sadd.s32 $0x900, s18;
	s19 =	sadd.s32 s4, s19  }
0x128: {  	[tilespmem:s29], [sflag:$0x1] =	stream.linear.gather [hbm4b:s19+s2], $0x80, $0x38;
	[tilespmem:$0x8200] =	vst v63  }
0x129: {  	p0 =	sne.s32 s17, $0x1E000;
	s30 =	spop (v2sf)  }
.Ltmp4:
0x12a: {  	s31 =	spop (v2sf);
	(pc) =	sbr.rel @p0 .LBB2_10-.Ltmp4, $4  }
0x12b: {  	s19 =	sor.u32 s31, s30  }
0x12c: {  	s16 =	sadd.s32 $0x10, s16;
	s19 =	sshrl.u32 s19, $0x3  }
0x12d: {  	s17 =	sadd.s32 $0x2000, s17;
	s18 =	sadd.s32 $0x980, s18;
	s19 =	sadd.s32 s4, s19  }
0x12e: {  	[tilespmem:s18], [sflag:$0x1] =	stream.linear.gather [hbm4b:s19+s2], $0x80, $0x38;
	[tilespmem:$0x8200] =	vst v63  }
0x12f: {  	_ =	swait.ge [sflag:s13], $0x80  }
0x130: {  	s16 =	simm.s32 $0xFF;
	[sflag:s13] =	ssyncset.done $0x0  }
.LBB2_12:
0x131: {  	p0 =	sne.s32 s16, $0x1;
	s16 =	sadd.s32 $0xFFFFFFFF, s16;
	[sflag:s13] =	ssyncadd.s32 $0xFFFFFF80  }
.Ltmp5:
0x132: {  	(pc) =	sbr.rel @p0 .LBB2_12-.Ltmp5, $3  }
0x133: {  	_ =	sdelay $0x1  }
0x134: {  	_ =	swait.ge [sflag:s13], $0x80  }
0x135: {  	[sflag:s13] =	ssyncset.done $0x0  }
0x136: {  	[sflag:s13] =	ssyncadd.s32 $0xFFFFFF80;
	s16 =	simm.s32 $0x0  }
0x137: {  	[hbm4b:s9+s16] =	stream.linear.scatter [tilespmem:s14], [sflag:$0x2], $0x8000, $0x38;
	[tilespmem:$0x8200] =	vst v63  }
0x138: {  	_ =	swait.ge [sflag:s12], $0x8000  }
0x139: {  	[sflag:s12] =	ssyncset.done $0x0  }
0x13a: {  	s17 =	simm.s32 $0x0;
	[sflag:s12] =	ssyncadd.s32 $0xFFFF8000  }
.LBB2_14:
0x13b: {  	s18 =	sand.u32 $0xF0, s16  }
0x13c: {  	v0 =	vld [tilespmem:s18+$0x100];
	_ =	sdelay $0x4  }
0x13d: {  	v1 =	vshrl.u32 v0, $0x3  }
0x13e: {  	v0 =	vand.u32 $0x7, v0;
	v1 =	vshll.u32 v1, $0xA  }
0x13f: {  	v0 =	vshll.u32 v0, $0x7;
	(v2sf) =	vpush v1, $0x0  }
0x140: {  	(v2sf) =	vpush v0, $0x0;
	_ =	sdelay $0x2  }
0x141: {  	(v2sf) =	vpush v1, $0x1  }
0x142: {  	(v2sf) =	vpush v0, $0x1;
	_ =	sdelay $0x1  }
0x143: {  	(v2sf) =	vpush v1, $0x2;
	_ =	sdelay $0x1  }
0x144: {  	(v2sf) =	vpush v0, $0x2;
	_ =	sdelay $0x5  }
0x145: {  	s29 =	spop (v2sf);
	(v2sf) =	vpush v1, $0x3  }
0x146: {  	s19 =	spop (v2sf);
	(v2sf) =	vpush v0, $0x3;
	_ =	sdelay $0x2  }
0x147: {  	s30 =	spop (v2sf);
	(v2sf) =	vpush v1, $0x4  }
0x148: {  	s31 =	spop (v2sf);
	(v2sf) =	vpush v0, $0x4;
	_ =	sdelay $0x1  }
0x149: {  	s22 =	spop (v2sf);
	(v2sf) =	vpush v1, $0x5;
	_ =	sdelay $0x1  }
0x14a: {  	s23 =	spop (v2sf);
	(v2sf) =	vpush v0, $0x5;
	_ =	sdelay $0x1  }
0x14b: {  	s19 =	sor.u32 s19, s29  }
0x14c: {  	s18 =	sshra.s32 s17, $0x2;
	s19 =	sshrl.u32 s19, $0x3  }
0x14d: {  	s20 =	sadd.s32 $0x200, s18;
	s19 =	sadd.s32 s4, s19  }
0x14e: {  	[tilespmem:s20], [sflag:$0x1] =	stream.linear.gather [hbm4b:s19+s2], $0x80, $0x38;
	[tilespmem:$0x8200] =	vst v63  }
0x14f: {  	s19 =	sor.u32 s31, s30;
	s25 =	spop (v2sf);
	(v2sf) =	vpush v1, $0x6  }
0x150: {  	s19 =	sshrl.u32 s19, $0x3;
	s26 =	spop (v2sf);
	(v2sf) =	vpush v0, $0x6  }
0x151: {  	s21 =	sadd.s32 $0x280, s18;
	s19 =	sadd.s32 s4, s19  }
0x152: {  	[tilespmem:s21], [sflag:$0x1] =	stream.linear.gather [hbm4b:s19+s2], $0x80, $0x38;
	[tilespmem:$0x8200] =	vst v63  }
0x153: {  	s29 =	spop (v2sf);
	(v2sf) =	vpush v1, $0x7  }
0x154: {  	s19 =	sor.u32 s23, s22;
	s30 =	spop (v2sf);
	(v2sf) =	vpush v0, $0x7  }
0x155: {  	s19 =	sshrl.u32 s19, $0x3  }
0x156: {  	s24 =	sadd.s32 $0x300, s18;
	s19 =	sadd.s32 s4, s19;
	s20 =	spop (v2sf);
	(v2sf) =	vpush v1, $0x8  }
0x157: {  	[tilespmem:s24], [sflag:$0x1] =	stream.linear.gather [hbm4b:s19+s2], $0x80, $0x38;
	[tilespmem:$0x8200] =	vst v63  }
0x158: {  	s21 =	spop (v2sf);
	(v2sf) =	vpush v0, $0x8  }
0x159: {  	s19 =	sor.u32 s26, s25  }
0x15a: {  	s19 =	sshrl.u32 s19, $0x3  }
0x15b: {  	s28 =	sadd.s32 $0x380, s18;
	s19 =	sadd.s32 s4, s19  }
0x15c: {  	[tilespmem:s28], [sflag:$0x1] =	stream.linear.gather [hbm4b:s19+s2], $0x80, $0x38;
	[tilespmem:$0x8200] =	vst v63  }
0x15d: {  	s19 =	sor.u32 s30, s29  }
0x15e: {  	s19 =	sshrl.u32 s19, $0x3;
	s23 =	spop (v2sf);
	(v2sf) =	vpush v1, $0x9  }
0x15f: {  	s31 =	sadd.s32 $0x400, s18;
	s19 =	sadd.s32 s4, s19;
	s24 =	spop (v2sf);
	(v2sf) =	vpush v0, $0x9  }
0x160: {  	[tilespmem:s31], [sflag:$0x1] =	stream.linear.gather [hbm4b:s19+s2], $0x80, $0x38;
	[tilespmem:$0x8200] =	vst v63  }
0x161: {  	s19 =	sor.u32 s21, s20  }
0x162: {  	s19 =	sshrl.u32 s19, $0x3;
	s26 =	spop (v2sf);
	(v2sf) =	vpush v1, $0xA  }
0x163: {  	s22 =	sadd.s32 $0x480, s18;
	s19 =	sadd.s32 s4, s19;
	s28 =	spop (v2sf);
	(v2sf) =	vpush v0, $0xA  }
0x164: {  	[tilespmem:s22], [sflag:$0x1] =	stream.linear.gather [hbm4b:s19+s2], $0x80, $0x38;
	[tilespmem:$0x8200] =	vst v63  }
0x165: {  	s19 =	sor.u32 s24, s23;
	s30 =	spop (v2sf);
	(v2sf) =	vpush v1, $0xB  }
0x166: {  	s19 =	sshrl.u32 s19, $0x3  }
0x167: {  	s25 =	sadd.s32 $0x500, s18;
	s19 =	sadd.s32 s4, s19;
	s31 =	spop (v2sf);
	(v2sf) =	vpush v0, $0xB  }
0x168: {  	[tilespmem:s25], [sflag:$0x1] =	stream.linear.gather [hbm4b:s19+s2], $0x80, $0x38;
	[tilespmem:$0x8200] =	vst v63  }
0x169: {  	s19 =	sor.u32 s28, s26  }
0x16a: {  	s19 =	sshrl.u32 s19, $0x3  }
0x16b: {  	s29 =	sadd.s32 $0x580, s18;
	s19 =	sadd.s32 s4, s19  }
0x16c: {  	[tilespmem:s29], [sflag:$0x1] =	stream.linear.gather [hbm4b:s19+s2], $0x80, $0x38;
	[tilespmem:$0x8200] =	vst v63  }
0x16d: {  	s19 =	sor.u32 s31, s30;
	s22 =	spop (v2sf);
	(v2sf) =	vpush v1, $0xC  }
0x16e: {  	s19 =	sshrl.u32 s19, $0x3;
	s23 =	spop (v2sf);
	(v2sf) =	vpush v0, $0xC  }
0x16f: {  	s21 =	sadd.s32 $0x600, s18;
	s19 =	sadd.s32 s4, s19  }
0x170: {  	[tilespmem:s21], [sflag:$0x1] =	stream.linear.gather [hbm4b:s19+s2], $0x80, $0x38;
	[tilespmem:$0x8200] =	vst v63  }
0x171: {  	s25 =	spop (v2sf);
	(v2sf) =	vpush v1, $0xD  }
0x172: {  	s19 =	sor.u32 s23, s22;
	s26 =	spop (v2sf);
	(v2sf) =	vpush v0, $0xD  }
0x173: {  	s19 =	sshrl.u32 s19, $0x3  }
0x174: {  	s24 =	sadd.s32 $0x680, s18;
	s19 =	sadd.s32 s4, s19;
	s29 =	spop (v2sf)  }
0x175: {  	(v2sf) =	vpush v1, $0xE;
	[tilespmem:s24], [sflag:$0x1] =	stream.linear.gather [hbm4b:s19+s2], $0x80, $0x38;
	[tilespmem:$0x8200] =	vst v63  }
0x176: {  	s30 =	spop (v2sf);
	(v2sf) =	vpush v0, $0xE  }
0x177: {  	s19 =	sor.u32 s26, s25  }
0x178: {  	s19 =	sshrl.u32 s19, $0x3  }
0x179: {  	s28 =	sadd.s32 $0x700, s18;
	s19 =	sadd.s32 s4, s19  }
0x17a: {  	[tilespmem:s28], [sflag:$0x1] =	stream.linear.gather [hbm4b:s19+s2], $0x80, $0x38;
	[tilespmem:$0x8200] =	vst v63  }
0x17b: {  	s19 =	sor.u32 s30, s29  }
0x17c: {  	s19 =	sshrl.u32 s19, $0x3;
	s20 =	spop (v2sf);
	(v2sf) =	vpush v1, $0xF  }
0x17d: {  	s31 =	sadd.s32 $0x780, s18;
	s19 =	sadd.s32 s4, s19;
	s21 =	spop (v2sf);
	(v2sf) =	vpush v0, $0xF  }
0x17e: {  	[tilespmem:s31], [sflag:$0x1] =	stream.linear.gather [hbm4b:s19+s2], $0x80, $0x38;
	[tilespmem:$0x8200] =	vst v63  }
0x17f: {  	s19 =	sor.u32 s21, s20  }
0x180: {  	s23 =	spop (v2sf);
	s19 =	sshrl.u32 s19, $0x3  }
0x181: {  	s22 =	sadd.s32 $0x800, s18;
	s24 =	spop (v2sf);
	s19 =	sadd.s32 s4, s19  }
0x182: {  	[tilespmem:s22], [sflag:$0x1] =	stream.linear.gather [hbm4b:s19+s2], $0x80, $0x38;
	[tilespmem:$0x8200] =	vst v63  }
0x183: {  	s19 =	sor.u32 s24, s23  }
0x184: {  	s26 =	spop (v2sf);
	s19 =	sshrl.u32 s19, $0x3  }
0x185: {  	s25 =	sadd.s32 $0x880, s18;
	s28 =	spop (v2sf);
	s19 =	sadd.s32 s4, s19  }
0x186: {  	[tilespmem:s25], [sflag:$0x1] =	stream.linear.gather [hbm4b:s19+s2], $0x80, $0x38;
	[tilespmem:$0x8200] =	vst v63  }
0x187: {  	s19 =	sor.u32 s28, s26  }
0x188: {  	s19 =	sshrl.u32 s19, $0x3  }
0x189: {  	s29 =	sadd.s32 $0x900, s18;
	s19 =	sadd.s32 s4, s19  }
0x18a: {  	[tilespmem:s29], [sflag:$0x1] =	stream.linear.gather [hbm4b:s19+s2], $0x80, $0x38;
	[tilespmem:$0x8200] =	vst v63  }
0x18b: {  	p0 =	sne.s32 s17, $0x1E000;
	s30 =	spop (v2sf)  }
.Ltmp6:
0x18c: {  	s31 =	spop (v2sf);
	(pc) =	sbr.rel @p0 .LBB2_14-.Ltmp6, $4  }
0x18d: {  	s19 =	sor.u32 s31, s30  }
0x18e: {  	s16 =	sadd.s32 $0x10, s16;
	s19 =	sshrl.u32 s19, $0x3  }
0x18f: {  	s17 =	sadd.s32 $0x2000, s17;
	s18 =	sadd.s32 $0x980, s18;
	s19 =	sadd.s32 s4, s19  }
0x190: {  	[tilespmem:s18], [sflag:$0x1] =	stream.linear.gather [hbm4b:s19+s2], $0x80, $0x38;
	[tilespmem:$0x8200] =	vst v63  }
0x191: {  	_ =	swait.ge [sflag:s13], $0x80  }
0x192: {  	s16 =	simm.s32 $0xFF;
	[sflag:s13] =	ssyncset.done $0x0  }
.LBB2_16:
0x193: {  	p0 =	sne.s32 s16, $0x1;
	s16 =	sadd.s32 $0xFFFFFFFF, s16;
	[sflag:s13] =	ssyncadd.s32 $0xFFFFFF80  }
.Ltmp7:
0x194: {  	(pc) =	sbr.rel @p0 .LBB2_16-.Ltmp7, $3  }
0x195: {  	_ =	sdelay $0x1  }
0x196: {  	_ =	swait.ge [sflag:s13], $0x80  }
0x197: {  	[sflag:s13] =	ssyncset.done $0x0  }
0x198: {  	s15 =	sadd.s32 $0x1, s15  }
0x199: {  	p0 =	sne.s32 s15, s11  }
.Ltmp8:
0x19a: {  	[sflag:s13] =	ssyncadd.s32 $0xFFFFFF80;
	(pc) =	sbr.rel @p0 .LBB2_1-.Ltmp8, $4  }
0x19b: {  	[hbm4b:s10+s2] =	stream.linear.scatter [tilespmem:s14], [sflag:$0x2], $0x8000, $0x38;
	[tilespmem:$0x8200] =	vst v63  }
0x19c: {  	_ =	swait.ge [sflag:s12], $0x8000  }
0x19d: {  	[sflag:s12] =	ssyncset.done $0x0  }
0x19e: {  	[sflag:s12] =	ssyncadd.s32 $0xFFFF8000  }
0x19f: {  	_ =	sfence.sel $0x180000  }
0x1a0: {  	[bflag:$0x0] =	sbarrier.arrive $0xFFFF  }
0x1a1: {  	p0 =	sne.s32 s1, $0x0;
	_ =	strace $0x90000047  }
0x1a2: {  	s0 =	sadd.s32 @!p0 $0x100000, s0;
	[bflag:$0x2] =	sbarrier.arrive $0xFFFF  }
0x1a3: {  	[sflag:s0] =	ssyncadd.tile.s32 @!p0 $0x1;
	_ =	shalt  }
.Lfunc_end2:
_tile_overlayer_lowered:
.L_overlay_start_2:
0x1a4: {  	(tag) =	ssettag $0x2  }
0x1a5: {  	s0 =	rddreg [dreg:$0x0];
	s2 =	stileid.u32  }
0x1a6: {  	s1 =	rddreg [dreg:$0x1];
	p0 =	sne.s32 s2, $0x0  }
0x1a7: {  	s3 =	rddreg [dreg:$0x2];
	[bflag:$0x3] =	sbarrier.arrive $0xFFFF;
	s2 =	simm.s32 @!p0 $0x1C02  }
0x1a8: {  	[timem:s3], [sflag:s2] =	dma.local @!p0 [hbm:s0], s1  }
0x1a9: {  	s0 =	simm.s32 @!p0 $0x2  }
0x1aa: {  	_ =	swait.ge @!p0 [sflag:s0], s1  }
0x1ab: {  	s1 =	ssub.s32 @!p0 $0x0, s1;
	[sflag:s0] =	ssyncset.done @!p0 $0x0  }
0x1ac: {  	[sflag:s0] =	ssyncadd.s32 @!p0 s1  }
0x1ad: {  	[bflag:$0x3] =	sbarrier.arrive $0xFFFF  }
0x1ae: {  	_ =	shalt  }

</sc_bundles>
